<compile_context>
chip_gen: v7x
topology: tpu7x:2x2x1
jax: 0.10.2.dev20260603
libtpu: 0.0.44.dev20260713+nightly
codegen_flags: <defaults>
</compile_context>

<pallas_src>
import functools

import jax
import jax.numpy as jnp
from jax import lax
from jax.experimental import pallas as pl
from jax.experimental.pallas import tpu as pltpu
from jax.experimental.pallas import tpu_sc as plsc

D = 128
G = 64
MAX_DIS = 5
RB = 256
NW = 32
CHUNK = 128
NSUB = 16


NBUF = 2
PIECE = 8
C0_FRAC = 0.95


def _make_sc_agg(npad, total_chunks, c0):
    rows_per_tile = npad // NSUB
    c1 = total_chunks // NSUB - c0
    assert c0 % PIECE == 0 and c1 % PIECE == 0 and PIECE % NBUF == 0
    mesh = plsc.VectorSubcoreMesh(core_axis_name="c", subcore_axis_name="s")

    @functools.partial(
        pl.kernel,
        mesh=mesh,
        out_type=jax.ShapeDtypeStruct((2, npad, D), jnp.float32),
        scratch_types=[
            pltpu.VMEM((PIECE, CHUNK), jnp.int32),
            pltpu.VMEM((PIECE, CHUNK), jnp.int32),
            pltpu.VMEM((CHUNK, D), jnp.float32),
            pltpu.VMEM((CHUNK, D), jnp.float32),
            pltpu.VMEM_SHARED((npad, D), jnp.float32),
            pltpu.SemaphoreType.DMA,
            pltpu.SemaphoreType.DMA,
        ],
    )
    def sc_agg(m_hbm, src_hbm, dst_hbm, zeros_hbm, out_hbm,
               src_v, dst_v, b0, b1, agg, g0, g1):
        bufs = [b0, b1]
        gsems = [g0, g1]
        cid = lax.axis_index("c")
        sid = lax.axis_index("s")
        base = sid * rows_per_tile
        pltpu.sync_copy(zeros_hbm, agg.at[pl.ds(base, rows_per_tile)])
        plsc.subcore_barrier()

        mycount = c0 + cid * (c1 - c0)
        cbase = cid * NSUB * c0 + sid * mycount

        def piece_body(p, carry):
            off = cbase + p * PIECE
            pltpu.sync_copy(src_hbm.at[pl.ds(off, PIECE)], src_v)
            pltpu.sync_copy(dst_hbm.at[pl.ds(off, PIECE)], dst_v)

            for b in range(NBUF):
                pltpu.async_copy(m_hbm.at[src_v.at[b]], bufs[b], gsems[b])

            def body(i, carry2):
                j0 = i * NBUF
                for b in range(NBUF):
                    jn = j0 + b + NBUF
                    pltpu.make_async_copy(
                        m_hbm.at[src_v.at[j0 + b]], bufs[b], gsems[b]).wait()
                    pltpu.sync_copy(bufs[b], agg.at[dst_v.at[j0 + b]],
                                    add=True)

                    @pl.when(jn < PIECE)
                    def _():
                        pltpu.async_copy(m_hbm.at[src_v.at[jn]], bufs[b],
                                         gsems[b])
                return carry2

            lax.fori_loop(0, PIECE // NBUF, body, 0)
            return carry

        lax.fori_loop(0, mycount // PIECE, piece_body, 0)

        plsc.subcore_barrier()
        pltpu.sync_copy(agg.at[pl.ds(base, rows_per_tile)],
                        out_hbm.at[cid, pl.ds(base, rows_per_tile)])

    return sc_agg


def _embed_body(d_ref, b_ref, emb_ref, wl_ref, bl_ref,
                x_ref, m_ref, cnt_ref):
    i = pl.program_id(0)
    dd = jnp.clip(d_ref[0, 0, :], 0, MAX_DIS)
    oh = (lax.broadcasted_iota(jnp.int32, (RB, 8), 1) == dd[:, None])
    x = jnp.dot(oh.astype(jnp.float32), emb_ref[...],
                preferred_element_type=jnp.float32, precision=lax.Precision.HIGHEST)
    x_ref[...] = x
    m_ref[...] = jnp.maximum(
        jnp.dot(x, wl_ref[...], preferred_element_type=jnp.float32)
        + bl_ref[...], 0.0)
    bb = b_ref[0, 0, :]
    bsel = (lax.broadcasted_iota(jnp.int32, (G, RB), 0) == bb[None, :])
    cnt = jnp.dot(bsel.astype(jnp.float32), jnp.ones((RB, D), jnp.float32),
                  preferred_element_type=jnp.float32, precision=lax.Precision.HIGHEST)

    @pl.when(i == 0)
    def _():
        cnt_ref[...] = cnt

    @pl.when(i > 0)
    def _():
        cnt_ref[...] += cnt


def _gin_update(x_ref, a0_ref, a1_ref, eps_ref, wi_ref, bi_ref,
                wo_ref, bo_ref):
    h = x_ref[...] * (1.0 + eps_ref[0, 0]) + a0_ref[...] + a1_ref[...]
    t = jnp.maximum(
        jnp.dot(h, wi_ref[...], preferred_element_type=jnp.float32)
        + bi_ref[...], 0.0)
    h2 = jnp.dot(t, wo_ref[...], preferred_element_type=jnp.float32) \
        + bo_ref[...]
    return jnp.maximum(h2, 0.0)


def _pool_accum(i, nblk, xn, b_ref, cnt_ref, hm_ref):
    bb = b_ref[0, 0, :]
    bsel = (lax.broadcasted_iota(jnp.int32, (G, RB), 0) == bb[None, :])
    contrib = jnp.dot(bsel.astype(jnp.float32), xn,
                      preferred_element_type=jnp.float32, precision=lax.Precision.HIGHEST)

    @pl.when(i == 0)
    def _():
        hm_ref[...] = contrib

    @pl.when(i > 0)
    def _():
        hm_ref[...] += contrib

    @pl.when(i == nblk - 1)
    def _():
        hm_ref[...] = hm_ref[...] / jnp.maximum(cnt_ref[...], 1.0)


def _mid_body(nblk, x_ref, a0_ref, a1_ref, b_ref, cnt_ref, eps_ref,
              wi_ref, bi_ref, wo_ref, bo_ref, wn_ref, bn_ref,
              xn_ref, mn_ref, hm_ref):
    i = pl.program_id(0)
    xn = _gin_update(x_ref, a0_ref, a1_ref, eps_ref, wi_ref, bi_ref,
                     wo_ref, bo_ref)
    xn_ref[...] = xn
    mn_ref[...] = jnp.maximum(
        jnp.dot(xn, wn_ref[...], preferred_element_type=jnp.float32)
        + bn_ref[...], 0.0)
    _pool_accum(i, nblk, xn, b_ref, cnt_ref, hm_ref)


def _last_body(nblk, x_ref, a0_ref, a1_ref, b_ref, cnt_ref, eps_ref,
               wi_ref, bi_ref, wo_ref, bo_ref, wp1_ref, bp1_ref,
               wp2_ref, bp2_ref, xn_ref, pred_ref, hm_ref):
    i = pl.program_id(0)
    xn = _gin_update(x_ref, a0_ref, a1_ref, eps_ref, wi_ref, bi_ref,
                     wo_ref, bo_ref)
    xn_ref[...] = xn
    p = jnp.maximum(
        jnp.dot(xn, wp1_ref[...], preferred_element_type=jnp.float32)
        + bp1_ref[...], 0.0)
    pred_ref[...] = jnp.dot(p, wp2_ref[...],
                            preferred_element_type=jnp.float32) + bp2_ref[...]
    _pool_accum(i, nblk, xn, b_ref, cnt_ref, hm_ref)


def _full_spec(shape):
    return pl.BlockSpec(shape, lambda i: (0,) * len(shape))


def _row_spec():
    return pl.BlockSpec((RB, D), lambda i: (i, 0))


def _idx_spec():
    return pl.BlockSpec((1, 1, RB), lambda i: (i, 0, 0))


def kernel(d, index_vL, batch_vec, embed_d, layers, Wp1, bp1, Wp2, bp2):
    n = d.shape[0]
    e = index_vL.shape[1]
    nblk = (n + RB - 1) // RB
    npad = nblk * RB
    total_chunks = (e + CHUNK - 1) // CHUNK
    total_chunks += (-total_chunks) % (NSUB * 2 * PIECE)
    c0 = int(round(C0_FRAC * (total_chunks // NSUB) / PIECE)) * PIECE
    c0 = max(PIECE, min(total_chunks // NSUB - PIECE, c0))
    epad = CHUNK * total_chunks

    f32 = jnp.float32
    d_p = jnp.concatenate([d.astype(jnp.int32),
                           jnp.zeros((npad - n,), jnp.int32)])
    d3 = d_p.reshape(nblk, 1, RB)
    b_p = jnp.concatenate([batch_vec.astype(jnp.int32),
                           jnp.full((npad - n,), G, jnp.int32)])
    b3 = b_p.reshape(nblk, 1, RB)
    dst = index_vL[0].astype(jnp.int32)
    src = index_vL[1].astype(jnp.int32)
    src3 = jnp.concatenate([src, jnp.zeros((epad - e,), jnp.int32)]
                           ).reshape(total_chunks, CHUNK)
    dst3 = jnp.concatenate([dst, jnp.full((epad - e,), n, jnp.int32)]
                           ).reshape(total_chunks, CHUNK)
    emb_pad = jnp.zeros((8, D), f32).at[:MAX_DIS + 1].set(embed_d)
    zeros_hbm = jnp.zeros((npad // NSUB, D), f32)

    grid = (nblk,)
    row_out = jax.ShapeDtypeStruct((npad, D), f32)
    hm_out = jax.ShapeDtypeStruct((G, D), f32)

    x, m, counts = pl.pallas_call(
        _embed_body,
        grid=grid,
        in_specs=[_idx_spec(), _idx_spec(), _full_spec((8, D)),
                  _full_spec((D, D)), _full_spec((1, D))],
        out_specs=[_row_spec(), _row_spec(), _full_spec((G, D))],
        out_shape=[row_out, row_out, hm_out],
    )(d3, b3, emb_pad, layers[0]['Wl'], layers[0]['bl'].reshape(1, D))

    sc_agg = _make_sc_agg(npad, total_chunks, c0)

    mid_specs = [_row_spec(), _row_spec(), _row_spec(), _idx_spec(),
                 _full_spec((G, D)), _full_spec((1, 1)),
                 _full_spec((D, D)), _full_spec((1, D)),
                 _full_spec((D, D)), _full_spec((1, D))]

    h_means = []
    pred = None
    for li in range(len(layers)):
        lp = layers[li]
        parts = sc_agg(m, src3, dst3, zeros_hbm)
        a0, a1 = parts[0], parts[1]
        eps = lp['eps'].reshape(1, 1)
        if li + 1 < len(layers):
            nxt = layers[li + 1]
            x, m, hm = pl.pallas_call(
                functools.partial(_mid_body, nblk),
                grid=grid,
                in_specs=mid_specs + [_full_spec((D, D)), _full_spec((1, D))],
                out_specs=[_row_spec(), _row_spec(), _full_spec((G, D))],
                out_shape=[row_out, row_out, hm_out],
            )(x, a0, a1, b3, counts, eps,
              lp['Wi'], lp['bi'].reshape(1, D),
              lp['Wo'], lp['bo'].reshape(1, D),
              nxt['Wl'], nxt['bl'].reshape(1, D))
        else:
            wp2_pad = jnp.zeros((2 * D, D), f32).at[:, :1].set(Wp2)
            bp2_pad = jnp.zeros((1, D), f32).at[0, 0].set(bp2[0])
            x, pred, hm = pl.pallas_call(
                functools.partial(_last_body, nblk),
                grid=grid,
                in_specs=mid_specs + [_full_spec((D, 2 * D)),
                                      _full_spec((1, 2 * D)),
                                      _full_spec((2 * D, D)),
                                      _full_spec((1, D))],
                out_specs=[_row_spec(), _row_spec(), _full_spec((G, D))],
                out_shape=[row_out, row_out, hm_out],
            )(x, a0, a1, b3, counts, eps,
              lp['Wi'], lp['bi'].reshape(1, D),
              lp['Wo'], lp['bo'].reshape(1, D),
              Wp1, bp1.reshape(1, 2 * D), wp2_pad, bp2_pad)
        h_means.append(hm)

    return (pred[:n, :1], x[:n], tuple(h_means))

# --- scband reference (transcript-rebuilt; emitter-appended) ---
"""Pipeline reference for scband-gnn-62508954026571 (READ-ONLY COPY).

The authoritative reference and input builder live on the scoring server;
editing this copy changes nothing except your own understanding.
"""

import jax, jax.numpy as jnp
import numpy as np

N = 10000
E = 320000
D = 128
NUM_LAYERS = 3
MAX_DIS = 5
NUM_GRAPHS = 64


def setup_inputs(seed: int = 0) -> dict:
    key = jax.random.key(seed)
    ks = jax.random.split(key, 8 + 7 * NUM_LAYERS)
    d = jax.random.randint(ks[0], (N,), 0, 6, dtype=jnp.int64 if jax.config.jax_enable_x64 else jnp.int32)
    index_vL = jax.random.randint(ks[1], (2, E), 0, N)
    batch_vec = jnp.sort(jax.random.randint(ks[2], (N,), 0, NUM_GRAPHS))
    sc = 1.0 / np.sqrt(D)
    embed_d = jax.random.normal(ks[3], (MAX_DIS + 1, D), dtype=jnp.float32) * 0.02
    layers = []
    ki = 4
    for _ in range(NUM_LAYERS):
        lp = {
            'Wl': jax.random.normal(ks[ki], (D, D), dtype=jnp.float32) * sc,
            'bl': jnp.zeros((D,), dtype=jnp.float32),
            'eps': jnp.zeros((1,), dtype=jnp.float32),
            'Wi': jax.random.normal(ks[ki + 1], (D, D), dtype=jnp.float32) * sc,
            'bi': jnp.zeros((D,), dtype=jnp.float32),
            'Wo': jax.random.normal(ks[ki + 2], (D, D), dtype=jnp.float32) * sc,
            'bo': jnp.zeros((D,), dtype=jnp.float32),
        }
        ki += 3
        layers.append(lp)
    Wp1 = jax.random.normal(ks[ki], (D, 2 * D), dtype=jnp.float32) * sc
    bp1 = jnp.zeros((2 * D,), dtype=jnp.float32)
    Wp2 = jax.random.normal(ks[ki + 1], (2 * D, 1), dtype=jnp.float32) * (1.0 / np.sqrt(2 * D))
    bp2 = jnp.zeros((1,), dtype=jnp.float32)
    return {'d': d, 'index_vL': index_vL, 'batch_vec': batch_vec, 'embed_d': embed_d,
            'layers': layers, 'Wp1': Wp1, 'bp1': bp1, 'Wp2': Wp2, 'bp2': bp2}


def _mean_pool(x, batch_vec):
    s = jax.ops.segment_sum(x, batch_vec, num_segments=NUM_GRAPHS)
    c = jax.ops.segment_sum(jnp.ones((x.shape[0], 1), dtype=x.dtype), batch_vec, num_segments=NUM_GRAPHS)
    return s / jnp.maximum(c, 1.0)


def reference(d, index_vL, batch_vec, embed_d, layers, Wp1, bp1, Wp2, bp2):
    # NodeEmbedding: enc_a=None -> x = 0 + embed_d(clamp(d, 0, max_dis))
    x = jnp.take(embed_d, jnp.clip(d, 0, MAX_DIS), axis=0)
    dst = index_vL[0]
    src = index_vL[1]
    h_means = []
    for lp in layers:
        # L('vL') layer, gin=True, enc_e=None, bn=False
        lin = x @ lp['Wl'] + lp['bl']
        message = jax.nn.relu(jnp.take(lin, src, axis=0))
        aggregate = jnp.zeros_like(x).at[dst].add(message)
        h = x * (1.0 + lp['eps']) + aggregate
        h = jax.nn.relu(h @ lp['Wi'] + lp['bi']) @ lp['Wo'] + lp['bo']
        x = jax.nn.relu(h)  # bn=False -> Identity
        h_means.append(_mean_pool(x, batch_vec))
    # Pool, task='e': prediction = predict(x), h_graph = x
    prediction = jax.nn.relu(x @ Wp1 + bp1) @ Wp2 + bp2
    return (prediction, x, tuple(h_means))

if __name__ == "__main__":
    import jax
    _d = setup_inputs()
    print(jax.jit(kernel)(*tuple(_d.values())))

</pallas_src>

<mosaic_0001>
#map = affine_map<(d0, d1) -> (0, 0)>
#map1 = affine_map<(d0, d1) -> (0, 0, 0)>
module attributes {stable_mosaic.version = 14 : i64} {
  func.func @sc_agg(%arg0: i32, %arg1: i32, %arg2: memref<10240x128xf32, #tpu.memory_space<hbm>>, %arg3: memref<2560x128xi32, #tpu.memory_space<hbm>>, %arg4: memref<2560x128xi32, #tpu.memory_space<hbm>>, %arg5: memref<640x128xf32, #tpu.memory_space<hbm>>, %arg6: memref<2x10240x128xf32, #tpu.memory_space<hbm>>, %arg7: memref<8x128xi32, #tpu.memory_space<vmem>>, %arg8: memref<8x128xi32, #tpu.memory_space<vmem>>, %arg9: memref<128x128xf32, #tpu.memory_space<vmem>>, %arg10: memref<128x128xf32, #tpu.memory_space<vmem>>, %arg11: memref<10240x128xf32, #tpu.memory_space<vmem_shared>>, %arg12: memref<!tpu.dma_semaphore, #tpu.memory_space<semaphore_mem>>, %arg13: memref<!tpu.dma_semaphore, #tpu.memory_space<semaphore_mem>>) attributes {dimension_semantics = [#tpu.dimension_semantics<core_parallel>, #tpu.dimension_semantics<subcore_parallel>], iteration_bounds = array<i64: 2, 16>, scalar_prefetch = 0 : i64, scratch_operands = 7 : i64, tpu.core_type = #tpu.core_type<sc_vector_subcore>, window_params = [{transform_indices = #map}, {transform_indices = #map}, {transform_indices = #map}, {transform_indices = #map}, {transform_indices = #map1}]} {
    %mul3A = arith.constant 640 : i32
    %mul3A_0 = arith.muli %arg1, %mul3A : i32
    "tpu.region"() ({
      %run_scoped3A = tpu.sem_alloc : memref<!tpu.dma_semaphore, #tpu.memory_space<semaphore_mem>>
      %dma_start3A = arith.constant 0 : i32
      %dma_start3A_36 = tpu.memref_slice %arg11[%mul3A_0, %dma_start3A] : memref<10240x128xf32, #tpu.memory_space<vmem_shared>> -> memref<640x128xf32, #tpu.memory_space<vmem_shared>>
      tpu.enqueue_dma source(%arg5 : memref<640x128xf32, #tpu.memory_space<hbm>>) target(%dma_start3A_36 : memref<640x128xf32, #tpu.memory_space<vmem_shared>>) target_semaphore(%run_scoped3A : memref<!tpu.dma_semaphore, #tpu.memory_space<semaphore_mem>>)
      %dma_wait3A = arith.constant 0 : i32
      %dma_wait3A_37 = tpu.memref_slice %arg11[%mul3A_0, %dma_wait3A] : memref<10240x128xf32, #tpu.memory_space<vmem_shared>> -> memref<640x128xf32, #tpu.memory_space<vmem_shared>>
      tpu.wait_dma2 semaphore(%run_scoped3A : memref<!tpu.dma_semaphore, #tpu.memory_space<semaphore_mem>>) src(%arg5 : memref<640x128xf32, #tpu.memory_space<hbm>>) dst(%dma_wait3A_37 : memref<640x128xf32, #tpu.memory_space<vmem_shared>>)
      tpu.yield
    }) : () -> ()
    %barrier3A = arith.constant 0 : index
    tpu.barrier barrier_id(%barrier3A)
    %mul3A_1 = arith.constant -144 : i32
    %mul3A_2 = arith.muli %arg0, %mul3A_1 : i32
    %add3A = arith.constant 152 : i32
    %add3A_3 = arith.addi %add3A, %mul3A_2 : i32
    %mul3A_4 = arith.constant 16 : i32
    %mul3A_5 = arith.muli %arg0, %mul3A_4 : i32
    %mul3A_6 = arith.constant 152 : i32
    %mul3A_7 = arith.muli %mul3A_5, %mul3A_6 : i32
    %mul3A_8 = arith.muli %arg1, %add3A_3 : i32
    %add3A_9 = arith.addi %mul3A_7, %mul3A_8 : i32
    %jit3A = arith.constant 8 : i32
    %div3A = arith.divsi %add3A_3, %jit3A : i32
    %sign3A = arith.constant 0 : i32
    %sign3A_10 = arith.cmpi sgt, %add3A_3, %sign3A : i32
    %sign3A_11 = arith.extui %sign3A_10 : i1 to i32
    %sign3A_12 = arith.constant 0 : i32
    %sign3A_13 = arith.cmpi slt, %add3A_3, %sign3A_12 : i32
    %sign3A_14 = arith.extui %sign3A_13 : i1 to i32
    %sign3A_15 = arith.subi %sign3A_11, %sign3A_14 : i32
    %sign3A_16 = arith.constant 0 : i32
    %sign3A_17 = arith.cmpi sgt, %jit3A, %sign3A_16 : i32
    %sign3A_18 = arith.extui %sign3A_17 : i1 to i32
    %sign3A_19 = arith.constant 0 : i32
    %sign3A_20 = arith.cmpi slt, %jit3A, %sign3A_19 : i32
    %sign3A_21 = arith.extui %sign3A_20 : i1 to i32
    %sign3A_22 = arith.subi %sign3A_18, %sign3A_21 : i32
    %ne3A = arith.cmpi ne, %sign3A_15, %sign3A_22 : i32
    %rem3A = arith.remsi %add3A_3, %jit3A : i32
    %ne3A_23 = arith.constant 0 : i32
    %ne3A_24 = arith.cmpi ne, %rem3A, %ne3A_23 : i32
    %and3A = arith.andi %ne3A, %ne3A_24 : i1
    %sub3A = arith.constant 1 : i32
    %sub3A_25 = arith.subi %div3A, %sub3A : i32
    %select_n3A = arith.select %and3A, %sub3A_25, %div3A : i32
    %while3A = arith.constant 0 : i32
    %while3A_26 = arith.constant 0 : i32
    %while3A_27 = arith.subi %select_n3A, %while3A_26 : i32
    %while3A_28 = arith.addi %while3A_26, %while3A_27 : i32
    %while3A_29 = arith.constant 1 : i32
    %while3A_30 = arith.divsi %while3A_27, %while3A_29 : i32
    %while3A_31 = arith.muli %while3A_30, %while3A_29 : i32
    %while3A_32 = arith.addi %while3A_26, %while3A_31 : i32
    %while3A_33 = arith.constant 1 : i32
    scf.for %while3A_36 = %while3A_26 to %while3A_32 step %while3A_33  : i32 {
      %mul3A_37 = arith.constant 8 : i32
      %mul3A_38 = arith.muli %while3A_36, %mul3A_37 : i32
      %add3A_39 = arith.addi %add3A_9, %mul3A_38 : i32
      "tpu.region"() ({
        %run_scoped3A = tpu.sem_alloc : memref<!tpu.dma_semaphore, #tpu.memory_space<semaphore_mem>>
        %dma_start3A_58 = arith.constant 0 : i32
        %dma_start3A_59 = tpu.memref_slice %arg3[%add3A_39, %dma_start3A_58] : memref<2560x128xi32, #tpu.memory_space<hbm>> -> memref<8x128xi32, #tpu.memory_space<hbm>>
        %dma_start3A_60 = arith.constant 0 : i32
        %dma_start3A_61 = tpu.memref_slice %arg3[%add3A_39, %dma_start3A_60] : memref<2560x128xi32, #tpu.memory_space<hbm>> -> memref<8x128xi32, #tpu.memory_space<hbm>>
        tpu.enqueue_dma source(%dma_start3A_61 : memref<8x128xi32, #tpu.memory_space<hbm>>) target(%arg7 : memref<8x128xi32, #tpu.memory_space<vmem>>) target_semaphore(%run_scoped3A : memref<!tpu.dma_semaphore, #tpu.memory_space<semaphore_mem>>)
        %dma_wait3A = arith.constant 0 : i32
        %dma_wait3A_62 = tpu.memref_slice %arg3[%add3A_39, %dma_wait3A] : memref<2560x128xi32, #tpu.memory_space<hbm>> -> memref<8x128xi32, #tpu.memory_space<hbm>>
        %dma_wait3A_63 = arith.constant 0 : i32
        %dma_wait3A_64 = tpu.memref_slice %arg3[%add3A_39, %dma_wait3A_63] : memref<2560x128xi32, #tpu.memory_space<hbm>> -> memref<8x128xi32, #tpu.memory_space<hbm>>
        tpu.wait_dma2 semaphore(%run_scoped3A : memref<!tpu.dma_semaphore, #tpu.memory_space<semaphore_mem>>) src(%dma_wait3A_64 : memref<8x128xi32, #tpu.memory_space<hbm>>) dst(%arg7 : memref<8x128xi32, #tpu.memory_space<vmem>>)
        tpu.yield
      }) : () -> ()
      "tpu.region"() ({
        %run_scoped3A = tpu.sem_alloc : memref<!tpu.dma_semaphore, #tpu.memory_space<semaphore_mem>>
        %dma_start3A_58 = arith.constant 0 : i32
        %dma_start3A_59 = tpu.memref_slice %arg4[%add3A_39, %dma_start3A_58] : memref<2560x128xi32, #tpu.memory_space<hbm>> -> memref<8x128xi32, #tpu.memory_space<hbm>>
        %dma_start3A_60 = arith.constant 0 : i32
        %dma_start3A_61 = tpu.memref_slice %arg4[%add3A_39, %dma_start3A_60] : memref<2560x128xi32, #tpu.memory_space<hbm>> -> memref<8x128xi32, #tpu.memory_space<hbm>>
        tpu.enqueue_dma source(%dma_start3A_61 : memref<8x128xi32, #tpu.memory_space<hbm>>) target(%arg8 : memref<8x128xi32, #tpu.memory_space<vmem>>) target_semaphore(%run_scoped3A : memref<!tpu.dma_semaphore, #tpu.memory_space<semaphore_mem>>)
        %dma_wait3A = arith.constant 0 : i32
        %dma_wait3A_62 = tpu.memref_slice %arg4[%add3A_39, %dma_wait3A] : memref<2560x128xi32, #tpu.memory_space<hbm>> -> memref<8x128xi32, #tpu.memory_space<hbm>>
        %dma_wait3A_63 = arith.constant 0 : i32
        %dma_wait3A_64 = tpu.memref_slice %arg4[%add3A_39, %dma_wait3A_63] : memref<2560x128xi32, #tpu.memory_space<hbm>> -> memref<8x128xi32, #tpu.memory_space<hbm>>
        tpu.wait_dma2 semaphore(%run_scoped3A : memref<!tpu.dma_semaphore, #tpu.memory_space<semaphore_mem>>) src(%dma_wait3A_64 : memref<8x128xi32, #tpu.memory_space<hbm>>) dst(%arg8 : memref<8x128xi32, #tpu.memory_space<vmem>>)
        tpu.yield
      }) : () -> ()
      %dma_start3A = arith.constant 0 : i32
      %dma_start3A_40 = arith.constant 0 : i32
      %dma_start3A_41 = tpu.memref_slice %arg7[%dma_start3A, %dma_start3A_40] : memref<8x128xi32, #tpu.memory_space<vmem>> -> memref<1x128xi32, #tpu.memory_space<vmem>>
      %dma_start3A_42 = tpu.memref_squeeze %dma_start3A_41 : memref<1x128xi32, #tpu.memory_space<vmem>> -> memref<128xi32, #tpu.memory_space<vmem>>
      %dma_start3A_43 = arith.constant 0 : i32
      %dma_start3A_44 = arith.constant 0 : i32
      %dma_start3A_45 = tpu.memref_slice %arg2[%dma_start3A_43, %dma_start3A_44] : memref<10240x128xf32, #tpu.memory_space<hbm>> -> memref<10240x128xf32, #tpu.memory_space<hbm>>
      tpu.enqueue_indirect_dma source(%dma_start3A_45 : memref<10240x128xf32, #tpu.memory_space<hbm>>) target(%arg9 : memref<128x128xf32, #tpu.memory_space<vmem>>) offsets(%dma_start3A_42 : memref<128xi32, #tpu.memory_space<vmem>>) semaphore(%arg12 : memref<!tpu.dma_semaphore, #tpu.memory_space<semaphore_mem>>)
      %dma_start3A_46 = arith.constant 1 : i32
      %dma_start3A_47 = arith.constant 0 : i32
      %dma_start3A_48 = tpu.memref_slice %arg7[%dma_start3A_46, %dma_start3A_47] : memref<8x128xi32, #tpu.memory_space<vmem>> -> memref<1x128xi32, #tpu.memory_space<vmem>>
      %dma_start3A_49 = tpu.memref_squeeze %dma_start3A_48 : memref<1x128xi32, #tpu.memory_space<vmem>> -> memref<128xi32, #tpu.memory_space<vmem>>
      %dma_start3A_50 = arith.constant 0 : i32
      %dma_start3A_51 = arith.constant 0 : i32
      %dma_start3A_52 = tpu.memref_slice %arg2[%dma_start3A_50, %dma_start3A_51] : memref<10240x128xf32, #tpu.memory_space<hbm>> -> memref<10240x128xf32, #tpu.memory_space<hbm>>
      tpu.enqueue_indirect_dma source(%dma_start3A_52 : memref<10240x128xf32, #tpu.memory_space<hbm>>) target(%arg10 : memref<128x128xf32, #tpu.memory_space<vmem>>) offsets(%dma_start3A_49 : memref<128xi32, #tpu.memory_space<vmem>>) semaphore(%arg13 : memref<!tpu.dma_semaphore, #tpu.memory_space<semaphore_mem>>)
      %scan3A = arith.constant 0 : i32
      %scan3A_53 = arith.constant 0 : i32
      %scan3A_54 = arith.constant 4 : i32
      %scan3A_55 = arith.addi %scan3A_53, %scan3A_54 : i32
      %scan3A_56 = arith.constant 1 : i32
      scf.for %scan3A_58 = %scan3A_53 to %scan3A_55 step %scan3A_56  : i32 {
        %mul3A_59 = arith.constant 2 : i32
        %mul3A_60 = arith.muli %scan3A_58, %mul3A_59 : i32
        %add3A_61 = arith.constant 0 : i32
        %add3A_62 = arith.addi %mul3A_60, %add3A_61 : i32
        %add3A_63 = arith.constant 2 : i32
        %add3A_64 = arith.addi %add3A_62, %add3A_63 : i32
        %add3A_65 = arith.constant 0 : i32
        %add3A_66 = arith.addi %mul3A_60, %add3A_65 : i32
        %dma_wait3A = arith.constant 0 : i32
        %dma_wait3A_67 = tpu.memref_slice %arg7[%add3A_66, %dma_wait3A] : memref<8x128xi32, #tpu.memory_space<vmem>> -> memref<1x128xi32, #tpu.memory_space<vmem>>
        %dma_wait3A_68 = tpu.memref_squeeze %dma_wait3A_67 : memref<1x128xi32, #tpu.memory_space<vmem>> -> memref<128xi32, #tpu.memory_space<vmem>>
        %dma_wait3A_69 = arith.constant 0 : i32
        %dma_wait3A_70 = arith.constant 0 : i32
        %dma_wait3A_71 = tpu.memref_slice %arg2[%dma_wait3A_69, %dma_wait3A_70] : memref<10240x128xf32, #tpu.memory_space<hbm>> -> memref<10240x128xf32, #tpu.memory_space<hbm>>
        tpu.wait_indirect_dma semaphore(%arg12 : memref<!tpu.dma_semaphore, #tpu.memory_space<semaphore_mem>>) src(%dma_wait3A_71 : memref<10240x128xf32, #tpu.memory_space<hbm>>) dst(%arg9 : memref<128x128xf32, #tpu.memory_space<vmem>>)
        %add3A_72 = arith.constant 0 : i32
        %add3A_73 = arith.addi %mul3A_60, %add3A_72 : i32
        "tpu.region"() ({
          %run_scoped3A = tpu.sem_alloc : memref<!tpu.dma_semaphore, #tpu.memory_space<semaphore_mem>>
          %dma_start3A_95 = arith.constant 0 : i32
          %dma_start3A_96 = tpu.memref_slice %arg8[%add3A_73, %dma_start3A_95] : memref<8x128xi32, #tpu.memory_space<vmem>> -> memref<1x128xi32, #tpu.memory_space<vmem>>
          %dma_start3A_97 = tpu.memref_squeeze %dma_start3A_96 : memref<1x128xi32, #tpu.memory_space<vmem>> -> memref<128xi32, #tpu.memory_space<vmem>>
          %dma_start3A_98 = arith.constant 0 : i32
          %dma_start3A_99 = arith.constant 0 : i32
          %dma_start3A_100 = tpu.memref_slice %arg11[%dma_start3A_98, %dma_start3A_99] : memref<10240x128xf32, #tpu.memory_space<vmem_shared>> -> memref<10240x128xf32, #tpu.memory_space<vmem_shared>>
          tpu.enqueue_indirect_dma source(%arg9 : memref<128x128xf32, #tpu.memory_space<vmem>>) target(%dma_start3A_100 : memref<10240x128xf32, #tpu.memory_space<vmem_shared>>) offsets(%dma_start3A_97 : memref<128xi32, #tpu.memory_space<vmem>>) semaphore(%run_scoped3A : memref<!tpu.dma_semaphore, #tpu.memory_space<semaphore_mem>>) {add = true}
          %dma_wait3A_101 = arith.constant 0 : i32
          %dma_wait3A_102 = tpu.memref_slice %arg8[%add3A_73, %dma_wait3A_101] : memref<8x128xi32, #tpu.memory_space<vmem>> -> memref<1x128xi32, #tpu.memory_space<vmem>>
          %dma_wait3A_103 = tpu.memref_squeeze %dma_wait3A_102 : memref<1x128xi32, #tpu.memory_space<vmem>> -> memref<128xi32, #tpu.memory_space<vmem>>
          %dma_wait3A_104 = arith.constant 0 : i32
          %dma_wait3A_105 = arith.constant 0 : i32
          %dma_wait3A_106 = tpu.memref_slice %arg11[%dma_wait3A_104, %dma_wait3A_105] : memref<10240x128xf32, #tpu.memory_space<vmem_shared>> -> memref<10240x128xf32, #tpu.memory_space<vmem_shared>>
          tpu.wait_indirect_dma semaphore(%run_scoped3A : memref<!tpu.dma_semaphore, #tpu.memory_space<semaphore_mem>>) src(%arg9 : memref<128x128xf32, #tpu.memory_space<vmem>>) dst(%dma_wait3A_106 : memref<10240x128xf32, #tpu.memory_space<vmem_shared>>)
          tpu.yield
        }) : () -> ()
        %lt3A = arith.constant 8 : i32
        %lt3A_74 = arith.cmpi slt, %add3A_64, %lt3A : i32
        %convert_element_type3A = arith.extui %lt3A_74 : i1 to i32
        %cond3A = arith.constant 0 : i32
        %cond3A_75 = arith.cmpi ne, %convert_element_type3A, %cond3A : i32
        scf.if %cond3A_75 {
          %dma_start3A_95 = arith.constant 0 : i32
          %dma_start3A_96 = tpu.memref_slice %arg7[%add3A_64, %dma_start3A_95] : memref<8x128xi32, #tpu.memory_space<vmem>> -> memref<1x128xi32, #tpu.memory_space<vmem>>
          %dma_start3A_97 = tpu.memref_squeeze %dma_start3A_96 : memref<1x128xi32, #tpu.memory_space<vmem>> -> memref<128xi32, #tpu.memory_space<vmem>>
          %dma_start3A_98 = arith.constant 0 : i32
          %dma_start3A_99 = arith.constant 0 : i32
          %dma_start3A_100 = tpu.memref_slice %arg2[%dma_start3A_98, %dma_start3A_99] : memref<10240x128xf32, #tpu.memory_space<hbm>> -> memref<10240x128xf32, #tpu.memory_space<hbm>>
          tpu.enqueue_indirect_dma source(%dma_start3A_100 : memref<10240x128xf32, #tpu.memory_space<hbm>>) target(%arg9 : memref<128x128xf32, #tpu.memory_space<vmem>>) offsets(%dma_start3A_97 : memref<128xi32, #tpu.memory_space<vmem>>) semaphore(%arg12 : memref<!tpu.dma_semaphore, #tpu.memory_space<semaphore_mem>>)
        } else {
        }
        %add3A_76 = arith.constant 1 : i32
        %add3A_77 = arith.addi %mul3A_60, %add3A_76 : i32
        %add3A_78 = arith.constant 2 : i32
        %add3A_79 = arith.addi %add3A_77, %add3A_78 : i32
        %add3A_80 = arith.constant 1 : i32
        %add3A_81 = arith.addi %mul3A_60, %add3A_80 : i32
        %dma_wait3A_82 = arith.constant 0 : i32
        %dma_wait3A_83 = tpu.memref_slice %arg7[%add3A_81, %dma_wait3A_82] : memref<8x128xi32, #tpu.memory_space<vmem>> -> memref<1x128xi32, #tpu.memory_space<vmem>>
        %dma_wait3A_84 = tpu.memref_squeeze %dma_wait3A_83 : memref<1x128xi32, #tpu.memory_space<vmem>> -> memref<128xi32, #tpu.memory_space<vmem>>
        %dma_wait3A_85 = arith.constant 0 : i32
        %dma_wait3A_86 = arith.constant 0 : i32
        %dma_wait3A_87 = tpu.memref_slice %arg2[%dma_wait3A_85, %dma_wait3A_86] : memref<10240x128xf32, #tpu.memory_space<hbm>> -> memref<10240x128xf32, #tpu.memory_space<hbm>>
        tpu.wait_indirect_dma semaphore(%arg13 : memref<!tpu.dma_semaphore, #tpu.memory_space<semaphore_mem>>) src(%dma_wait3A_87 : memref<10240x128xf32, #tpu.memory_space<hbm>>) dst(%arg10 : memref<128x128xf32, #tpu.memory_space<vmem>>)
        %add3A_88 = arith.constant 1 : i32
        %add3A_89 = arith.addi %mul3A_60, %add3A_88 : i32
        "tpu.region"() ({
          %run_scoped3A = tpu.sem_alloc : memref<!tpu.dma_semaphore, #tpu.memory_space<semaphore_mem>>
          %dma_start3A_95 = arith.constant 0 : i32
          %dma_start3A_96 = tpu.memref_slice %arg8[%add3A_89, %dma_start3A_95] : memref<8x128xi32, #tpu.memory_space<vmem>> -> memref<1x128xi32, #tpu.memory_space<vmem>>
          %dma_start3A_97 = tpu.memref_squeeze %dma_start3A_96 : memref<1x128xi32, #tpu.memory_space<vmem>> -> memref<128xi32, #tpu.memory_space<vmem>>
          %dma_start3A_98 = arith.constant 0 : i32
          %dma_start3A_99 = arith.constant 0 : i32
          %dma_start3A_100 = tpu.memref_slice %arg11[%dma_start3A_98, %dma_start3A_99] : memref<10240x128xf32, #tpu.memory_space<vmem_shared>> -> memref<10240x128xf32, #tpu.memory_space<vmem_shared>>
          tpu.enqueue_indirect_dma source(%arg10 : memref<128x128xf32, #tpu.memory_space<vmem>>) target(%dma_start3A_100 : memref<10240x128xf32, #tpu.memory_space<vmem_shared>>) offsets(%dma_start3A_97 : memref<128xi32, #tpu.memory_space<vmem>>) semaphore(%run_scoped3A : memref<!tpu.dma_semaphore, #tpu.memory_space<semaphore_mem>>) {add = true}
          %dma_wait3A_101 = arith.constant 0 : i32
          %dma_wait3A_102 = tpu.memref_slice %arg8[%add3A_89, %dma_wait3A_101] : memref<8x128xi32, #tpu.memory_space<vmem>> -> memref<1x128xi32, #tpu.memory_space<vmem>>
          %dma_wait3A_103 = tpu.memref_squeeze %dma_wait3A_102 : memref<1x128xi32, #tpu.memory_space<vmem>> -> memref<128xi32, #tpu.memory_space<vmem>>
          %dma_wait3A_104 = arith.constant 0 : i32
          %dma_wait3A_105 = arith.constant 0 : i32
          %dma_wait3A_106 = tpu.memref_slice %arg11[%dma_wait3A_104, %dma_wait3A_105] : memref<10240x128xf32, #tpu.memory_space<vmem_shared>> -> memref<10240x128xf32, #tpu.memory_space<vmem_shared>>
          tpu.wait_indirect_dma semaphore(%run_scoped3A : memref<!tpu.dma_semaphore, #tpu.memory_space<semaphore_mem>>) src(%arg10 : memref<128x128xf32, #tpu.memory_space<vmem>>) dst(%dma_wait3A_106 : memref<10240x128xf32, #tpu.memory_space<vmem_shared>>)
          tpu.yield
        }) : () -> ()
        %lt3A_90 = arith.constant 8 : i32
        %lt3A_91 = arith.cmpi slt, %add3A_79, %lt3A_90 : i32
        %convert_element_type3A_92 = arith.extui %lt3A_91 : i1 to i32
        %cond3A_93 = arith.constant 0 : i32
        %cond3A_94 = arith.cmpi ne, %convert_element_type3A_92, %cond3A_93 : i32
        scf.if %cond3A_94 {
          %dma_start3A_95 = arith.constant 0 : i32
          %dma_start3A_96 = tpu.memref_slice %arg7[%add3A_79, %dma_start3A_95] : memref<8x128xi32, #tpu.memory_space<vmem>> -> memref<1x128xi32, #tpu.memory_space<vmem>>
          %dma_start3A_97 = tpu.memref_squeeze %dma_start3A_96 : memref<1x128xi32, #tpu.memory_space<vmem>> -> memref<128xi32, #tpu.memory_space<vmem>>
          %dma_start3A_98 = arith.constant 0 : i32
          %dma_start3A_99 = arith.constant 0 : i32
          %dma_start3A_100 = tpu.memref_slice %arg2[%dma_start3A_98, %dma_start3A_99] : memref<10240x128xf32, #tpu.memory_space<hbm>> -> memref<10240x128xf32, #tpu.memory_space<hbm>>
          tpu.enqueue_indirect_dma source(%dma_start3A_100 : memref<10240x128xf32, #tpu.memory_space<hbm>>) target(%arg10 : memref<128x128xf32, #tpu.memory_space<vmem>>) offsets(%dma_start3A_97 : memref<128xi32, #tpu.memory_space<vmem>>) semaphore(%arg13 : memref<!tpu.dma_semaphore, #tpu.memory_space<semaphore_mem>>)
        } else {
        }
      }
      %scan3A_57 = arith.constant 4 : i32
    }
    %while3A_34 = arith.constant 1 : i32
    scf.for %while3A_36 = %while3A_32 to %while3A_28 step %while3A_34  : i32 {
      %mul3A_37 = arith.constant 8 : i32
      %mul3A_38 = arith.muli %while3A_36, %mul3A_37 : i32
      %add3A_39 = arith.addi %add3A_9, %mul3A_38 : i32
      "tpu.region"() ({
        %run_scoped3A = tpu.sem_alloc : memref<!tpu.dma_semaphore, #tpu.memory_space<semaphore_mem>>
        %dma_start3A_58 = arith.constant 0 : i32
        %dma_start3A_59 = tpu.memref_slice %arg3[%add3A_39, %dma_start3A_58] : memref<2560x128xi32, #tpu.memory_space<hbm>> -> memref<8x128xi32, #tpu.memory_space<hbm>>
        %dma_start3A_60 = arith.constant 0 : i32
        %dma_start3A_61 = tpu.memref_slice %arg3[%add3A_39, %dma_start3A_60] : memref<2560x128xi32, #tpu.memory_space<hbm>> -> memref<8x128xi32, #tpu.memory_space<hbm>>
        tpu.enqueue_dma source(%dma_start3A_61 : memref<8x128xi32, #tpu.memory_space<hbm>>) target(%arg7 : memref<8x128xi32, #tpu.memory_space<vmem>>) target_semaphore(%run_scoped3A : memref<!tpu.dma_semaphore, #tpu.memory_space<semaphore_mem>>)
        %dma_wait3A = arith.constant 0 : i32
        %dma_wait3A_62 = tpu.memref_slice %arg3[%add3A_39, %dma_wait3A] : memref<2560x128xi32, #tpu.memory_space<hbm>> -> memref<8x128xi32, #tpu.memory_space<hbm>>
        %dma_wait3A_63 = arith.constant 0 : i32
        %dma_wait3A_64 = tpu.memref_slice %arg3[%add3A_39, %dma_wait3A_63] : memref<2560x128xi32, #tpu.memory_space<hbm>> -> memref<8x128xi32, #tpu.memory_space<hbm>>
        tpu.wait_dma2 semaphore(%run_scoped3A : memref<!tpu.dma_semaphore, #tpu.memory_space<semaphore_mem>>) src(%dma_wait3A_64 : memref<8x128xi32, #tpu.memory_space<hbm>>) dst(%arg7 : memref<8x128xi32, #tpu.memory_space<vmem>>)
        tpu.yield
      }) : () -> ()
      "tpu.region"() ({
        %run_scoped3A = tpu.sem_alloc : memref<!tpu.dma_semaphore, #tpu.memory_space<semaphore_mem>>
        %dma_start3A_58 = arith.constant 0 : i32
        %dma_start3A_59 = tpu.memref_slice %arg4[%add3A_39, %dma_start3A_58] : memref<2560x128xi32, #tpu.memory_space<hbm>> -> memref<8x128xi32, #tpu.memory_space<hbm>>
        %dma_start3A_60 = arith.constant 0 : i32
        %dma_start3A_61 = tpu.memref_slice %arg4[%add3A_39, %dma_start3A_60] : memref<2560x128xi32, #tpu.memory_space<hbm>> -> memref<8x128xi32, #tpu.memory_space<hbm>>
        tpu.enqueue_dma source(%dma_start3A_61 : memref<8x128xi32, #tpu.memory_space<hbm>>) target(%arg8 : memref<8x128xi32, #tpu.memory_space<vmem>>) target_semaphore(%run_scoped3A : memref<!tpu.dma_semaphore, #tpu.memory_space<semaphore_mem>>)
        %dma_wait3A = arith.constant 0 : i32
        %dma_wait3A_62 = tpu.memref_slice %arg4[%add3A_39, %dma_wait3A] : memref<2560x128xi32, #tpu.memory_space<hbm>> -> memref<8x128xi32, #tpu.memory_space<hbm>>
        %dma_wait3A_63 = arith.constant 0 : i32
        %dma_wait3A_64 = tpu.memref_slice %arg4[%add3A_39, %dma_wait3A_63] : memref<2560x128xi32, #tpu.memory_space<hbm>> -> memref<8x128xi32, #tpu.memory_space<hbm>>
        tpu.wait_dma2 semaphore(%run_scoped3A : memref<!tpu.dma_semaphore, #tpu.memory_space<semaphore_mem>>) src(%dma_wait3A_64 : memref<8x128xi32, #tpu.memory_space<hbm>>) dst(%arg8 : memref<8x128xi32, #tpu.memory_space<vmem>>)
        tpu.yield
      }) : () -> ()
      %dma_start3A = arith.constant 0 : i32
      %dma_start3A_40 = arith.constant 0 : i32
      %dma_start3A_41 = tpu.memref_slice %arg7[%dma_start3A, %dma_start3A_40] : memref<8x128xi32, #tpu.memory_space<vmem>> -> memref<1x128xi32, #tpu.memory_space<vmem>>
      %dma_start3A_42 = tpu.memref_squeeze %dma_start3A_41 : memref<1x128xi32, #tpu.memory_space<vmem>> -> memref<128xi32, #tpu.memory_space<vmem>>
      %dma_start3A_43 = arith.constant 0 : i32
      %dma_start3A_44 = arith.constant 0 : i32
      %dma_start3A_45 = tpu.memref_slice %arg2[%dma_start3A_43, %dma_start3A_44] : memref<10240x128xf32, #tpu.memory_space<hbm>> -> memref<10240x128xf32, #tpu.memory_space<hbm>>
      tpu.enqueue_indirect_dma source(%dma_start3A_45 : memref<10240x128xf32, #tpu.memory_space<hbm>>) target(%arg9 : memref<128x128xf32, #tpu.memory_space<vmem>>) offsets(%dma_start3A_42 : memref<128xi32, #tpu.memory_space<vmem>>) semaphore(%arg12 : memref<!tpu.dma_semaphore, #tpu.memory_space<semaphore_mem>>)
      %dma_start3A_46 = arith.constant 1 : i32
      %dma_start3A_47 = arith.constant 0 : i32
      %dma_start3A_48 = tpu.memref_slice %arg7[%dma_start3A_46, %dma_start3A_47] : memref<8x128xi32, #tpu.memory_space<vmem>> -> memref<1x128xi32, #tpu.memory_space<vmem>>
      %dma_start3A_49 = tpu.memref_squeeze %dma_start3A_48 : memref<1x128xi32, #tpu.memory_space<vmem>> -> memref<128xi32, #tpu.memory_space<vmem>>
      %dma_start3A_50 = arith.constant 0 : i32
      %dma_start3A_51 = arith.constant 0 : i32
      %dma_start3A_52 = tpu.memref_slice %arg2[%dma_start3A_50, %dma_start3A_51] : memref<10240x128xf32, #tpu.memory_space<hbm>> -> memref<10240x128xf32, #tpu.memory_space<hbm>>
      tpu.enqueue_indirect_dma source(%dma_start3A_52 : memref<10240x128xf32, #tpu.memory_space<hbm>>) target(%arg10 : memref<128x128xf32, #tpu.memory_space<vmem>>) offsets(%dma_start3A_49 : memref<128xi32, #tpu.memory_space<vmem>>) semaphore(%arg13 : memref<!tpu.dma_semaphore, #tpu.memory_space<semaphore_mem>>)
      %scan3A = arith.constant 0 : i32
      %scan3A_53 = arith.constant 0 : i32
      %scan3A_54 = arith.constant 4 : i32
      %scan3A_55 = arith.addi %scan3A_53, %scan3A_54 : i32
      %scan3A_56 = arith.constant 1 : i32
      scf.for %scan3A_58 = %scan3A_53 to %scan3A_55 step %scan3A_56  : i32 {
        %mul3A_59 = arith.constant 2 : i32
        %mul3A_60 = arith.muli %scan3A_58, %mul3A_59 : i32
        %add3A_61 = arith.constant 0 : i32
        %add3A_62 = arith.addi %mul3A_60, %add3A_61 : i32
        %add3A_63 = arith.constant 2 : i32
        %add3A_64 = arith.addi %add3A_62, %add3A_63 : i32
        %add3A_65 = arith.constant 0 : i32
        %add3A_66 = arith.addi %mul3A_60, %add3A_65 : i32
        %dma_wait3A = arith.constant 0 : i32
        %dma_wait3A_67 = tpu.memref_slice %arg7[%add3A_66, %dma_wait3A] : memref<8x128xi32, #tpu.memory_space<vmem>> -> memref<1x128xi32, #tpu.memory_space<vmem>>
        %dma_wait3A_68 = tpu.memref_squeeze %dma_wait3A_67 : memref<1x128xi32, #tpu.memory_space<vmem>> -> memref<128xi32, #tpu.memory_space<vmem>>
        %dma_wait3A_69 = arith.constant 0 : i32
        %dma_wait3A_70 = arith.constant 0 : i32
        %dma_wait3A_71 = tpu.memref_slice %arg2[%dma_wait3A_69, %dma_wait3A_70] : memref<10240x128xf32, #tpu.memory_space<hbm>> -> memref<10240x128xf32, #tpu.memory_space<hbm>>
        tpu.wait_indirect_dma semaphore(%arg12 : memref<!tpu.dma_semaphore, #tpu.memory_space<semaphore_mem>>) src(%dma_wait3A_71 : memref<10240x128xf32, #tpu.memory_space<hbm>>) dst(%arg9 : memref<128x128xf32, #tpu.memory_space<vmem>>)
        %add3A_72 = arith.constant 0 : i32
        %add3A_73 = arith.addi %mul3A_60, %add3A_72 : i32
        "tpu.region"() ({
          %run_scoped3A = tpu.sem_alloc : memref<!tpu.dma_semaphore, #tpu.memory_space<semaphore_mem>>
          %dma_start3A_95 = arith.constant 0 : i32
          %dma_start3A_96 = tpu.memref_slice %arg8[%add3A_73, %dma_start3A_95] : memref<8x128xi32, #tpu.memory_space<vmem>> -> memref<1x128xi32, #tpu.memory_space<vmem>>
          %dma_start3A_97 = tpu.memref_squeeze %dma_start3A_96 : memref<1x128xi32, #tpu.memory_space<vmem>> -> memref<128xi32, #tpu.memory_space<vmem>>
          %dma_start3A_98 = arith.constant 0 : i32
          %dma_start3A_99 = arith.constant 0 : i32
          %dma_start3A_100 = tpu.memref_slice %arg11[%dma_start3A_98, %dma_start3A_99] : memref<10240x128xf32, #tpu.memory_space<vmem_shared>> -> memref<10240x128xf32, #tpu.memory_space<vmem_shared>>
          tpu.enqueue_indirect_dma source(%arg9 : memref<128x128xf32, #tpu.memory_space<vmem>>) target(%dma_start3A_100 : memref<10240x128xf32, #tpu.memory_space<vmem_shared>>) offsets(%dma_start3A_97 : memref<128xi32, #tpu.memory_space<vmem>>) semaphore(%run_scoped3A : memref<!tpu.dma_semaphore, #tpu.memory_space<semaphore_mem>>) {add = true}
          %dma_wait3A_101 = arith.constant 0 : i32
          %dma_wait3A_102 = tpu.memref_slice %arg8[%add3A_73, %dma_wait3A_101] : memref<8x128xi32, #tpu.memory_space<vmem>> -> memref<1x128xi32, #tpu.memory_space<vmem>>
          %dma_wait3A_103 = tpu.memref_squeeze %dma_wait3A_102 : memref<1x128xi32, #tpu.memory_space<vmem>> -> memref<128xi32, #tpu.memory_space<vmem>>
          %dma_wait3A_104 = arith.constant 0 : i32
          %dma_wait3A_105 = arith.constant 0 : i32
          %dma_wait3A_106 = tpu.memref_slice %arg11[%dma_wait3A_104, %dma_wait3A_105] : memref<10240x128xf32, #tpu.memory_space<vmem_shared>> -> memref<10240x128xf32, #tpu.memory_space<vmem_shared>>
          tpu.wait_indirect_dma semaphore(%run_scoped3A : memref<!tpu.dma_semaphore, #tpu.memory_space<semaphore_mem>>) src(%arg9 : memref<128x128xf32, #tpu.memory_space<vmem>>) dst(%dma_wait3A_106 : memref<10240x128xf32, #tpu.memory_space<vmem_shared>>)
          tpu.yield
        }) : () -> ()
        %lt3A = arith.constant 8 : i32
        %lt3A_74 = arith.cmpi slt, %add3A_64, %lt3A : i32
        %convert_element_type3A = arith.extui %lt3A_74 : i1 to i32
        %cond3A = arith.constant 0 : i32
        %cond3A_75 = arith.cmpi ne, %convert_element_type3A, %cond3A : i32
        scf.if %cond3A_75 {
          %dma_start3A_95 = arith.constant 0 : i32
          %dma_start3A_96 = tpu.memref_slice %arg7[%add3A_64, %dma_start3A_95] : memref<8x128xi32, #tpu.memory_space<vmem>> -> memref<1x128xi32, #tpu.memory_space<vmem>>
          %dma_start3A_97 = tpu.memref_squeeze %dma_start3A_96 : memref<1x128xi32, #tpu.memory_space<vmem>> -> memref<128xi32, #tpu.memory_space<vmem>>
          %dma_start3A_98 = arith.constant 0 : i32
          %dma_start3A_99 = arith.constant 0 : i32
          %dma_start3A_100 = tpu.memref_slice %arg2[%dma_start3A_98, %dma_start3A_99] : memref<10240x128xf32, #tpu.memory_space<hbm>> -> memref<10240x128xf32, #tpu.memory_space<hbm>>
          tpu.enqueue_indirect_dma source(%dma_start3A_100 : memref<10240x128xf32, #tpu.memory_space<hbm>>) target(%arg9 : memref<128x128xf32, #tpu.memory_space<vmem>>) offsets(%dma_start3A_97 : memref<128xi32, #tpu.memory_space<vmem>>) semaphore(%arg12 : memref<!tpu.dma_semaphore, #tpu.memory_space<semaphore_mem>>)
        } else {
        }
        %add3A_76 = arith.constant 1 : i32
        %add3A_77 = arith.addi %mul3A_60, %add3A_76 : i32
        %add3A_78 = arith.constant 2 : i32
        %add3A_79 = arith.addi %add3A_77, %add3A_78 : i32
        %add3A_80 = arith.constant 1 : i32
        %add3A_81 = arith.addi %mul3A_60, %add3A_80 : i32
        %dma_wait3A_82 = arith.constant 0 : i32
        %dma_wait3A_83 = tpu.memref_slice %arg7[%add3A_81, %dma_wait3A_82] : memref<8x128xi32, #tpu.memory_space<vmem>> -> memref<1x128xi32, #tpu.memory_space<vmem>>
        %dma_wait3A_84 = tpu.memref_squeeze %dma_wait3A_83 : memref<1x128xi32, #tpu.memory_space<vmem>> -> memref<128xi32, #tpu.memory_space<vmem>>
        %dma_wait3A_85 = arith.constant 0 : i32
        %dma_wait3A_86 = arith.constant 0 : i32
        %dma_wait3A_87 = tpu.memref_slice %arg2[%dma_wait3A_85, %dma_wait3A_86] : memref<10240x128xf32, #tpu.memory_space<hbm>> -> memref<10240x128xf32, #tpu.memory_space<hbm>>
        tpu.wait_indirect_dma semaphore(%arg13 : memref<!tpu.dma_semaphore, #tpu.memory_space<semaphore_mem>>) src(%dma_wait3A_87 : memref<10240x128xf32, #tpu.memory_space<hbm>>) dst(%arg10 : memref<128x128xf32, #tpu.memory_space<vmem>>)
        %add3A_88 = arith.constant 1 : i32
        %add3A_89 = arith.addi %mul3A_60, %add3A_88 : i32
        "tpu.region"() ({
          %run_scoped3A = tpu.sem_alloc : memref<!tpu.dma_semaphore, #tpu.memory_space<semaphore_mem>>
          %dma_start3A_95 = arith.constant 0 : i32
          %dma_start3A_96 = tpu.memref_slice %arg8[%add3A_89, %dma_start3A_95] : memref<8x128xi32, #tpu.memory_space<vmem>> -> memref<1x128xi32, #tpu.memory_space<vmem>>
          %dma_start3A_97 = tpu.memref_squeeze %dma_start3A_96 : memref<1x128xi32, #tpu.memory_space<vmem>> -> memref<128xi32, #tpu.memory_space<vmem>>
          %dma_start3A_98 = arith.constant 0 : i32
          %dma_start3A_99 = arith.constant 0 : i32
          %dma_start3A_100 = tpu.memref_slice %arg11[%dma_start3A_98, %dma_start3A_99] : memref<10240x128xf32, #tpu.memory_space<vmem_shared>> -> memref<10240x128xf32, #tpu.memory_space<vmem_shared>>
          tpu.enqueue_indirect_dma source(%arg10 : memref<128x128xf32, #tpu.memory_space<vmem>>) target(%dma_start3A_100 : memref<10240x128xf32, #tpu.memory_space<vmem_shared>>) offsets(%dma_start3A_97 : memref<128xi32, #tpu.memory_space<vmem>>) semaphore(%run_scoped3A : memref<!tpu.dma_semaphore, #tpu.memory_space<semaphore_mem>>) {add = true}
          %dma_wait3A_101 = arith.constant 0 : i32
          %dma_wait3A_102 = tpu.memref_slice %arg8[%add3A_89, %dma_wait3A_101] : memref<8x128xi32, #tpu.memory_space<vmem>> -> memref<1x128xi32, #tpu.memory_space<vmem>>
          %dma_wait3A_103 = tpu.memref_squeeze %dma_wait3A_102 : memref<1x128xi32, #tpu.memory_space<vmem>> -> memref<128xi32, #tpu.memory_space<vmem>>
          %dma_wait3A_104 = arith.constant 0 : i32
          %dma_wait3A_105 = arith.constant 0 : i32
          %dma_wait3A_106 = tpu.memref_slice %arg11[%dma_wait3A_104, %dma_wait3A_105] : memref<10240x128xf32, #tpu.memory_space<vmem_shared>> -> memref<10240x128xf32, #tpu.memory_space<vmem_shared>>
          tpu.wait_indirect_dma semaphore(%run_scoped3A : memref<!tpu.dma_semaphore, #tpu.memory_space<semaphore_mem>>) src(%arg10 : memref<128x128xf32, #tpu.memory_space<vmem>>) dst(%dma_wait3A_106 : memref<10240x128xf32, #tpu.memory_space<vmem_shared>>)
          tpu.yield
        }) : () -> ()
        %lt3A_90 = arith.constant 8 : i32
        %lt3A_91 = arith.cmpi slt, %add3A_79, %lt3A_90 : i32
        %convert_element_type3A_92 = arith.extui %lt3A_91 : i1 to i32
        %cond3A_93 = arith.constant 0 : i32
        %cond3A_94 = arith.cmpi ne, %convert_element_type3A_92, %cond3A_93 : i32
        scf.if %cond3A_94 {
          %dma_start3A_95 = arith.constant 0 : i32
          %dma_start3A_96 = tpu.memref_slice %arg7[%add3A_79, %dma_start3A_95] : memref<8x128xi32, #tpu.memory_space<vmem>> -> memref<1x128xi32, #tpu.memory_space<vmem>>
          %dma_start3A_97 = tpu.memref_squeeze %dma_start3A_96 : memref<1x128xi32, #tpu.memory_space<vmem>> -> memref<128xi32, #tpu.memory_space<vmem>>
          %dma_start3A_98 = arith.constant 0 : i32
          %dma_start3A_99 = arith.constant 0 : i32
          %dma_start3A_100 = tpu.memref_slice %arg2[%dma_start3A_98, %dma_start3A_99] : memref<10240x128xf32, #tpu.memory_space<hbm>> -> memref<10240x128xf32, #tpu.memory_space<hbm>>
          tpu.enqueue_indirect_dma source(%dma_start3A_100 : memref<10240x128xf32, #tpu.memory_space<hbm>>) target(%arg10 : memref<128x128xf32, #tpu.memory_space<vmem>>) offsets(%dma_start3A_97 : memref<128xi32, #tpu.memory_space<vmem>>) semaphore(%arg13 : memref<!tpu.dma_semaphore, #tpu.memory_space<semaphore_mem>>)
        } else {
        }
      }
      %scan3A_57 = arith.constant 4 : i32
    }
    %barrier3A_35 = arith.constant 0 : index
    tpu.barrier barrier_id(%barrier3A_35)
    "tpu.region"() ({
      %run_scoped3A = tpu.sem_alloc : memref<!tpu.dma_semaphore, #tpu.memory_space<semaphore_mem>>
      %dma_start3A = arith.constant 0 : i32
      %dma_start3A_36 = tpu.memref_slice %arg6[%arg0, %mul3A_0, %dma_start3A] : memref<2x10240x128xf32, #tpu.memory_space<hbm>> -> memref<1x640x128xf32, #tpu.memory_space<hbm>>
      %dma_start3A_37 = tpu.memref_squeeze %dma_start3A_36 : memref<1x640x128xf32, #tpu.memory_space<hbm>> -> memref<640x128xf32, #tpu.memory_space<hbm>>
      %dma_start3A_38 = arith.constant 0 : i32
      %dma_start3A_39 = tpu.memref_slice %arg11[%mul3A_0, %dma_start3A_38] : memref<10240x128xf32, #tpu.memory_space<vmem_shared>> -> memref<640x128xf32, #tpu.memory_space<vmem_shared>>
      tpu.enqueue_dma source(%dma_start3A_39 : memref<640x128xf32, #tpu.memory_space<vmem_shared>>) target(%dma_start3A_37 : memref<640x128xf32, #tpu.memory_space<hbm>>) target_semaphore(%run_scoped3A : memref<!tpu.dma_semaphore, #tpu.memory_space<semaphore_mem>>)
      %dma_wait3A = arith.constant 0 : i32
      %dma_wait3A_40 = tpu.memref_slice %arg6[%arg0, %mul3A_0, %dma_wait3A] : memref<2x10240x128xf32, #tpu.memory_space<hbm>> -> memref<1x640x128xf32, #tpu.memory_space<hbm>>
      %dma_wait3A_41 = tpu.memref_squeeze %dma_wait3A_40 : memref<1x640x128xf32, #tpu.memory_space<hbm>> -> memref<640x128xf32, #tpu.memory_space<hbm>>
      %dma_wait3A_42 = arith.constant 0 : i32
      %dma_wait3A_43 = tpu.memref_slice %arg11[%mul3A_0, %dma_wait3A_42] : memref<10240x128xf32, #tpu.memory_space<vmem_shared>> -> memref<640x128xf32, #tpu.memory_space<vmem_shared>>
      tpu.wait_dma2 semaphore(%run_scoped3A : memref<!tpu.dma_semaphore, #tpu.memory_space<semaphore_mem>>) src(%dma_wait3A_43 : memref<640x128xf32, #tpu.memory_space<vmem_shared>>) dst(%dma_wait3A_41 : memref<640x128xf32, #tpu.memory_space<hbm>>)
      tpu.yield
    }) : () -> ()
    return
  }
}

#map = affine_map<(d0, d1) -> (0, 0)>
#map1 = affine_map<(d0, d1) -> (0, 0, 0)>
module attributes {stable_mosaic.version = 14 : i64} {
  func.func @sc_agg(%arg0: i32, %arg1: i32, %arg2: memref<10240x128xf32, #tpu.memory_space<hbm>>, %arg3: memref<2560x128xi32, #tpu.memory_space<hbm>>, %arg4: memref<2560x128xi32, #tpu.memory_space<hbm>>, %arg5: memref<640x128xf32, #tpu.memory_space<hbm>>, %arg6: memref<2x10240x128xf32, #tpu.memory_space<hbm>>, %arg7: memref<8x128xi32, #tpu.memory_space<vmem>>, %arg8: memref<8x128xi32, #tpu.memory_space<vmem>>, %arg9: memref<128x128xf32, #tpu.memory_space<vmem>>, %arg10: memref<128x128xf32, #tpu.memory_space<vmem>>, %arg11: memref<10240x128xf32, #tpu.memory_space<vmem_shared>>, %arg12: memref<!tpu.dma_semaphore, #tpu.memory_space<semaphore_mem>>, %arg13: memref<!tpu.dma_semaphore, #tpu.memory_space<semaphore_mem>>) attributes {dimension_semantics = [#tpu.dimension_semantics<core_parallel>, #tpu.dimension_semantics<subcore_parallel>], iteration_bounds = array<i64: 2, 16>, scalar_prefetch = 0 : i64, scratch_operands = 7 : i64, tpu.core_type = #tpu.core_type<sc_vector_subcore>, window_params = [{transform_indices = #map}, {transform_indices = #map}, {transform_indices = #map}, {transform_indices = #map}, {transform_indices = #map1}]} {
    %mul3A = arith.constant 640 : i32
    %mul3A_0 = arith.muli %arg1, %mul3A : i32
    "tpu.region"() ({
      %run_scoped3A = tpu.sem_alloc : memref<!tpu.dma_semaphore, #tpu.memory_space<semaphore_mem>>
      %dma_start3A = arith.constant 0 : i32
      %dma_start3A_36 = tpu.memref_slice %arg11[%mul3A_0, %dma_start3A] : memref<10240x128xf32, #tpu.memory_space<vmem_shared>> -> memref<640x128xf32, #tpu.memory_space<vmem_shared>>
      tpu.enqueue_dma source(%arg5 : memref<640x128xf32, #tpu.memory_space<hbm>>) target(%dma_start3A_36 : memref<640x128xf32, #tpu.memory_space<vmem_shared>>) target_semaphore(%run_scoped3A : memref<!tpu.dma_semaphore, #tpu.memory_space<semaphore_mem>>)
      %dma_wait3A = arith.constant 0 : i32
      %dma_wait3A_37 = tpu.memref_slice %arg11[%mul3A_0, %dma_wait3A] : memref<10240x128xf32, #tpu.memory_space<vmem_shared>> -> memref<640x128xf32, #tpu.memory_space<vmem_shared>>
      tpu.wait_dma2 semaphore(%run_scoped3A : memref<!tpu.dma_semaphore, #tpu.memory_space<semaphore_mem>>) src(%arg5 : memref<640x128xf32, #tpu.memory_space<hbm>>) dst(%dma_wait3A_37 : memref<640x128xf32, #tpu.memory_space<vmem_shared>>)
      tpu.yield
    }) : () -> ()
    %barrier3A = arith.constant 0 : index
    tpu.barrier barrier_id(%barrier3A)
    %mul3A_1 = arith.constant -144 : i32
    %mul3A_2 = arith.muli %arg0, %mul3A_1 : i32
    %add3A = arith.constant 152 : i32
    %add3A_3 = arith.addi %add3A, %mul3A_2 : i32
    %mul3A_4 = arith.constant 16 : i32
    %mul3A_5 = arith.muli %arg0, %mul3A_4 : i32
    %mul3A_6 = arith.constant 152 : i32
    %mul3A_7 = arith.muli %mul3A_5, %mul3A_6 : i32
    %mul3A_8 = arith.muli %arg1, %add3A_3 : i32
    %add3A_9 = arith.addi %mul3A_7, %mul3A_8 : i32
    %jit3A = arith.constant 8 : i32
    %div3A = arith.divsi %add3A_3, %jit3A : i32
    %sign3A = arith.constant 0 : i32
    %sign3A_10 = arith.cmpi sgt, %add3A_3, %sign3A : i32
    %sign3A_11 = arith.extui %sign3A_10 : i1 to i32
    %sign3A_12 = arith.constant 0 : i32
    %sign3A_13 = arith.cmpi slt, %add3A_3, %sign3A_12 : i32
    %sign3A_14 = arith.extui %sign3A_13 : i1 to i32
    %sign3A_15 = arith.subi %sign3A_11, %sign3A_14 : i32
    %sign3A_16 = arith.constant 0 : i32
    %sign3A_17 = arith.cmpi sgt, %jit3A, %sign3A_16 : i32
    %sign3A_18 = arith.extui %sign3A_17 : i1 to i32
    %sign3A_19 = arith.constant 0 : i32
    %sign3A_20 = arith.cmpi slt, %jit3A, %sign3A_19 : i32
    %sign3A_21 = arith.extui %sign3A_20 : i1 to i32
    %sign3A_22 = arith.subi %sign3A_18, %sign3A_21 : i32
    %ne3A = arith.cmpi ne, %sign3A_15, %sign3A_22 : i32
    %rem3A = arith.remsi %add3A_3, %jit3A : i32
    %ne3A_23 = arith.constant 0 : i32
    %ne3A_24 = arith.cmpi ne, %rem3A, %ne3A_23 : i32
    %and3A = arith.andi %ne3A, %ne3A_24 : i1
    %sub3A = arith.constant 1 : i32
    %sub3A_25 = arith.subi %div3A, %sub3A : i32
    %select_n3A = arith.select %and3A, %sub3A_25, %div3A : i32
    %while3A = arith.constant 0 : i32
    %while3A_26 = arith.constant 0 : i32
    %while3A_27 = arith.subi %select_n3A, %while3A_26 : i32
    %while3A_28 = arith.addi %while3A_26, %while3A_27 : i32
    %while3A_29 = arith.constant 1 : i32
    %while3A_30 = arith.divsi %while3A_27, %while3A_29 : i32
    %while3A_31 = arith.muli %while3A_30, %while3A_29 : i32
    %while3A_32 = arith.addi %while3A_26, %while3A_31 : i32
    %while3A_33 = arith.constant 1 : i32
    scf.for %while3A_36 = %while3A_26 to %while3A_32 step %while3A_33  : i32 {
      %mul3A_37 = arith.constant 8 : i32
      %mul3A_38 = arith.muli %while3A_36, %mul3A_37 : i32
      %add3A_39 = arith.addi %add3A_9, %mul3A_38 : i32
      "tpu.region"() ({
        %run_scoped3A = tpu.sem_alloc : memref<!tpu.dma_semaphore, #tpu.memory_space<semaphore_mem>>
        %dma_start3A_58 = arith.constant 0 : i32
        %dma_start3A_59 = tpu.memref_slice %arg3[%add3A_39, %dma_start3A_58] : memref<2560x128xi32, #tpu.memory_space<hbm>> -> memref<8x128xi32, #tpu.memory_space<hbm>>
        %dma_start3A_60 = arith.constant 0 : i32
        %dma_start3A_61 = tpu.memref_slice %arg3[%add3A_39, %dma_start3A_60] : memref<2560x128xi32, #tpu.memory_space<hbm>> -> memref<8x128xi32, #tpu.memory_space<hbm>>
        tpu.enqueue_dma source(%dma_start3A_61 : memref<8x128xi32, #tpu.memory_space<hbm>>) target(%arg7 : memref<8x128xi32, #tpu.memory_space<vmem>>) target_semaphore(%run_scoped3A : memref<!tpu.dma_semaphore, #tpu.memory_space<semaphore_mem>>)
        %dma_wait3A = arith.constant 0 : i32
        %dma_wait3A_62 = tpu.memref_slice %arg3[%add3A_39, %dma_wait3A] : memref<2560x128xi32, #tpu.memory_space<hbm>> -> memref<8x128xi32, #tpu.memory_space<hbm>>
        %dma_wait3A_63 = arith.constant 0 : i32
        %dma_wait3A_64 = tpu.memref_slice %arg3[%add3A_39, %dma_wait3A_63] : memref<2560x128xi32, #tpu.memory_space<hbm>> -> memref<8x128xi32, #tpu.memory_space<hbm>>
        tpu.wait_dma2 semaphore(%run_scoped3A : memref<!tpu.dma_semaphore, #tpu.memory_space<semaphore_mem>>) src(%dma_wait3A_64 : memref<8x128xi32, #tpu.memory_space<hbm>>) dst(%arg7 : memref<8x128xi32, #tpu.memory_space<vmem>>)
        tpu.yield
      }) : () -> ()
      "tpu.region"() ({
        %run_scoped3A = tpu.sem_alloc : memref<!tpu.dma_semaphore, #tpu.memory_space<semaphore_mem>>
        %dma_start3A_58 = arith.constant 0 : i32
        %dma_start3A_59 = tpu.memref_slice %arg4[%add3A_39, %dma_start3A_58] : memref<2560x128xi32, #tpu.memory_space<hbm>> -> memref<8x128xi32, #tpu.memory_space<hbm>>
        %dma_start3A_60 = arith.constant 0 : i32
        %dma_start3A_61 = tpu.memref_slice %arg4[%add3A_39, %dma_start3A_60] : memref<2560x128xi32, #tpu.memory_space<hbm>> -> memref<8x128xi32, #tpu.memory_space<hbm>>
        tpu.enqueue_dma source(%dma_start3A_61 : memref<8x128xi32, #tpu.memory_space<hbm>>) target(%arg8 : memref<8x128xi32, #tpu.memory_space<vmem>>) target_semaphore(%run_scoped3A : memref<!tpu.dma_semaphore, #tpu.memory_space<semaphore_mem>>)
        %dma_wait3A = arith.constant 0 : i32
        %dma_wait3A_62 = tpu.memref_slice %arg4[%add3A_39, %dma_wait3A] : memref<2560x128xi32, #tpu.memory_space<hbm>> -> memref<8x128xi32, #tpu.memory_space<hbm>>
        %dma_wait3A_63 = arith.constant 0 : i32
        %dma_wait3A_64 = tpu.memref_slice %arg4[%add3A_39, %dma_wait3A_63] : memref<2560x128xi32, #tpu.memory_space<hbm>> -> memref<8x128xi32, #tpu.memory_space<hbm>>
        tpu.wait_dma2 semaphore(%run_scoped3A : memref<!tpu.dma_semaphore, #tpu.memory_space<semaphore_mem>>) src(%dma_wait3A_64 : memref<8x128xi32, #tpu.memory_space<hbm>>) dst(%arg8 : memref<8x128xi32, #tpu.memory_space<vmem>>)
        tpu.yield
      }) : () -> ()
      %dma_start3A = arith.constant 0 : i32
      %dma_start3A_40 = arith.constant 0 : i32
      %dma_start3A_41 = tpu.memref_slice %arg7[%dma_start3A, %dma_start3A_40] : memref<8x128xi32, #tpu.memory_space<vmem>> -> memref<1x128xi32, #tpu.memory_space<vmem>>
      %dma_start3A_42 = tpu.memref_squeeze %dma_start3A_41 : memref<1x128xi32, #tpu.memory_space<vmem>> -> memref<128xi32, #tpu.memory_space<vmem>>
      %dma_start3A_43 = arith.constant 0 : i32
      %dma_start3A_44 = arith.constant 0 : i32
      %dma_start3A_45 = tpu.memref_slice %arg2[%dma_start3A_43, %dma_start3A_44] : memref<10240x128xf32, #tpu.memory_space<hbm>> -> memref<10240x128xf32, #tpu.memory_space<hbm>>
      tpu.enqueue_indirect_dma source(%dma_start3A_45 : memref<10240x128xf32, #tpu.memory_space<hbm>>) target(%arg9 : memref<128x128xf32, #tpu.memory_space<vmem>>) offsets(%dma_start3A_42 : memref<128xi32, #tpu.memory_space<vmem>>) semaphore(%arg12 : memref<!tpu.dma_semaphore, #tpu.memory_space<semaphore_mem>>)
      %dma_start3A_46 = arith.constant 1 : i32
      %dma_start3A_47 = arith.constant 0 : i32
      %dma_start3A_48 = tpu.memref_slice %arg7[%dma_start3A_46, %dma_start3A_47] : memref<8x128xi32, #tpu.memory_space<vmem>> -> memref<1x128xi32, #tpu.memory_space<vmem>>
      %dma_start3A_49 = tpu.memref_squeeze %dma_start3A_48 : memref<1x128xi32, #tpu.memory_space<vmem>> -> memref<128xi32, #tpu.memory_space<vmem>>
      %dma_start3A_50 = arith.constant 0 : i32
      %dma_start3A_51 = arith.constant 0 : i32
      %dma_start3A_52 = tpu.memref_slice %arg2[%dma_start3A_50, %dma_start3A_51] : memref<10240x128xf32, #tpu.memory_space<hbm>> -> memref<10240x128xf32, #tpu.memory_space<hbm>>
      tpu.enqueue_indirect_dma source(%dma_start3A_52 : memref<10240x128xf32, #tpu.memory_space<hbm>>) target(%arg10 : memref<128x128xf32, #tpu.memory_space<vmem>>) offsets(%dma_start3A_49 : memref<128xi32, #tpu.memory_space<vmem>>) semaphore(%arg13 : memref<!tpu.dma_semaphore, #tpu.memory_space<semaphore_mem>>)
      %scan3A = arith.constant 0 : i32
      %scan3A_53 = arith.constant 0 : i32
      %scan3A_54 = arith.constant 4 : i32
      %scan3A_55 = arith.addi %scan3A_53, %scan3A_54 : i32
      %scan3A_56 = arith.constant 1 : i32
      scf.for %scan3A_58 = %scan3A_53 to %scan3A_55 step %scan3A_56  : i32 {
        %mul3A_59 = arith.constant 2 : i32
        %mul3A_60 = arith.muli %scan3A_58, %mul3A_59 : i32
        %add3A_61 = arith.constant 0 : i32
        %add3A_62 = arith.addi %mul3A_60, %add3A_61 : i32
        %add3A_63 = arith.constant 2 : i32
        %add3A_64 = arith.addi %add3A_62, %add3A_63 : i32
        %add3A_65 = arith.constant 0 : i32
        %add3A_66 = arith.addi %mul3A_60, %add3A_65 : i32
        %dma_wait3A = arith.constant 0 : i32
        %dma_wait3A_67 = tpu.memref_slice %arg7[%add3A_66, %dma_wait3A] : memref<8x128xi32, #tpu.memory_space<vmem>> -> memref<1x128xi32, #tpu.memory_space<vmem>>
        %dma_wait3A_68 = tpu.memref_squeeze %dma_wait3A_67 : memref<1x128xi32, #tpu.memory_space<vmem>> -> memref<128xi32, #tpu.memory_space<vmem>>
        %dma_wait3A_69 = arith.constant 0 : i32
        %dma_wait3A_70 = arith.constant 0 : i32
        %dma_wait3A_71 = tpu.memref_slice %arg2[%dma_wait3A_69, %dma_wait3A_70] : memref<10240x128xf32, #tpu.memory_space<hbm>> -> memref<10240x128xf32, #tpu.memory_space<hbm>>
        tpu.wait_indirect_dma semaphore(%arg12 : memref<!tpu.dma_semaphore, #tpu.memory_space<semaphore_mem>>) src(%dma_wait3A_71 : memref<10240x128xf32, #tpu.memory_space<hbm>>) dst(%arg9 : memref<128x128xf32, #tpu.memory_space<vmem>>)
        %add3A_72 = arith.constant 0 : i32
        %add3A_73 = arith.addi %mul3A_60, %add3A_72 : i32
        "tpu.region"() ({
          %run_scoped3A = tpu.sem_alloc : memref<!tpu.dma_semaphore, #tpu.memory_space<semaphore_mem>>
          %dma_start3A_95 = arith.constant 0 : i32
          %dma_start3A_96 = tpu.memref_slice %arg8[%add3A_73, %dma_start3A_95] : memref<8x128xi32, #tpu.memory_space<vmem>> -> memref<1x128xi32, #tpu.memory_space<vmem>>
          %dma_start3A_97 = tpu.memref_squeeze %dma_start3A_96 : memref<1x128xi32, #tpu.memory_space<vmem>> -> memref<128xi32, #tpu.memory_space<vmem>>
          %dma_start3A_98 = arith.constant 0 : i32
          %dma_start3A_99 = arith.constant 0 : i32
          %dma_start3A_100 = tpu.memref_slice %arg11[%dma_start3A_98, %dma_start3A_99] : memref<10240x128xf32, #tpu.memory_space<vmem_shared>> -> memref<10240x128xf32, #tpu.memory_space<vmem_shared>>
          tpu.enqueue_indirect_dma source(%arg9 : memref<128x128xf32, #tpu.memory_space<vmem>>) target(%dma_start3A_100 : memref<10240x128xf32, #tpu.memory_space<vmem_shared>>) offsets(%dma_start3A_97 : memref<128xi32, #tpu.memory_space<vmem>>) semaphore(%run_scoped3A : memref<!tpu.dma_semaphore, #tpu.memory_space<semaphore_mem>>) {add = true}
          %dma_wait3A_101 = arith.constant 0 : i32
          %dma_wait3A_102 = tpu.memref_slice %arg8[%add3A_73, %dma_wait3A_101] : memref<8x128xi32, #tpu.memory_space<vmem>> -> memref<1x128xi32, #tpu.memory_space<vmem>>
          %dma_wait3A_103 = tpu.memref_squeeze %dma_wait3A_102 : memref<1x128xi32, #tpu.memory_space<vmem>> -> memref<128xi32, #tpu.memory_space<vmem>>
          %dma_wait3A_104 = arith.constant 0 : i32
          %dma_wait3A_105 = arith.constant 0 : i32
          %dma_wait3A_106 = tpu.memref_slice %arg11[%dma_wait3A_104, %dma_wait3A_105] : memref<10240x128xf32, #tpu.memory_space<vmem_shared>> -> memref<10240x128xf32, #tpu.memory_space<vmem_shared>>
          tpu.wait_indirect_dma semaphore(%run_scoped3A : memref<!tpu.dma_semaphore, #tpu.memory_space<semaphore_mem>>) src(%arg9 : memref<128x128xf32, #tpu.memory_space<vmem>>) dst(%dma_wait3A_106 : memref<10240x128xf32, #tpu.memory_space<vmem_shared>>)
          tpu.yield
        }) : () -> ()
        %lt3A = arith.constant 8 : i32
        %lt3A_74 = arith.cmpi slt, %add3A_64, %lt3A : i32
        %convert_element_type3A = arith.extui %lt3A_74 : i1 to i32
        %cond3A = arith.constant 0 : i32
        %cond3A_75 = arith.cmpi ne, %convert_element_type3A, %cond3A : i32
        scf.if %cond3A_75 {
          %dma_start3A_95 = arith.constant 0 : i32
          %dma_start3A_96 = tpu.memref_slice %arg7[%add3A_64, %dma_start3A_95] : memref<8x128xi32, #tpu.memory_space<vmem>> -> memref<1x128xi32, #tpu.memory_space<vmem>>
          %dma_start3A_97 = tpu.memref_squeeze %dma_start3A_96 : memref<1x128xi32, #tpu.memory_space<vmem>> -> memref<128xi32, #tpu.memory_space<vmem>>
          %dma_start3A_98 = arith.constant 0 : i32
          %dma_start3A_99 = arith.constant 0 : i32
          %dma_start3A_100 = tpu.memref_slice %arg2[%dma_start3A_98, %dma_start3A_99] : memref<10240x128xf32, #tpu.memory_space<hbm>> -> memref<10240x128xf32, #tpu.memory_space<hbm>>
          tpu.enqueue_indirect_dma source(%dma_start3A_100 : memref<10240x128xf32, #tpu.memory_space<hbm>>) target(%arg9 : memref<128x128xf32, #tpu.memory_space<vmem>>) offsets(%dma_start3A_97 : memref<128xi32, #tpu.memory_space<vmem>>) semaphore(%arg12 : memref<!tpu.dma_semaphore, #tpu.memory_space<semaphore_mem>>)
        } else {
        }
        %add3A_76 = arith.constant 1 : i32
        %add3A_77 = arith.addi %mul3A_60, %add3A_76 : i32
        %add3A_78 = arith.constant 2 : i32
        %add3A_79 = arith.addi %add3A_77, %add3A_78 : i32
        %add3A_80 = arith.constant 1 : i32
        %add3A_81 = arith.addi %mul3A_60, %add3A_80 : i32
        %dma_wait3A_82 = arith.constant 0 : i32
        %dma_wait3A_83 = tpu.memref_slice %arg7[%add3A_81, %dma_wait3A_82] : memref<8x128xi32, #tpu.memory_space<vmem>> -> memref<1x128xi32, #tpu.memory_space<vmem>>
        %dma_wait3A_84 = tpu.memref_squeeze %dma_wait3A_83 : memref<1x128xi32, #tpu.memory_space<vmem>> -> memref<128xi32, #tpu.memory_space<vmem>>
        %dma_wait3A_85 = arith.constant 0 : i32
        %dma_wait3A_86 = arith.constant 0 : i32
        %dma_wait3A_87 = tpu.memref_slice %arg2[%dma_wait3A_85, %dma_wait3A_86] : memref<10240x128xf32, #tpu.memory_space<hbm>> -> memref<10240x128xf32, #tpu.memory_space<hbm>>
        tpu.wait_indirect_dma semaphore(%arg13 : memref<!tpu.dma_semaphore, #tpu.memory_space<semaphore_mem>>) src(%dma_wait3A_87 : memref<10240x128xf32, #tpu.memory_space<hbm>>) dst(%arg10 : memref<128x128xf32, #tpu.memory_space<vmem>>)
        %add3A_88 = arith.constant 1 : i32
        %add3A_89 = arith.addi %mul3A_60, %add3A_88 : i32
        "tpu.region"() ({
          %run_scoped3A = tpu.sem_alloc : memref<!tpu.dma_semaphore, #tpu.memory_space<semaphore_mem>>
          %dma_start3A_95 = arith.constant 0 : i32
          %dma_start3A_96 = tpu.memref_slice %arg8[%add3A_89, %dma_start3A_95] : memref<8x128xi32, #tpu.memory_space<vmem>> -> memref<1x128xi32, #tpu.memory_space<vmem>>
          %dma_start3A_97 = tpu.memref_squeeze %dma_start3A_96 : memref<1x128xi32, #tpu.memory_space<vmem>> -> memref<128xi32, #tpu.memory_space<vmem>>
          %dma_start3A_98 = arith.constant 0 : i32
          %dma_start3A_99 = arith.constant 0 : i32
          %dma_start3A_100 = tpu.memref_slice %arg11[%dma_start3A_98, %dma_start3A_99] : memref<10240x128xf32, #tpu.memory_space<vmem_shared>> -> memref<10240x128xf32, #tpu.memory_space<vmem_shared>>
          tpu.enqueue_indirect_dma source(%arg10 : memref<128x128xf32, #tpu.memory_space<vmem>>) target(%dma_start3A_100 : memref<10240x128xf32, #tpu.memory_space<vmem_shared>>) offsets(%dma_start3A_97 : memref<128xi32, #tpu.memory_space<vmem>>) semaphore(%run_scoped3A : memref<!tpu.dma_semaphore, #tpu.memory_space<semaphore_mem>>) {add = true}
          %dma_wait3A_101 = arith.constant 0 : i32
          %dma_wait3A_102 = tpu.memref_slice %arg8[%add3A_89, %dma_wait3A_101] : memref<8x128xi32, #tpu.memory_space<vmem>> -> memref<1x128xi32, #tpu.memory_space<vmem>>
          %dma_wait3A_103 = tpu.memref_squeeze %dma_wait3A_102 : memref<1x128xi32, #tpu.memory_space<vmem>> -> memref<128xi32, #tpu.memory_space<vmem>>
          %dma_wait3A_104 = arith.constant 0 : i32
          %dma_wait3A_105 = arith.constant 0 : i32
          %dma_wait3A_106 = tpu.memref_slice %arg11[%dma_wait3A_104, %dma_wait3A_105] : memref<10240x128xf32, #tpu.memory_space<vmem_shared>> -> memref<10240x128xf32, #tpu.memory_space<vmem_shared>>
          tpu.wait_indirect_dma semaphore(%run_scoped3A : memref<!tpu.dma_semaphore, #tpu.memory_space<semaphore_mem>>) src(%arg10 : memref<128x128xf32, #tpu.memory_space<vmem>>) dst(%dma_wait3A_106 : memref<10240x128xf32, #tpu.memory_space<vmem_shared>>)
          tpu.yield
        }) : () -> ()
        %lt3A_90 = arith.constant 8 : i32
        %lt3A_91 = arith.cmpi slt, %add3A_79, %lt3A_90 : i32
        %convert_element_type3A_92 = arith.extui %lt3A_91 : i1 to i32
        %cond3A_93 = arith.constant 0 : i32
        %cond3A_94 = arith.cmpi ne, %convert_element_type3A_92, %cond3A_93 : i32
        scf.if %cond3A_94 {
          %dma_start3A_95 = arith.constant 0 : i32
          %dma_start3A_96 = tpu.memref_slice %arg7[%add3A_79, %dma_start3A_95] : memref<8x128xi32, #tpu.memory_space<vmem>> -> memref<1x128xi32, #tpu.memory_space<vmem>>
          %dma_start3A_97 = tpu.memref_squeeze %dma_start3A_96 : memref<1x128xi32, #tpu.memory_space<vmem>> -> memref<128xi32, #tpu.memory_space<vmem>>
          %dma_start3A_98 = arith.constant 0 : i32
          %dma_start3A_99 = arith.constant 0 : i32
          %dma_start3A_100 = tpu.memref_slice %arg2[%dma_start3A_98, %dma_start3A_99] : memref<10240x128xf32, #tpu.memory_space<hbm>> -> memref<10240x128xf32, #tpu.memory_space<hbm>>
          tpu.enqueue_indirect_dma source(%dma_start3A_100 : memref<10240x128xf32, #tpu.memory_space<hbm>>) target(%arg10 : memref<128x128xf32, #tpu.memory_space<vmem>>) offsets(%dma_start3A_97 : memref<128xi32, #tpu.memory_space<vmem>>) semaphore(%arg13 : memref<!tpu.dma_semaphore, #tpu.memory_space<semaphore_mem>>)
        } else {
        }
      }
      %scan3A_57 = arith.constant 4 : i32
    }
    %while3A_34 = arith.constant 1 : i32
    scf.for %while3A_36 = %while3A_32 to %while3A_28 step %while3A_34  : i32 {
      %mul3A_37 = arith.constant 8 : i32
      %mul3A_38 = arith.muli %while3A_36, %mul3A_37 : i32
      %add3A_39 = arith.addi %add3A_9, %mul3A_38 : i32
      "tpu.region"() ({
        %run_scoped3A = tpu.sem_alloc : memref<!tpu.dma_semaphore, #tpu.memory_space<semaphore_mem>>
        %dma_start3A_58 = arith.constant 0 : i32
        %dma_start3A_59 = tpu.memref_slice %arg3[%add3A_39, %dma_start3A_58] : memref<2560x128xi32, #tpu.memory_space<hbm>> -> memref<8x128xi32, #tpu.memory_space<hbm>>
        %dma_start3A_60 = arith.constant 0 : i32
        %dma_start3A_61 = tpu.memref_slice %arg3[%add3A_39, %dma_start3A_60] : memref<2560x128xi32, #tpu.memory_space<hbm>> -> memref<8x128xi32, #tpu.memory_space<hbm>>
        tpu.enqueue_dma source(%dma_start3A_61 : memref<8x128xi32, #tpu.memory_space<hbm>>) target(%arg7 : memref<8x128xi32, #tpu.memory_space<vmem>>) target_semaphore(%run_scoped3A : memref<!tpu.dma_semaphore, #tpu.memory_space<semaphore_mem>>)
        %dma_wait3A = arith.constant 0 : i32
        %dma_wait3A_62 = tpu.memref_slice %arg3[%add3A_39, %dma_wait3A] : memref<2560x128xi32, #tpu.memory_space<hbm>> -> memref<8x128xi32, #tpu.memory_space<hbm>>
        %dma_wait3A_63 = arith.constant 0 : i32
        %dma_wait3A_64 = tpu.memref_slice %arg3[%add3A_39, %dma_wait3A_63] : memref<2560x128xi32, #tpu.memory_space<hbm>> -> memref<8x128xi32, #tpu.memory_space<hbm>>
        tpu.wait_dma2 semaphore(%run_scoped3A : memref<!tpu.dma_semaphore, #tpu.memory_space<semaphore_mem>>) src(%dma_wait3A_64 : memref<8x128xi32, #tpu.memory_space<hbm>>) dst(%arg7 : memref<8x128xi32, #tpu.memory_space<vmem>>)
        tpu.yield
      }) : () -> ()
      "tpu.region"() ({
        %run_scoped3A = tpu.sem_alloc : memref<!tpu.dma_semaphore, #tpu.memory_space<semaphore_mem>>
        %dma_start3A_58 = arith.constant 0 : i32
        %dma_start3A_59 = tpu.memref_slice %arg4[%add3A_39, %dma_start3A_58] : memref<2560x128xi32, #tpu.memory_space<hbm>> -> memref<8x128xi32, #tpu.memory_space<hbm>>
        %dma_start3A_60 = arith.constant 0 : i32
        %dma_start3A_61 = tpu.memref_slice %arg4[%add3A_39, %dma_start3A_60] : memref<2560x128xi32, #tpu.memory_space<hbm>> -> memref<8x128xi32, #tpu.memory_space<hbm>>
        tpu.enqueue_dma source(%dma_start3A_61 : memref<8x128xi32, #tpu.memory_space<hbm>>) target(%arg8 : memref<8x128xi32, #tpu.memory_space<vmem>>) target_semaphore(%run_scoped3A : memref<!tpu.dma_semaphore, #tpu.memory_space<semaphore_mem>>)
        %dma_wait3A = arith.constant 0 : i32
        %dma_wait3A_62 = tpu.memref_slice %arg4[%add3A_39, %dma_wait3A] : memref<2560x128xi32, #tpu.memory_space<hbm>> -> memref<8x128xi32, #tpu.memory_space<hbm>>
        %dma_wait3A_63 = arith.constant 0 : i32
        %dma_wait3A_64 = tpu.memref_slice %arg4[%add3A_39, %dma_wait3A_63] : memref<2560x128xi32, #tpu.memory_space<hbm>> -> memref<8x128xi32, #tpu.memory_space<hbm>>
        tpu.wait_dma2 semaphore(%run_scoped3A : memref<!tpu.dma_semaphore, #tpu.memory_space<semaphore_mem>>) src(%dma_wait3A_64 : memref<8x128xi32, #tpu.memory_space<hbm>>) dst(%arg8 : memref<8x128xi32, #tpu.memory_space<vmem>>)
        tpu.yield
      }) : () -> ()
      %dma_start3A = arith.constant 0 : i32
      %dma_start3A_40 = arith.constant 0 : i32
      %dma_start3A_41 = tpu.memref_slice %arg7[%dma_start3A, %dma_start3A_40] : memref<8x128xi32, #tpu.memory_space<vmem>> -> memref<1x128xi32, #tpu.memory_space<vmem>>
      %dma_start3A_42 = tpu.memref_squeeze %dma_start3A_41 : memref<1x128xi32, #tpu.memory_space<vmem>> -> memref<128xi32, #tpu.memory_space<vmem>>
      %dma_start3A_43 = arith.constant 0 : i32
      %dma_start3A_44 = arith.constant 0 : i32
      %dma_start3A_45 = tpu.memref_slice %arg2[%dma_start3A_43, %dma_start3A_44] : memref<10240x128xf32, #tpu.memory_space<hbm>> -> memref<10240x128xf32, #tpu.memory_space<hbm>>
      tpu.enqueue_indirect_dma source(%dma_start3A_45 : memref<10240x128xf32, #tpu.memory_space<hbm>>) target(%arg9 : memref<128x128xf32, #tpu.memory_space<vmem>>) offsets(%dma_start3A_42 : memref<128xi32, #tpu.memory_space<vmem>>) semaphore(%arg12 : memref<!tpu.dma_semaphore, #tpu.memory_space<semaphore_mem>>)
      %dma_start3A_46 = arith.constant 1 : i32
      %dma_start3A_47 = arith.constant 0 : i32
      %dma_start3A_48 = tpu.memref_slice %arg7[%dma_start3A_46, %dma_start3A_47] : memref<8x128xi32, #tpu.memory_space<vmem>> -> memref<1x128xi32, #tpu.memory_space<vmem>>
      %dma_start3A_49 = tpu.memref_squeeze %dma_start3A_48 : memref<1x128xi32, #tpu.memory_space<vmem>> -> memref<128xi32, #tpu.memory_space<vmem>>
      %dma_start3A_50 = arith.constant 0 : i32
      %dma_start3A_51 = arith.constant 0 : i32
      %dma_start3A_52 = tpu.memref_slice %arg2[%dma_start3A_50, %dma_start3A_51] : memref<10240x128xf32, #tpu.memory_space<hbm>> -> memref<10240x128xf32, #tpu.memory_space<hbm>>
      tpu.enqueue_indirect_dma source(%dma_start3A_52 : memref<10240x128xf32, #tpu.memory_space<hbm>>) target(%arg10 : memref<128x128xf32, #tpu.memory_space<vmem>>) offsets(%dma_start3A_49 : memref<128xi32, #tpu.memory_space<vmem>>) semaphore(%arg13 : memref<!tpu.dma_semaphore, #tpu.memory_space<semaphore_mem>>)
      %scan3A = arith.constant 0 : i32
      %scan3A_53 = arith.constant 0 : i32
      %scan3A_54 = arith.constant 4 : i32
      %scan3A_55 = arith.addi %scan3A_53, %scan3A_54 : i32
      %scan3A_56 = arith.constant 1 : i32
      scf.for %scan3A_58 = %scan3A_53 to %scan3A_55 step %scan3A_56  : i32 {
        %mul3A_59 = arith.constant 2 : i32
        %mul3A_60 = arith.muli %scan3A_58, %mul3A_59 : i32
        %add3A_61 = arith.constant 0 : i32
        %add3A_62 = arith.addi %mul3A_60, %add3A_61 : i32
        %add3A_63 = arith.constant 2 : i32
        %add3A_64 = arith.addi %add3A_62, %add3A_63 : i32
        %add3A_65 = arith.constant 0 : i32
        %add3A_66 = arith.addi %mul3A_60, %add3A_65 : i32
        %dma_wait3A = arith.constant 0 : i32
        %dma_wait3A_67 = tpu.memref_slice %arg7[%add3A_66, %dma_wait3A] : memref<8x128xi32, #tpu.memory_space<vmem>> -> memref<1x128xi32, #tpu.memory_space<vmem>>
        %dma_wait3A_68 = tpu.memref_squeeze %dma_wait3A_67 : memref<1x128xi32, #tpu.memory_space<vmem>> -> memref<128xi32, #tpu.memory_space<vmem>>
        %dma_wait3A_69 = arith.constant 0 : i32
        %dma_wait3A_70 = arith.constant 0 : i32
        %dma_wait3A_71 = tpu.memref_slice %arg2[%dma_wait3A_69, %dma_wait3A_70] : memref<10240x128xf32, #tpu.memory_space<hbm>> -> memref<10240x128xf32, #tpu.memory_space<hbm>>
        tpu.wait_indirect_dma semaphore(%arg12 : memref<!tpu.dma_semaphore, #tpu.memory_space<semaphore_mem>>) src(%dma_wait3A_71 : memref<10240x128xf32, #tpu.memory_space<hbm>>) dst(%arg9 : memref<128x128xf32, #tpu.memory_space<vmem>>)
        %add3A_72 = arith.constant 0 : i32
        %add3A_73 = arith.addi %mul3A_60, %add3A_72 : i32
        "tpu.region"() ({
          %run_scoped3A = tpu.sem_alloc : memref<!tpu.dma_semaphore, #tpu.memory_space<semaphore_mem>>
          %dma_start3A_95 = arith.constant 0 : i32
          %dma_start3A_96 = tpu.memref_slice %arg8[%add3A_73, %dma_start3A_95] : memref<8x128xi32, #tpu.memory_space<vmem>> -> memref<1x128xi32, #tpu.memory_space<vmem>>
          %dma_start3A_97 = tpu.memref_squeeze %dma_start3A_96 : memref<1x128xi32, #tpu.memory_space<vmem>> -> memref<128xi32, #tpu.memory_space<vmem>>
          %dma_start3A_98 = arith.constant 0 : i32
          %dma_start3A_99 = arith.constant 0 : i32
          %dma_start3A_100 = tpu.memref_slice %arg11[%dma_start3A_98, %dma_start3A_99] : memref<10240x128xf32, #tpu.memory_space<vmem_shared>> -> memref<10240x128xf32, #tpu.memory_space<vmem_shared>>
          tpu.enqueue_indirect_dma source(%arg9 : memref<128x128xf32, #tpu.memory_space<vmem>>) target(%dma_start3A_100 : memref<10240x128xf32, #tpu.memory_space<vmem_shared>>) offsets(%dma_start3A_97 : memref<128xi32, #tpu.memory_space<vmem>>) semaphore(%run_scoped3A : memref<!tpu.dma_semaphore, #tpu.memory_space<semaphore_mem>>) {add = true}
          %dma_wait3A_101 = arith.constant 0 : i32
          %dma_wait3A_102 = tpu.memref_slice %arg8[%add3A_73, %dma_wait3A_101] : memref<8x128xi32, #tpu.memory_space<vmem>> -> memref<1x128xi32, #tpu.memory_space<vmem>>
          %dma_wait3A_103 = tpu.memref_squeeze %dma_wait3A_102 : memref<1x128xi32, #tpu.memory_space<vmem>> -> memref<128xi32, #tpu.memory_space<vmem>>
          %dma_wait3A_104 = arith.constant 0 : i32
          %dma_wait3A_105 = arith.constant 0 : i32
          %dma_wait3A_106 = tpu.memref_slice %arg11[%dma_wait3A_104, %dma_wait3A_105] : memref<10240x128xf32, #tpu.memory_space<vmem_shared>> -> memref<10240x128xf32, #tpu.memory_space<vmem_shared>>
          tpu.wait_indirect_dma semaphore(%run_scoped3A : memref<!tpu.dma_semaphore, #tpu.memory_space<semaphore_mem>>) src(%arg9 : memref<128x128xf32, #tpu.memory_space<vmem>>) dst(%dma_wait3A_106 : memref<10240x128xf32, #tpu.memory_space<vmem_shared>>)
          tpu.yield
        }) : () -> ()
        %lt3A = arith.constant 8 : i32
        %lt3A_74 = arith.cmpi slt, %add3A_64, %lt3A : i32
        %convert_element_type3A = arith.extui %lt3A_74 : i1 to i32
        %cond3A = arith.constant 0 : i32
        %cond3A_75 = arith.cmpi ne, %convert_element_type3A, %cond3A : i32
        scf.if %cond3A_75 {
          %dma_start3A_95 = arith.constant 0 : i32
          %dma_start3A_96 = tpu.memref_slice %arg7[%add3A_64, %dma_start3A_95] : memref<8x128xi32, #tpu.memory_space<vmem>> -> memref<1x128xi32, #tpu.memory_space<vmem>>
          %dma_start3A_97 = tpu.memref_squeeze %dma_start3A_96 : memref<1x128xi32, #tpu.memory_space<vmem>> -> memref<128xi32, #tpu.memory_space<vmem>>
          %dma_start3A_98 = arith.constant 0 : i32
          %dma_start3A_99 = arith.constant 0 : i32
          %dma_start3A_100 = tpu.memref_slice %arg2[%dma_start3A_98, %dma_start3A_99] : memref<10240x128xf32, #tpu.memory_space<hbm>> -> memref<10240x128xf32, #tpu.memory_space<hbm>>
          tpu.enqueue_indirect_dma source(%dma_start3A_100 : memref<10240x128xf32, #tpu.memory_space<hbm>>) target(%arg9 : memref<128x128xf32, #tpu.memory_space<vmem>>) offsets(%dma_start3A_97 : memref<128xi32, #tpu.memory_space<vmem>>) semaphore(%arg12 : memref<!tpu.dma_semaphore, #tpu.memory_space<semaphore_mem>>)
        } else {
        }
        %add3A_76 = arith.constant 1 : i32
        %add3A_77 = arith.addi %mul3A_60, %add3A_76 : i32
        %add3A_78 = arith.constant 2 : i32
        %add3A_79 = arith.addi %add3A_77, %add3A_78 : i32
        %add3A_80 = arith.constant 1 : i32
        %add3A_81 = arith.addi %mul3A_60, %add3A_80 : i32
        %dma_wait3A_82 = arith.constant 0 : i32
        %dma_wait3A_83 = tpu.memref_slice %arg7[%add3A_81, %dma_wait3A_82] : memref<8x128xi32, #tpu.memory_space<vmem>> -> memref<1x128xi32, #tpu.memory_space<vmem>>
        %dma_wait3A_84 = tpu.memref_squeeze %dma_wait3A_83 : memref<1x128xi32, #tpu.memory_space<vmem>> -> memref<128xi32, #tpu.memory_space<vmem>>
        %dma_wait3A_85 = arith.constant 0 : i32
        %dma_wait3A_86 = arith.constant 0 : i32
        %dma_wait3A_87 = tpu.memref_slice %arg2[%dma_wait3A_85, %dma_wait3A_86] : memref<10240x128xf32, #tpu.memory_space<hbm>> -> memref<10240x128xf32, #tpu.memory_space<hbm>>
        tpu.wait_indirect_dma semaphore(%arg13 : memref<!tpu.dma_semaphore, #tpu.memory_space<semaphore_mem>>) src(%dma_wait3A_87 : memref<10240x128xf32, #tpu.memory_space<hbm>>) dst(%arg10 : memref<128x128xf32, #tpu.memory_space<vmem>>)
        %add3A_88 = arith.constant 1 : i32
        %add3A_89 = arith.addi %mul3A_60, %add3A_88 : i32
        "tpu.region"() ({
          %run_scoped3A = tpu.sem_alloc : memref<!tpu.dma_semaphore, #tpu.memory_space<semaphore_mem>>
          %dma_start3A_95 = arith.constant 0 : i32
          %dma_start3A_96 = tpu.memref_slice %arg8[%add3A_89, %dma_start3A_95] : memref<8x128xi32, #tpu.memory_space<vmem>> -> memref<1x128xi32, #tpu.memory_space<vmem>>
          %dma_start3A_97 = tpu.memref_squeeze %dma_start3A_96 : memref<1x128xi32, #tpu.memory_space<vmem>> -> memref<128xi32, #tpu.memory_space<vmem>>
          %dma_start3A_98 = arith.constant 0 : i32
          %dma_start3A_99 = arith.constant 0 : i32
          %dma_start3A_100 = tpu.memref_slice %arg11[%dma_start3A_98, %dma_start3A_99] : memref<10240x128xf32, #tpu.memory_space<vmem_shared>> -> memref<10240x128xf32, #tpu.memory_space<vmem_shared>>
          tpu.enqueue_indirect_dma source(%arg10 : memref<128x128xf32, #tpu.memory_space<vmem>>) target(%dma_start3A_100 : memref<10240x128xf32, #tpu.memory_space<vmem_shared>>) offsets(%dma_start3A_97 : memref<128xi32, #tpu.memory_space<vmem>>) semaphore(%run_scoped3A : memref<!tpu.dma_semaphore, #tpu.memory_space<semaphore_mem>>) {add = true}
          %dma_wait3A_101 = arith.constant 0 : i32
          %dma_wait3A_102 = tpu.memref_slice %arg8[%add3A_89, %dma_wait3A_101] : memref<8x128xi32, #tpu.memory_space<vmem>> -> memref<1x128xi32, #tpu.memory_space<vmem>>
          %dma_wait3A_103 = tpu.memref_squeeze %dma_wait3A_102 : memref<1x128xi32, #tpu.memory_space<vmem>> -> memref<128xi32, #tpu.memory_space<vmem>>
          %dma_wait3A_104 = arith.constant 0 : i32
          %dma_wait3A_105 = arith.constant 0 : i32
          %dma_wait3A_106 = tpu.memref_slice %arg11[%dma_wait3A_104, %dma_wait3A_105] : memref<10240x128xf32, #tpu.memory_space<vmem_shared>> -> memref<10240x128xf32, #tpu.memory_space<vmem_shared>>
          tpu.wait_indirect_dma semaphore(%run_scoped3A : memref<!tpu.dma_semaphore, #tpu.memory_space<semaphore_mem>>) src(%arg10 : memref<128x128xf32, #tpu.memory_space<vmem>>) dst(%dma_wait3A_106 : memref<10240x128xf32, #tpu.memory_space<vmem_shared>>)
          tpu.yield
        }) : () -> ()
        %lt3A_90 = arith.constant 8 : i32
        %lt3A_91 = arith.cmpi slt, %add3A_79, %lt3A_90 : i32
        %convert_element_type3A_92 = arith.extui %lt3A_91 : i1 to i32
        %cond3A_93 = arith.constant 0 : i32
        %cond3A_94 = arith.cmpi ne, %convert_element_type3A_92, %cond3A_93 : i32
        scf.if %cond3A_94 {
          %dma_start3A_95 = arith.constant 0 : i32
          %dma_start3A_96 = tpu.memref_slice %arg7[%add3A_79, %dma_start3A_95] : memref<8x128xi32, #tpu.memory_space<vmem>> -> memref<1x128xi32, #tpu.memory_space<vmem>>
          %dma_start3A_97 = tpu.memref_squeeze %dma_start3A_96 : memref<1x128xi32, #tpu.memory_space<vmem>> -> memref<128xi32, #tpu.memory_space<vmem>>
          %dma_start3A_98 = arith.constant 0 : i32
          %dma_start3A_99 = arith.constant 0 : i32
          %dma_start3A_100 = tpu.memref_slice %arg2[%dma_start3A_98, %dma_start3A_99] : memref<10240x128xf32, #tpu.memory_space<hbm>> -> memref<10240x128xf32, #tpu.memory_space<hbm>>
          tpu.enqueue_indirect_dma source(%dma_start3A_100 : memref<10240x128xf32, #tpu.memory_space<hbm>>) target(%arg10 : memref<128x128xf32, #tpu.memory_space<vmem>>) offsets(%dma_start3A_97 : memref<128xi32, #tpu.memory_space<vmem>>) semaphore(%arg13 : memref<!tpu.dma_semaphore, #tpu.memory_space<semaphore_mem>>)
        } else {
        }
      }
      %scan3A_57 = arith.constant 4 : i32
    }
    %barrier3A_35 = arith.constant 0 : index
    tpu.barrier barrier_id(%barrier3A_35)
    "tpu.region"() ({
      %run_scoped3A = tpu.sem_alloc : memref<!tpu.dma_semaphore, #tpu.memory_space<semaphore_mem>>
      %dma_start3A = arith.constant 0 : i32
      %dma_start3A_36 = tpu.memref_slice %arg6[%arg0, %mul3A_0, %dma_start3A] : memref<2x10240x128xf32, #tpu.memory_space<hbm>> -> memref<1x640x128xf32, #tpu.memory_space<hbm>>
      %dma_start3A_37 = tpu.memref_squeeze %dma_start3A_36 : memref<1x640x128xf32, #tpu.memory_space<hbm>> -> memref<640x128xf32, #tpu.memory_space<hbm>>
      %dma_start3A_38 = arith.constant 0 : i32
      %dma_start3A_39 = tpu.memref_slice %arg11[%mul3A_0, %dma_start3A_38] : memref<10240x128xf32, #tpu.memory_space<vmem_shared>> -> memref<640x128xf32, #tpu.memory_space<vmem_shared>>
      tpu.enqueue_dma source(%dma_start3A_39 : memref<640x128xf32, #tpu.memory_space<vmem_shared>>) target(%dma_start3A_37 : memref<640x128xf32, #tpu.memory_space<hbm>>) target_semaphore(%run_scoped3A : memref<!tpu.dma_semaphore, #tpu.memory_space<semaphore_mem>>)
      %dma_wait3A = arith.constant 0 : i32
      %dma_wait3A_40 = tpu.memref_slice %arg6[%arg0, %mul3A_0, %dma_wait3A] : memref<2x10240x128xf32, #tpu.memory_space<hbm>> -> memref<1x640x128xf32, #tpu.memory_space<hbm>>
      %dma_wait3A_41 = tpu.memref_squeeze %dma_wait3A_40 : memref<1x640x128xf32, #tpu.memory_space<hbm>> -> memref<640x128xf32, #tpu.memory_space<hbm>>
      %dma_wait3A_42 = arith.constant 0 : i32
      %dma_wait3A_43 = tpu.memref_slice %arg11[%mul3A_0, %dma_wait3A_42] : memref<10240x128xf32, #tpu.memory_space<vmem_shared>> -> memref<640x128xf32, #tpu.memory_space<vmem_shared>>
      tpu.wait_dma2 semaphore(%run_scoped3A : memref<!tpu.dma_semaphore, #tpu.memory_space<semaphore_mem>>) src(%dma_wait3A_43 : memref<640x128xf32, #tpu.memory_space<vmem_shared>>) dst(%dma_wait3A_41 : memref<640x128xf32, #tpu.memory_space<hbm>>)
      tpu.yield
    }) : () -> ()
    return
  }
}

#map = affine_map<(d0, d1) -> (0, 0)>
#map1 = affine_map<(d0, d1) -> (0, 0, 0)>
module attributes {stable_mosaic.version = 14 : i64} {
  func.func @sc_agg(%arg0: i32, %arg1: i32, %arg2: memref<10240x128xf32, #tpu.memory_space<hbm>>, %arg3: memref<2560x128xi32, #tpu.memory_space<hbm>>, %arg4: memref<2560x128xi32, #tpu.memory_space<hbm>>, %arg5: memref<640x128xf32, #tpu.memory_space<hbm>>, %arg6: memref<2x10240x128xf32, #tpu.memory_space<hbm>>, %arg7: memref<8x128xi32, #tpu.memory_space<vmem>>, %arg8: memref<8x128xi32, #tpu.memory_space<vmem>>, %arg9: memref<128x128xf32, #tpu.memory_space<vmem>>, %arg10: memref<128x128xf32, #tpu.memory_space<vmem>>, %arg11: memref<10240x128xf32, #tpu.memory_space<vmem_shared>>, %arg12: memref<!tpu.dma_semaphore, #tpu.memory_space<semaphore_mem>>, %arg13: memref<!tpu.dma_semaphore, #tpu.memory_space<semaphore_mem>>) attributes {dimension_semantics = [#tpu.dimension_semantics<core_parallel>, #tpu.dimension_semantics<subcore_parallel>], iteration_bounds = array<i64: 2, 16>, scalar_prefetch = 0 : i64, scratch_operands = 7 : i64, tpu.core_type = #tpu.core_type<sc_vector_subcore>, window_params = [{transform_indices = #map}, {transform_indices = #map}, {transform_indices = #map}, {transform_indices = #map}, {transform_indices = #map1}]} {
    %mul3A = arith.constant 640 : i32
    %mul3A_0 = arith.muli %arg1, %mul3A : i32
    "tpu.region"() ({
      %run_scoped3A = tpu.sem_alloc : memref<!tpu.dma_semaphore, #tpu.memory_space<semaphore_mem>>
      %dma_start3A = arith.constant 0 : i32
      %dma_start3A_36 = tpu.memref_slice %arg11[%mul3A_0, %dma_start3A] : memref<10240x128xf32, #tpu.memory_space<vmem_shared>> -> memref<640x128xf32, #tpu.memory_space<vmem_shared>>
      tpu.enqueue_dma source(%arg5 : memref<640x128xf32, #tpu.memory_space<hbm>>) target(%dma_start3A_36 : memref<640x128xf32, #tpu.memory_space<vmem_shared>>) target_semaphore(%run_scoped3A : memref<!tpu.dma_semaphore, #tpu.memory_space<semaphore_mem>>)
      %dma_wait3A = arith.constant 0 : i32
      %dma_wait3A_37 = tpu.memref_slice %arg11[%mul3A_0, %dma_wait3A] : memref<10240x128xf32, #tpu.memory_space<vmem_shared>> -> memref<640x128xf32, #tpu.memory_space<vmem_shared>>
      tpu.wait_dma2 semaphore(%run_scoped3A : memref<!tpu.dma_semaphore, #tpu.memory_space<semaphore_mem>>) src(%arg5 : memref<640x128xf32, #tpu.memory_space<hbm>>) dst(%dma_wait3A_37 : memref<640x128xf32, #tpu.memory_space<vmem_shared>>)
      tpu.yield
    }) : () -> ()
    %barrier3A = arith.constant 0 : index
    tpu.barrier barrier_id(%barrier3A)
    %mul3A_1 = arith.constant -144 : i32
    %mul3A_2 = arith.muli %arg0, %mul3A_1 : i32
    %add3A = arith.constant 152 : i32
    %add3A_3 = arith.addi %add3A, %mul3A_2 : i32
    %mul3A_4 = arith.constant 16 : i32
    %mul3A_5 = arith.muli %arg0, %mul3A_4 : i32
    %mul3A_6 = arith.constant 152 : i32
    %mul3A_7 = arith.muli %mul3A_5, %mul3A_6 : i32
    %mul3A_8 = arith.muli %arg1, %add3A_3 : i32
    %add3A_9 = arith.addi %mul3A_7, %mul3A_8 : i32
    %jit3A = arith.constant 8 : i32
    %div3A = arith.divsi %add3A_3, %jit3A : i32
    %sign3A = arith.constant 0 : i32
    %sign3A_10 = arith.cmpi sgt, %add3A_3, %sign3A : i32
    %sign3A_11 = arith.extui %sign3A_10 : i1 to i32
    %sign3A_12 = arith.constant 0 : i32
    %sign3A_13 = arith.cmpi slt, %add3A_3, %sign3A_12 : i32
    %sign3A_14 = arith.extui %sign3A_13 : i1 to i32
    %sign3A_15 = arith.subi %sign3A_11, %sign3A_14 : i32
    %sign3A_16 = arith.constant 0 : i32
    %sign3A_17 = arith.cmpi sgt, %jit3A, %sign3A_16 : i32
    %sign3A_18 = arith.extui %sign3A_17 : i1 to i32
    %sign3A_19 = arith.constant 0 : i32
    %sign3A_20 = arith.cmpi slt, %jit3A, %sign3A_19 : i32
    %sign3A_21 = arith.extui %sign3A_20 : i1 to i32
    %sign3A_22 = arith.subi %sign3A_18, %sign3A_21 : i32
    %ne3A = arith.cmpi ne, %sign3A_15, %sign3A_22 : i32
    %rem3A = arith.remsi %add3A_3, %jit3A : i32
    %ne3A_23 = arith.constant 0 : i32
    %ne3A_24 = arith.cmpi ne, %rem3A, %ne3A_23 : i32
    %and3A = arith.andi %ne3A, %ne3A_24 : i1
    %sub3A = arith.constant 1 : i32
    %sub3A_25 = arith.subi %div3A, %sub3A : i32
    %select_n3A = arith.select %and3A, %sub3A_25, %div3A : i32
    %while3A = arith.constant 0 : i32
    %while3A_26 = arith.constant 0 : i32
    %while3A_27 = arith.subi %select_n3A, %while3A_26 : i32
    %while3A_28 = arith.addi %while3A_26, %while3A_27 : i32
    %while3A_29 = arith.constant 1 : i32
    %while3A_30 = arith.divsi %while3A_27, %while3A_29 : i32
    %while3A_31 = arith.muli %while3A_30, %while3A_29 : i32
    %while3A_32 = arith.addi %while3A_26, %while3A_31 : i32
    %while3A_33 = arith.constant 1 : i32
    scf.for %while3A_36 = %while3A_26 to %while3A_32 step %while3A_33  : i32 {
      %mul3A_37 = arith.constant 8 : i32
      %mul3A_38 = arith.muli %while3A_36, %mul3A_37 : i32
      %add3A_39 = arith.addi %add3A_9, %mul3A_38 : i32
      "tpu.region"() ({
        %run_scoped3A = tpu.sem_alloc : memref<!tpu.dma_semaphore, #tpu.memory_space<semaphore_mem>>
        %dma_start3A_58 = arith.constant 0 : i32
        %dma_start3A_59 = tpu.memref_slice %arg3[%add3A_39, %dma_start3A_58] : memref<2560x128xi32, #tpu.memory_space<hbm>> -> memref<8x128xi32, #tpu.memory_space<hbm>>
        %dma_start3A_60 = arith.constant 0 : i32
        %dma_start3A_61 = tpu.memref_slice %arg3[%add3A_39, %dma_start3A_60] : memref<2560x128xi32, #tpu.memory_space<hbm>> -> memref<8x128xi32, #tpu.memory_space<hbm>>
        tpu.enqueue_dma source(%dma_start3A_61 : memref<8x128xi32, #tpu.memory_space<hbm>>) target(%arg7 : memref<8x128xi32, #tpu.memory_space<vmem>>) target_semaphore(%run_scoped3A : memref<!tpu.dma_semaphore, #tpu.memory_space<semaphore_mem>>)
        %dma_wait3A = arith.constant 0 : i32
        %dma_wait3A_62 = tpu.memref_slice %arg3[%add3A_39, %dma_wait3A] : memref<2560x128xi32, #tpu.memory_space<hbm>> -> memref<8x128xi32, #tpu.memory_space<hbm>>
        %dma_wait3A_63 = arith.constant 0 : i32
        %dma_wait3A_64 = tpu.memref_slice %arg3[%add3A_39, %dma_wait3A_63] : memref<2560x128xi32, #tpu.memory_space<hbm>> -> memref<8x128xi32, #tpu.memory_space<hbm>>
        tpu.wait_dma2 semaphore(%run_scoped3A : memref<!tpu.dma_semaphore, #tpu.memory_space<semaphore_mem>>) src(%dma_wait3A_64 : memref<8x128xi32, #tpu.memory_space<hbm>>) dst(%arg7 : memref<8x128xi32, #tpu.memory_space<vmem>>)
        tpu.yield
      }) : () -> ()
      "tpu.region"() ({
        %run_scoped3A = tpu.sem_alloc : memref<!tpu.dma_semaphore, #tpu.memory_space<semaphore_mem>>
        %dma_start3A_58 = arith.constant 0 : i32
        %dma_start3A_59 = tpu.memref_slice %arg4[%add3A_39, %dma_start3A_58] : memref<2560x128xi32, #tpu.memory_space<hbm>> -> memref<8x128xi32, #tpu.memory_space<hbm>>
        %dma_start3A_60 = arith.constant 0 : i32
        %dma_start3A_61 = tpu.memref_slice %arg4[%add3A_39, %dma_start3A_60] : memref<2560x128xi32, #tpu.memory_space<hbm>> -> memref<8x128xi32, #tpu.memory_space<hbm>>
        tpu.enqueue_dma source(%dma_start3A_61 : memref<8x128xi32, #tpu.memory_space<hbm>>) target(%arg8 : memref<8x128xi32, #tpu.memory_space<vmem>>) target_semaphore(%run_scoped3A : memref<!tpu.dma_semaphore, #tpu.memory_space<semaphore_mem>>)
        %dma_wait3A = arith.constant 0 : i32
        %dma_wait3A_62 = tpu.memref_slice %arg4[%add3A_39, %dma_wait3A] : memref<2560x128xi32, #tpu.memory_space<hbm>> -> memref<8x128xi32, #tpu.memory_space<hbm>>
        %dma_wait3A_63 = arith.constant 0 : i32
        %dma_wait3A_64 = tpu.memref_slice %arg4[%add3A_39, %dma_wait3A_63] : memref<2560x128xi32, #tpu.memory_space<hbm>> -> memref<8x128xi32, #tpu.memory_space<hbm>>
        tpu.wait_dma2 semaphore(%run_scoped3A : memref<!tpu.dma_semaphore, #tpu.memory_space<semaphore_mem>>) src(%dma_wait3A_64 : memref<8x128xi32, #tpu.memory_space<hbm>>) dst(%arg8 : memref<8x128xi32, #tpu.memory_space<vmem>>)
        tpu.yield
      }) : () -> ()
      %dma_start3A = arith.constant 0 : i32
      %dma_start3A_40 = arith.constant 0 : i32
      %dma_start3A_41 = tpu.memref_slice %arg7[%dma_start3A, %dma_start3A_40] : memref<8x128xi32, #tpu.memory_space<vmem>> -> memref<1x128xi32, #tpu.memory_space<vmem>>
      %dma_start3A_42 = tpu.memref_squeeze %dma_start3A_41 : memref<1x128xi32, #tpu.memory_space<vmem>> -> memref<128xi32, #tpu.memory_space<vmem>>
      %dma_start3A_43 = arith.constant 0 : i32
      %dma_start3A_44 = arith.constant 0 : i32
      %dma_start3A_45 = tpu.memref_slice %arg2[%dma_start3A_43, %dma_start3A_44] : memref<10240x128xf32, #tpu.memory_space<hbm>> -> memref<10240x128xf32, #tpu.memory_space<hbm>>
      tpu.enqueue_indirect_dma source(%dma_start3A_45 : memref<10240x128xf32, #tpu.memory_space<hbm>>) target(%arg9 : memref<128x128xf32, #tpu.memory_space<vmem>>) offsets(%dma_start3A_42 : memref<128xi32, #tpu.memory_space<vmem>>) semaphore(%arg12 : memref<!tpu.dma_semaphore, #tpu.memory_space<semaphore_mem>>)
      %dma_start3A_46 = arith.constant 1 : i32
      %dma_start3A_47 = arith.constant 0 : i32
      %dma_start3A_48 = tpu.memref_slice %arg7[%dma_start3A_46, %dma_start3A_47] : memref<8x128xi32, #tpu.memory_space<vmem>> -> memref<1x128xi32, #tpu.memory_space<vmem>>
      %dma_start3A_49 = tpu.memref_squeeze %dma_start3A_48 : memref<1x128xi32, #tpu.memory_space<vmem>> -> memref<128xi32, #tpu.memory_space<vmem>>
      %dma_start3A_50 = arith.constant 0 : i32
      %dma_start3A_51 = arith.constant 0 : i32
      %dma_start3A_52 = tpu.memref_slice %arg2[%dma_start3A_50, %dma_start3A_51] : memref<10240x128xf32, #tpu.memory_space<hbm>> -> memref<10240x128xf32, #tpu.memory_space<hbm>>
      tpu.enqueue_indirect_dma source(%dma_start3A_52 : memref<10240x128xf32, #tpu.memory_space<hbm>>) target(%arg10 : memref<128x128xf32, #tpu.memory_space<vmem>>) offsets(%dma_start3A_49 : memref<128xi32, #tpu.memory_space<vmem>>) semaphore(%arg13 : memref<!tpu.dma_semaphore, #tpu.memory_space<semaphore_mem>>)
      %scan3A = arith.constant 0 : i32
      %scan3A_53 = arith.constant 0 : i32
      %scan3A_54 = arith.constant 4 : i32
      %scan3A_55 = arith.addi %scan3A_53, %scan3A_54 : i32
      %scan3A_56 = arith.constant 1 : i32
      scf.for %scan3A_58 = %scan3A_53 to %scan3A_55 step %scan3A_56  : i32 {
        %mul3A_59 = arith.constant 2 : i32
        %mul3A_60 = arith.muli %scan3A_58, %mul3A_59 : i32
        %add3A_61 = arith.constant 0 : i32
        %add3A_62 = arith.addi %mul3A_60, %add3A_61 : i32
        %add3A_63 = arith.constant 2 : i32
        %add3A_64 = arith.addi %add3A_62, %add3A_63 : i32
        %add3A_65 = arith.constant 0 : i32
        %add3A_66 = arith.addi %mul3A_60, %add3A_65 : i32
        %dma_wait3A = arith.constant 0 : i32
        %dma_wait3A_67 = tpu.memref_slice %arg7[%add3A_66, %dma_wait3A] : memref<8x128xi32, #tpu.memory_space<vmem>> -> memref<1x128xi32, #tpu.memory_space<vmem>>
        %dma_wait3A_68 = tpu.memref_squeeze %dma_wait3A_67 : memref<1x128xi32, #tpu.memory_space<vmem>> -> memref<128xi32, #tpu.memory_space<vmem>>
        %dma_wait3A_69 = arith.constant 0 : i32
        %dma_wait3A_70 = arith.constant 0 : i32
        %dma_wait3A_71 = tpu.memref_slice %arg2[%dma_wait3A_69, %dma_wait3A_70] : memref<10240x128xf32, #tpu.memory_space<hbm>> -> memref<10240x128xf32, #tpu.memory_space<hbm>>
        tpu.wait_indirect_dma semaphore(%arg12 : memref<!tpu.dma_semaphore, #tpu.memory_space<semaphore_mem>>) src(%dma_wait3A_71 : memref<10240x128xf32, #tpu.memory_space<hbm>>) dst(%arg9 : memref<128x128xf32, #tpu.memory_space<vmem>>)
        %add3A_72 = arith.constant 0 : i32
        %add3A_73 = arith.addi %mul3A_60, %add3A_72 : i32
        "tpu.region"() ({
          %run_scoped3A = tpu.sem_alloc : memref<!tpu.dma_semaphore, #tpu.memory_space<semaphore_mem>>
          %dma_start3A_95 = arith.constant 0 : i32
          %dma_start3A_96 = tpu.memref_slice %arg8[%add3A_73, %dma_start3A_95] : memref<8x128xi32, #tpu.memory_space<vmem>> -> memref<1x128xi32, #tpu.memory_space<vmem>>
          %dma_start3A_97 = tpu.memref_squeeze %dma_start3A_96 : memref<1x128xi32, #tpu.memory_space<vmem>> -> memref<128xi32, #tpu.memory_space<vmem>>
          %dma_start3A_98 = arith.constant 0 : i32
          %dma_start3A_99 = arith.constant 0 : i32
          %dma_start3A_100 = tpu.memref_slice %arg11[%dma_start3A_98, %dma_start3A_99] : memref<10240x128xf32, #tpu.memory_space<vmem_shared>> -> memref<10240x128xf32, #tpu.memory_space<vmem_shared>>
          tpu.enqueue_indirect_dma source(%arg9 : memref<128x128xf32, #tpu.memory_space<vmem>>) target(%dma_start3A_100 : memref<10240x128xf32, #tpu.memory_space<vmem_shared>>) offsets(%dma_start3A_97 : memref<128xi32, #tpu.memory_space<vmem>>) semaphore(%run_scoped3A : memref<!tpu.dma_semaphore, #tpu.memory_space<semaphore_mem>>) {add = true}
          %dma_wait3A_101 = arith.constant 0 : i32
          %dma_wait3A_102 = tpu.memref_slice %arg8[%add3A_73, %dma_wait3A_101] : memref<8x128xi32, #tpu.memory_space<vmem>> -> memref<1x128xi32, #tpu.memory_space<vmem>>
          %dma_wait3A_103 = tpu.memref_squeeze %dma_wait3A_102 : memref<1x128xi32, #tpu.memory_space<vmem>> -> memref<128xi32, #tpu.memory_space<vmem>>
          %dma_wait3A_104 = arith.constant 0 : i32
          %dma_wait3A_105 = arith.constant 0 : i32
          %dma_wait3A_106 = tpu.memref_slice %arg11[%dma_wait3A_104, %dma_wait3A_105] : memref<10240x128xf32, #tpu.memory_space<vmem_shared>> -> memref<10240x128xf32, #tpu.memory_space<vmem_shared>>
          tpu.wait_indirect_dma semaphore(%run_scoped3A : memref<!tpu.dma_semaphore, #tpu.memory_space<semaphore_mem>>) src(%arg9 : memref<128x128xf32, #tpu.memory_space<vmem>>) dst(%dma_wait3A_106 : memref<10240x128xf32, #tpu.memory_space<vmem_shared>>)
          tpu.yield
        }) : () -> ()
        %lt3A = arith.constant 8 : i32
        %lt3A_74 = arith.cmpi slt, %add3A_64, %lt3A : i32
        %convert_element_type3A = arith.extui %lt3A_74 : i1 to i32
        %cond3A = arith.constant 0 : i32
        %cond3A_75 = arith.cmpi ne, %convert_element_type3A, %cond3A : i32
        scf.if %cond3A_75 {
          %dma_start3A_95 = arith.constant 0 : i32
          %dma_start3A_96 = tpu.memref_slice %arg7[%add3A_64, %dma_start3A_95] : memref<8x128xi32, #tpu.memory_space<vmem>> -> memref<1x128xi32, #tpu.memory_space<vmem>>
          %dma_start3A_97 = tpu.memref_squeeze %dma_start3A_96 : memref<1x128xi32, #tpu.memory_space<vmem>> -> memref<128xi32, #tpu.memory_space<vmem>>
          %dma_start3A_98 = arith.constant 0 : i32
          %dma_start3A_99 = arith.constant 0 : i32
          %dma_start3A_100 = tpu.memref_slice %arg2[%dma_start3A_98, %dma_start3A_99] : memref<10240x128xf32, #tpu.memory_space<hbm>> -> memref<10240x128xf32, #tpu.memory_space<hbm>>
          tpu.enqueue_indirect_dma source(%dma_start3A_100 : memref<10240x128xf32, #tpu.memory_space<hbm>>) target(%arg9 : memref<128x128xf32, #tpu.memory_space<vmem>>) offsets(%dma_start3A_97 : memref<128xi32, #tpu.memory_space<vmem>>) semaphore(%arg12 : memref<!tpu.dma_semaphore, #tpu.memory_space<semaphore_mem>>)
        } else {
        }
        %add3A_76 = arith.constant 1 : i32
        %add3A_77 = arith.addi %mul3A_60, %add3A_76 : i32
        %add3A_78 = arith.constant 2 : i32
        %add3A_79 = arith.addi %add3A_77, %add3A_78 : i32
        %add3A_80 = arith.constant 1 : i32
        %add3A_81 = arith.addi %mul3A_60, %add3A_80 : i32
        %dma_wait3A_82 = arith.constant 0 : i32
        %dma_wait3A_83 = tpu.memref_slice %arg7[%add3A_81, %dma_wait3A_82] : memref<8x128xi32, #tpu.memory_space<vmem>> -> memref<1x128xi32, #tpu.memory_space<vmem>>
        %dma_wait3A_84 = tpu.memref_squeeze %dma_wait3A_83 : memref<1x128xi32, #tpu.memory_space<vmem>> -> memref<128xi32, #tpu.memory_space<vmem>>
        %dma_wait3A_85 = arith.constant 0 : i32
        %dma_wait3A_86 = arith.constant 0 : i32
        %dma_wait3A_87 = tpu.memref_slice %arg2[%dma_wait3A_85, %dma_wait3A_86] : memref<10240x128xf32, #tpu.memory_space<hbm>> -> memref<10240x128xf32, #tpu.memory_space<hbm>>
        tpu.wait_indirect_dma semaphore(%arg13 : memref<!tpu.dma_semaphore, #tpu.memory_space<semaphore_mem>>) src(%dma_wait3A_87 : memref<10240x128xf32, #tpu.memory_space<hbm>>) dst(%arg10 : memref<128x128xf32, #tpu.memory_space<vmem>>)
        %add3A_88 = arith.constant 1 : i32
        %add3A_89 = arith.addi %mul3A_60, %add3A_88 : i32
        "tpu.region"() ({
          %run_scoped3A = tpu.sem_alloc : memref<!tpu.dma_semaphore, #tpu.memory_space<semaphore_mem>>
          %dma_start3A_95 = arith.constant 0 : i32
          %dma_start3A_96 = tpu.memref_slice %arg8[%add3A_89, %dma_start3A_95] : memref<8x128xi32, #tpu.memory_space<vmem>> -> memref<1x128xi32, #tpu.memory_space<vmem>>
          %dma_start3A_97 = tpu.memref_squeeze %dma_start3A_96 : memref<1x128xi32, #tpu.memory_space<vmem>> -> memref<128xi32, #tpu.memory_space<vmem>>
          %dma_start3A_98 = arith.constant 0 : i32
          %dma_start3A_99 = arith.constant 0 : i32
          %dma_start3A_100 = tpu.memref_slice %arg11[%dma_start3A_98, %dma_start3A_99] : memref<10240x128xf32, #tpu.memory_space<vmem_shared>> -> memref<10240x128xf32, #tpu.memory_space<vmem_shared>>
          tpu.enqueue_indirect_dma source(%arg10 : memref<128x128xf32, #tpu.memory_space<vmem>>) target(%dma_start3A_100 : memref<10240x128xf32, #tpu.memory_space<vmem_shared>>) offsets(%dma_start3A_97 : memref<128xi32, #tpu.memory_space<vmem>>) semaphore(%run_scoped3A : memref<!tpu.dma_semaphore, #tpu.memory_space<semaphore_mem>>) {add = true}
          %dma_wait3A_101 = arith.constant 0 : i32
          %dma_wait3A_102 = tpu.memref_slice %arg8[%add3A_89, %dma_wait3A_101] : memref<8x128xi32, #tpu.memory_space<vmem>> -> memref<1x128xi32, #tpu.memory_space<vmem>>
          %dma_wait3A_103 = tpu.memref_squeeze %dma_wait3A_102 : memref<1x128xi32, #tpu.memory_space<vmem>> -> memref<128xi32, #tpu.memory_space<vmem>>
          %dma_wait3A_104 = arith.constant 0 : i32
          %dma_wait3A_105 = arith.constant 0 : i32
          %dma_wait3A_106 = tpu.memref_slice %arg11[%dma_wait3A_104, %dma_wait3A_105] : memref<10240x128xf32, #tpu.memory_space<vmem_shared>> -> memref<10240x128xf32, #tpu.memory_space<vmem_shared>>
          tpu.wait_indirect_dma semaphore(%run_scoped3A : memref<!tpu.dma_semaphore, #tpu.memory_space<semaphore_mem>>) src(%arg10 : memref<128x128xf32, #tpu.memory_space<vmem>>) dst(%dma_wait3A_106 : memref<10240x128xf32, #tpu.memory_space<vmem_shared>>)
          tpu.yield
        }) : () -> ()
        %lt3A_90 = arith.constant 8 : i32
        %lt3A_91 = arith.cmpi slt, %add3A_79, %lt3A_90 : i32
        %convert_element_type3A_92 = arith.extui %lt3A_91 : i1 to i32
        %cond3A_93 = arith.constant 0 : i32
        %cond3A_94 = arith.cmpi ne, %convert_element_type3A_92, %cond3A_93 : i32
        scf.if %cond3A_94 {
          %dma_start3A_95 = arith.constant 0 : i32
          %dma_start3A_96 = tpu.memref_slice %arg7[%add3A_79, %dma_start3A_95] : memref<8x128xi32, #tpu.memory_space<vmem>> -> memref<1x128xi32, #tpu.memory_space<vmem>>
          %dma_start3A_97 = tpu.memref_squeeze %dma_start3A_96 : memref<1x128xi32, #tpu.memory_space<vmem>> -> memref<128xi32, #tpu.memory_space<vmem>>
          %dma_start3A_98 = arith.constant 0 : i32
          %dma_start3A_99 = arith.constant 0 : i32
          %dma_start3A_100 = tpu.memref_slice %arg2[%dma_start3A_98, %dma_start3A_99] : memref<10240x128xf32, #tpu.memory_space<hbm>> -> memref<10240x128xf32, #tpu.memory_space<hbm>>
          tpu.enqueue_indirect_dma source(%dma_start3A_100 : memref<10240x128xf32, #tpu.memory_space<hbm>>) target(%arg10 : memref<128x128xf32, #tpu.memory_space<vmem>>) offsets(%dma_start3A_97 : memref<128xi32, #tpu.memory_space<vmem>>) semaphore(%arg13 : memref<!tpu.dma_semaphore, #tpu.memory_space<semaphore_mem>>)
        } else {
        }
      }
      %scan3A_57 = arith.constant 4 : i32
    }
    %while3A_34 = arith.constant 1 : i32
    scf.for %while3A_36 = %while3A_32 to %while3A_28 step %while3A_34  : i32 {
      %mul3A_37 = arith.constant 8 : i32
      %mul3A_38 = arith.muli %while3A_36, %mul3A_37 : i32
      %add3A_39 = arith.addi %add3A_9, %mul3A_38 : i32
      "tpu.region"() ({
        %run_scoped3A = tpu.sem_alloc : memref<!tpu.dma_semaphore, #tpu.memory_space<semaphore_mem>>
        %dma_start3A_58 = arith.constant 0 : i32
        %dma_start3A_59 = tpu.memref_slice %arg3[%add3A_39, %dma_start3A_58] : memref<2560x128xi32, #tpu.memory_space<hbm>> -> memref<8x128xi32, #tpu.memory_space<hbm>>
        %dma_start3A_60 = arith.constant 0 : i32
        %dma_start3A_61 = tpu.memref_slice %arg3[%add3A_39, %dma_start3A_60] : memref<2560x128xi32, #tpu.memory_space<hbm>> -> memref<8x128xi32, #tpu.memory_space<hbm>>
        tpu.enqueue_dma source(%dma_start3A_61 : memref<8x128xi32, #tpu.memory_space<hbm>>) target(%arg7 : memref<8x128xi32, #tpu.memory_space<vmem>>) target_semaphore(%run_scoped3A : memref<!tpu.dma_semaphore, #tpu.memory_space<semaphore_mem>>)
        %dma_wait3A = arith.constant 0 : i32
        %dma_wait3A_62 = tpu.memref_slice %arg3[%add3A_39, %dma_wait3A] : memref<2560x128xi32, #tpu.memory_space<hbm>> -> memref<8x128xi32, #tpu.memory_space<hbm>>
        %dma_wait3A_63 = arith.constant 0 : i32
        %dma_wait3A_64 = tpu.memref_slice %arg3[%add3A_39, %dma_wait3A_63] : memref<2560x128xi32, #tpu.memory_space<hbm>> -> memref<8x128xi32, #tpu.memory_space<hbm>>
        tpu.wait_dma2 semaphore(%run_scoped3A : memref<!tpu.dma_semaphore, #tpu.memory_space<semaphore_mem>>) src(%dma_wait3A_64 : memref<8x128xi32, #tpu.memory_space<hbm>>) dst(%arg7 : memref<8x128xi32, #tpu.memory_space<vmem>>)
        tpu.yield
      }) : () -> ()
      "tpu.region"() ({
        %run_scoped3A = tpu.sem_alloc : memref<!tpu.dma_semaphore, #tpu.memory_space<semaphore_mem>>
        %dma_start3A_58 = arith.constant 0 : i32
        %dma_start3A_59 = tpu.memref_slice %arg4[%add3A_39, %dma_start3A_58] : memref<2560x128xi32, #tpu.memory_space<hbm>> -> memref<8x128xi32, #tpu.memory_space<hbm>>
        %dma_start3A_60 = arith.constant 0 : i32
        %dma_start3A_61 = tpu.memref_slice %arg4[%add3A_39, %dma_start3A_60] : memref<2560x128xi32, #tpu.memory_space<hbm>> -> memref<8x128xi32, #tpu.memory_space<hbm>>
        tpu.enqueue_dma source(%dma_start3A_61 : memref<8x128xi32, #tpu.memory_space<hbm>>) target(%arg8 : memref<8x128xi32, #tpu.memory_space<vmem>>) target_semaphore(%run_scoped3A : memref<!tpu.dma_semaphore, #tpu.memory_space<semaphore_mem>>)
        %dma_wait3A = arith.constant 0 : i32
        %dma_wait3A_62 = tpu.memref_slice %arg4[%add3A_39, %dma_wait3A] : memref<2560x128xi32, #tpu.memory_space<hbm>> -> memref<8x128xi32, #tpu.memory_space<hbm>>
        %dma_wait3A_63 = arith.constant 0 : i32
        %dma_wait3A_64 = tpu.memref_slice %arg4[%add3A_39, %dma_wait3A_63] : memref<2560x128xi32, #tpu.memory_space<hbm>> -> memref<8x128xi32, #tpu.memory_space<hbm>>
        tpu.wait_dma2 semaphore(%run_scoped3A : memref<!tpu.dma_semaphore, #tpu.memory_space<semaphore_mem>>) src(%dma_wait3A_64 : memref<8x128xi32, #tpu.memory_space<hbm>>) dst(%arg8 : memref<8x128xi32, #tpu.memory_space<vmem>>)
        tpu.yield
      }) : () -> ()
      %dma_start3A = arith.constant 0 : i32
      %dma_start3A_40 = arith.constant 0 : i32
      %dma_start3A_41 = tpu.memref_slice %arg7[%dma_start3A, %dma_start3A_40] : memref<8x128xi32, #tpu.memory_space<vmem>> -> memref<1x128xi32, #tpu.memory_space<vmem>>
      %dma_start3A_42 = tpu.memref_squeeze %dma_start3A_41 : memref<1x128xi32, #tpu.memory_space<vmem>> -> memref<128xi32, #tpu.memory_space<vmem>>
      %dma_start3A_43 = arith.constant 0 : i32
      %dma_start3A_44 = arith.constant 0 : i32
      %dma_start3A_45 = tpu.memref_slice %arg2[%dma_start3A_43, %dma_start3A_44] : memref<10240x128xf32, #tpu.memory_space<hbm>> -> memref<10240x128xf32, #tpu.memory_space<hbm>>
      tpu.enqueue_indirect_dma source(%dma_start3A_45 : memref<10240x128xf32, #tpu.memory_space<hbm>>) target(%arg9 : memref<128x128xf32, #tpu.memory_space<vmem>>) offsets(%dma_start3A_42 : memref<128xi32, #tpu.memory_space<vmem>>) semaphore(%arg12 : memref<!tpu.dma_semaphore, #tpu.memory_space<semaphore_mem>>)
      %dma_start3A_46 = arith.constant 1 : i32
      %dma_start3A_47 = arith.constant 0 : i32
      %dma_start3A_48 = tpu.memref_slice %arg7[%dma_start3A_46, %dma_start3A_47] : memref<8x128xi32, #tpu.memory_space<vmem>> -> memref<1x128xi32, #tpu.memory_space<vmem>>
      %dma_start3A_49 = tpu.memref_squeeze %dma_start3A_48 : memref<1x128xi32, #tpu.memory_space<vmem>> -> memref<128xi32, #tpu.memory_space<vmem>>
      %dma_start3A_50 = arith.constant 0 : i32
      %dma_start3A_51 = arith.constant 0 : i32
      %dma_start3A_52 = tpu.memref_slice %arg2[%dma_start3A_50, %dma_start3A_51] : memref<10240x128xf32, #tpu.memory_space<hbm>> -> memref<10240x128xf32, #tpu.memory_space<hbm>>
      tpu.enqueue_indirect_dma source(%dma_start3A_52 : memref<10240x128xf32, #tpu.memory_space<hbm>>) target(%arg10 : memref<128x128xf32, #tpu.memory_space<vmem>>) offsets(%dma_start3A_49 : memref<128xi32, #tpu.memory_space<vmem>>) semaphore(%arg13 : memref<!tpu.dma_semaphore, #tpu.memory_space<semaphore_mem>>)
      %scan3A = arith.constant 0 : i32
      %scan3A_53 = arith.constant 0 : i32
      %scan3A_54 = arith.constant 4 : i32
      %scan3A_55 = arith.addi %scan3A_53, %scan3A_54 : i32
      %scan3A_56 = arith.constant 1 : i32
      scf.for %scan3A_58 = %scan3A_53 to %scan3A_55 step %scan3A_56  : i32 {
        %mul3A_59 = arith.constant 2 : i32
        %mul3A_60 = arith.muli %scan3A_58, %mul3A_59 : i32
        %add3A_61 = arith.constant 0 : i32
        %add3A_62 = arith.addi %mul3A_60, %add3A_61 : i32
        %add3A_63 = arith.constant 2 : i32
        %add3A_64 = arith.addi %add3A_62, %add3A_63 : i32
        %add3A_65 = arith.constant 0 : i32
        %add3A_66 = arith.addi %mul3A_60, %add3A_65 : i32
        %dma_wait3A = arith.constant 0 : i32
        %dma_wait3A_67 = tpu.memref_slice %arg7[%add3A_66, %dma_wait3A] : memref<8x128xi32, #tpu.memory_space<vmem>> -> memref<1x128xi32, #tpu.memory_space<vmem>>
        %dma_wait3A_68 = tpu.memref_squeeze %dma_wait3A_67 : memref<1x128xi32, #tpu.memory_space<vmem>> -> memref<128xi32, #tpu.memory_space<vmem>>
        %dma_wait3A_69 = arith.constant 0 : i32
        %dma_wait3A_70 = arith.constant 0 : i32
        %dma_wait3A_71 = tpu.memref_slice %arg2[%dma_wait3A_69, %dma_wait3A_70] : memref<10240x128xf32, #tpu.memory_space<hbm>> -> memref<10240x128xf32, #tpu.memory_space<hbm>>
        tpu.wait_indirect_dma semaphore(%arg12 : memref<!tpu.dma_semaphore, #tpu.memory_space<semaphore_mem>>) src(%dma_wait3A_71 : memref<10240x128xf32, #tpu.memory_space<hbm>>) dst(%arg9 : memref<128x128xf32, #tpu.memory_space<vmem>>)
        %add3A_72 = arith.constant 0 : i32
        %add3A_73 = arith.addi %mul3A_60, %add3A_72 : i32
        "tpu.region"() ({
          %run_scoped3A = tpu.sem_alloc : memref<!tpu.dma_semaphore, #tpu.memory_space<semaphore_mem>>
          %dma_start3A_95 = arith.constant 0 : i32
          %dma_start3A_96 = tpu.memref_slice %arg8[%add3A_73, %dma_start3A_95] : memref<8x128xi32, #tpu.memory_space<vmem>> -> memref<1x128xi32, #tpu.memory_space<vmem>>
          %dma_start3A_97 = tpu.memref_squeeze %dma_start3A_96 : memref<1x128xi32, #tpu.memory_space<vmem>> -> memref<128xi32, #tpu.memory_space<vmem>>
          %dma_start3A_98 = arith.constant 0 : i32
          %dma_start3A_99 = arith.constant 0 : i32
          %dma_start3A_100 = tpu.memref_slice %arg11[%dma_start3A_98, %dma_start3A_99] : memref<10240x128xf32, #tpu.memory_space<vmem_shared>> -> memref<10240x128xf32, #tpu.memory_space<vmem_shared>>
          tpu.enqueue_indirect_dma source(%arg9 : memref<128x128xf32, #tpu.memory_space<vmem>>) target(%dma_start3A_100 : memref<10240x128xf32, #tpu.memory_space<vmem_shared>>) offsets(%dma_start3A_97 : memref<128xi32, #tpu.memory_space<vmem>>) semaphore(%run_scoped3A : memref<!tpu.dma_semaphore, #tpu.memory_space<semaphore_mem>>) {add = true}
          %dma_wait3A_101 = arith.constant 0 : i32
          %dma_wait3A_102 = tpu.memref_slice %arg8[%add3A_73, %dma_wait3A_101] : memref<8x128xi32, #tpu.memory_space<vmem>> -> memref<1x128xi32, #tpu.memory_space<vmem>>
          %dma_wait3A_103 = tpu.memref_squeeze %dma_wait3A_102 : memref<1x128xi32, #tpu.memory_space<vmem>> -> memref<128xi32, #tpu.memory_space<vmem>>
          %dma_wait3A_104 = arith.constant 0 : i32
          %dma_wait3A_105 = arith.constant 0 : i32
          %dma_wait3A_106 = tpu.memref_slice %arg11[%dma_wait3A_104, %dma_wait3A_105] : memref<10240x128xf32, #tpu.memory_space<vmem_shared>> -> memref<10240x128xf32, #tpu.memory_space<vmem_shared>>
          tpu.wait_indirect_dma semaphore(%run_scoped3A : memref<!tpu.dma_semaphore, #tpu.memory_space<semaphore_mem>>) src(%arg9 : memref<128x128xf32, #tpu.memory_space<vmem>>) dst(%dma_wait3A_106 : memref<10240x128xf32, #tpu.memory_space<vmem_shared>>)
          tpu.yield
        }) : () -> ()
        %lt3A = arith.constant 8 : i32
        %lt3A_74 = arith.cmpi slt, %add3A_64, %lt3A : i32
        %convert_element_type3A = arith.extui %lt3A_74 : i1 to i32
        %cond3A = arith.constant 0 : i32
        %cond3A_75 = arith.cmpi ne, %convert_element_type3A, %cond3A : i32
        scf.if %cond3A_75 {
          %dma_start3A_95 = arith.constant 0 : i32
          %dma_start3A_96 = tpu.memref_slice %arg7[%add3A_64, %dma_start3A_95] : memref<8x128xi32, #tpu.memory_space<vmem>> -> memref<1x128xi32, #tpu.memory_space<vmem>>
          %dma_start3A_97 = tpu.memref_squeeze %dma_start3A_96 : memref<1x128xi32, #tpu.memory_space<vmem>> -> memref<128xi32, #tpu.memory_space<vmem>>
          %dma_start3A_98 = arith.constant 0 : i32
          %dma_start3A_99 = arith.constant 0 : i32
          %dma_start3A_100 = tpu.memref_slice %arg2[%dma_start3A_98, %dma_start3A_99] : memref<10240x128xf32, #tpu.memory_space<hbm>> -> memref<10240x128xf32, #tpu.memory_space<hbm>>
          tpu.enqueue_indirect_dma source(%dma_start3A_100 : memref<10240x128xf32, #tpu.memory_space<hbm>>) target(%arg9 : memref<128x128xf32, #tpu.memory_space<vmem>>) offsets(%dma_start3A_97 : memref<128xi32, #tpu.memory_space<vmem>>) semaphore(%arg12 : memref<!tpu.dma_semaphore, #tpu.memory_space<semaphore_mem>>)
        } else {
        }
        %add3A_76 = arith.constant 1 : i32
        %add3A_77 = arith.addi %mul3A_60, %add3A_76 : i32
        %add3A_78 = arith.constant 2 : i32
        %add3A_79 = arith.addi %add3A_77, %add3A_78 : i32
        %add3A_80 = arith.constant 1 : i32
        %add3A_81 = arith.addi %mul3A_60, %add3A_80 : i32
        %dma_wait3A_82 = arith.constant 0 : i32
        %dma_wait3A_83 = tpu.memref_slice %arg7[%add3A_81, %dma_wait3A_82] : memref<8x128xi32, #tpu.memory_space<vmem>> -> memref<1x128xi32, #tpu.memory_space<vmem>>
        %dma_wait3A_84 = tpu.memref_squeeze %dma_wait3A_83 : memref<1x128xi32, #tpu.memory_space<vmem>> -> memref<128xi32, #tpu.memory_space<vmem>>
        %dma_wait3A_85 = arith.constant 0 : i32
        %dma_wait3A_86 = arith.constant 0 : i32
        %dma_wait3A_87 = tpu.memref_slice %arg2[%dma_wait3A_85, %dma_wait3A_86] : memref<10240x128xf32, #tpu.memory_space<hbm>> -> memref<10240x128xf32, #tpu.memory_space<hbm>>
        tpu.wait_indirect_dma semaphore(%arg13 : memref<!tpu.dma_semaphore, #tpu.memory_space<semaphore_mem>>) src(%dma_wait3A_87 : memref<10240x128xf32, #tpu.memory_space<hbm>>) dst(%arg10 : memref<128x128xf32, #tpu.memory_space<vmem>>)
        %add3A_88 = arith.constant 1 : i32
        %add3A_89 = arith.addi %mul3A_60, %add3A_88 : i32
        "tpu.region"() ({
          %run_scoped3A = tpu.sem_alloc : memref<!tpu.dma_semaphore, #tpu.memory_space<semaphore_mem>>
          %dma_start3A_95 = arith.constant 0 : i32
          %dma_start3A_96 = tpu.memref_slice %arg8[%add3A_89, %dma_start3A_95] : memref<8x128xi32, #tpu.memory_space<vmem>> -> memref<1x128xi32, #tpu.memory_space<vmem>>
          %dma_start3A_97 = tpu.memref_squeeze %dma_start3A_96 : memref<1x128xi32, #tpu.memory_space<vmem>> -> memref<128xi32, #tpu.memory_space<vmem>>
          %dma_start3A_98 = arith.constant 0 : i32
          %dma_start3A_99 = arith.constant 0 : i32
          %dma_start3A_100 = tpu.memref_slice %arg11[%dma_start3A_98, %dma_start3A_99] : memref<10240x128xf32, #tpu.memory_space<vmem_shared>> -> memref<10240x128xf32, #tpu.memory_space<vmem_shared>>
          tpu.enqueue_indirect_dma source(%arg10 : memref<128x128xf32, #tpu.memory_space<vmem>>) target(%dma_start3A_100 : memref<10240x128xf32, #tpu.memory_space<vmem_shared>>) offsets(%dma_start3A_97 : memref<128xi32, #tpu.memory_space<vmem>>) semaphore(%run_scoped3A : memref<!tpu.dma_semaphore, #tpu.memory_space<semaphore_mem>>) {add = true}
          %dma_wait3A_101 = arith.constant 0 : i32
          %dma_wait3A_102 = tpu.memref_slice %arg8[%add3A_89, %dma_wait3A_101] : memref<8x128xi32, #tpu.memory_space<vmem>> -> memref<1x128xi32, #tpu.memory_space<vmem>>
          %dma_wait3A_103 = tpu.memref_squeeze %dma_wait3A_102 : memref<1x128xi32, #tpu.memory_space<vmem>> -> memref<128xi32, #tpu.memory_space<vmem>>
          %dma_wait3A_104 = arith.constant 0 : i32
          %dma_wait3A_105 = arith.constant 0 : i32
          %dma_wait3A_106 = tpu.memref_slice %arg11[%dma_wait3A_104, %dma_wait3A_105] : memref<10240x128xf32, #tpu.memory_space<vmem_shared>> -> memref<10240x128xf32, #tpu.memory_space<vmem_shared>>
          tpu.wait_indirect_dma semaphore(%run_scoped3A : memref<!tpu.dma_semaphore, #tpu.memory_space<semaphore_mem>>) src(%arg10 : memref<128x128xf32, #tpu.memory_space<vmem>>) dst(%dma_wait3A_106 : memref<10240x128xf32, #tpu.memory_space<vmem_shared>>)
          tpu.yield
        }) : () -> ()
        %lt3A_90 = arith.constant 8 : i32
        %lt3A_91 = arith.cmpi slt, %add3A_79, %lt3A_90 : i32
        %convert_element_type3A_92 = arith.extui %lt3A_91 : i1 to i32
        %cond3A_93 = arith.constant 0 : i32
        %cond3A_94 = arith.cmpi ne, %convert_element_type3A_92, %cond3A_93 : i32
        scf.if %cond3A_94 {
          %dma_start3A_95 = arith.constant 0 : i32
          %dma_start3A_96 = tpu.memref_slice %arg7[%add3A_79, %dma_start3A_95] : memref<8x128xi32, #tpu.memory_space<vmem>> -> memref<1x128xi32, #tpu.memory_space<vmem>>
          %dma_start3A_97 = tpu.memref_squeeze %dma_start3A_96 : memref<1x128xi32, #tpu.memory_space<vmem>> -> memref<128xi32, #tpu.memory_space<vmem>>
          %dma_start3A_98 = arith.constant 0 : i32
          %dma_start3A_99 = arith.constant 0 : i32
          %dma_start3A_100 = tpu.memref_slice %arg2[%dma_start3A_98, %dma_start3A_99] : memref<10240x128xf32, #tpu.memory_space<hbm>> -> memref<10240x128xf32, #tpu.memory_space<hbm>>
          tpu.enqueue_indirect_dma source(%dma_start3A_100 : memref<10240x128xf32, #tpu.memory_space<hbm>>) target(%arg10 : memref<128x128xf32, #tpu.memory_space<vmem>>) offsets(%dma_start3A_97 : memref<128xi32, #tpu.memory_space<vmem>>) semaphore(%arg13 : memref<!tpu.dma_semaphore, #tpu.memory_space<semaphore_mem>>)
        } else {
        }
      }
      %scan3A_57 = arith.constant 4 : i32
    }
    %barrier3A_35 = arith.constant 0 : index
    tpu.barrier barrier_id(%barrier3A_35)
    "tpu.region"() ({
      %run_scoped3A = tpu.sem_alloc : memref<!tpu.dma_semaphore, #tpu.memory_space<semaphore_mem>>
      %dma_start3A = arith.constant 0 : i32
      %dma_start3A_36 = tpu.memref_slice %arg6[%arg0, %mul3A_0, %dma_start3A] : memref<2x10240x128xf32, #tpu.memory_space<hbm>> -> memref<1x640x128xf32, #tpu.memory_space<hbm>>
      %dma_start3A_37 = tpu.memref_squeeze %dma_start3A_36 : memref<1x640x128xf32, #tpu.memory_space<hbm>> -> memref<640x128xf32, #tpu.memory_space<hbm>>
      %dma_start3A_38 = arith.constant 0 : i32
      %dma_start3A_39 = tpu.memref_slice %arg11[%mul3A_0, %dma_start3A_38] : memref<10240x128xf32, #tpu.memory_space<vmem_shared>> -> memref<640x128xf32, #tpu.memory_space<vmem_shared>>
      tpu.enqueue_dma source(%dma_start3A_39 : memref<640x128xf32, #tpu.memory_space<vmem_shared>>) target(%dma_start3A_37 : memref<640x128xf32, #tpu.memory_space<hbm>>) target_semaphore(%run_scoped3A : memref<!tpu.dma_semaphore, #tpu.memory_space<semaphore_mem>>)
      %dma_wait3A = arith.constant 0 : i32
      %dma_wait3A_40 = tpu.memref_slice %arg6[%arg0, %mul3A_0, %dma_wait3A] : memref<2x10240x128xf32, #tpu.memory_space<hbm>> -> memref<1x640x128xf32, #tpu.memory_space<hbm>>
      %dma_wait3A_41 = tpu.memref_squeeze %dma_wait3A_40 : memref<1x640x128xf32, #tpu.memory_space<hbm>> -> memref<640x128xf32, #tpu.memory_space<hbm>>
      %dma_wait3A_42 = arith.constant 0 : i32
      %dma_wait3A_43 = tpu.memref_slice %arg11[%mul3A_0, %dma_wait3A_42] : memref<10240x128xf32, #tpu.memory_space<vmem_shared>> -> memref<640x128xf32, #tpu.memory_space<vmem_shared>>
      tpu.wait_dma2 semaphore(%run_scoped3A : memref<!tpu.dma_semaphore, #tpu.memory_space<semaphore_mem>>) src(%dma_wait3A_43 : memref<640x128xf32, #tpu.memory_space<vmem_shared>>) dst(%dma_wait3A_41 : memref<640x128xf32, #tpu.memory_space<hbm>>)
      tpu.yield
    }) : () -> ()
    return
  }
}

module attributes {stable_mosaic.version = 14 : i64} {
  func.func @_embed_body(%arg0: i32, %arg1: memref<1x1x256xi32, #tpu.memory_space<vmem>>, %arg2: memref<1x1x256xi32, #tpu.memory_space<vmem>>, %arg3: memref<8x128xf32, #tpu.memory_space<vmem>>, %arg4: memref<128x128xf32, #tpu.memory_space<vmem>>, %arg5: memref<1x128xf32, #tpu.memory_space<vmem>>, %arg6: memref<256x128xf32, #tpu.memory_space<vmem>>, %arg7: memref<256x128xf32, #tpu.memory_space<vmem>>, %arg8: memref<64x128xf32, #tpu.memory_space<vmem>>) attributes {dimension_semantics = [#tpu.dimension_semantics<arbitrary>], iteration_bounds = array<i64: 40>, scalar_prefetch = 0 : i64, scratch_operands = 0 : i64, tpu.core_type = #tpu.core_type<tc>, window_params = [{transform_indices = @transform_0, window_bounds = array<i64: 1, 1, 256>}, {transform_indices = @transform_1, window_bounds = array<i64: 1, 1, 256>}, {pipeline_mode = #tpu.pipeline_mode<synchronous>, transform_indices = @transform_2, window_bounds = array<i64: 8, 128>}, {pipeline_mode = #tpu.pipeline_mode<synchronous>, transform_indices = @transform_3, window_bounds = array<i64: 128, 128>}, {pipeline_mode = #tpu.pipeline_mode<synchronous>, transform_indices = @transform_4, window_bounds = array<i64: 1, 128>}, {transform_indices = @transform_5, window_bounds = array<i64: 256, 128>}, {transform_indices = @transform_6, window_bounds = array<i64: 256, 128>}, {pipeline_mode = #tpu.pipeline_mode<synchronous>, transform_indices = @transform_7, window_bounds = array<i64: 64, 128>}]} {
    %get3A = arith.constant 0 : index
    %get3A_0 = arith.constant 0 : index
    %get3A_1 = arith.constant 0 : index
    %get3A_2 = vector.load %arg1[%get3A, %get3A_0, %get3A_1] : memref<1x1x256xi32, #tpu.memory_space<vmem>>, vector<1x1x256xi32>
    %get3A_3 = vector.shape_cast %get3A_2 : vector<1x1x256xi32> to vector<256xi32>
    %jit3A = arith.constant 0 : i32
    %jit3A_4 = arith.constant 5 : i32
    %max3A = vector.broadcast %jit3A : i32 to vector<256xi32>
    %max3A_5 = arith.maxsi %max3A, %get3A_3 : vector<256xi32>
    %min3A = vector.broadcast %jit3A_4 : i32 to vector<256xi32>
    %min3A_6 = arith.minsi %min3A, %max3A_5 : vector<256xi32>
    %iota3A = tpu.iota {dimensions = array<i32: 1>} : vector<256x8xi32>
    %broadcast_in_dim3A = vector.shape_cast %min3A_6 : vector<256xi32> to vector<256x1xi32>
    %eq3A = vector.broadcast %broadcast_in_dim3A : vector<256x1xi32> to vector<256x8xi32>
    %eq3A_7 = arith.cmpi eq, %iota3A, %eq3A : vector<256x8xi32>
    %convert_element_type3A = arith.extui %eq3A_7 : vector<256x8xi1> to vector<256x8xi32>
    %convert_element_type3A_8 = arith.sitofp %convert_element_type3A : vector<256x8xi32> to vector<256x8xf32>
    %get3A_9 = arith.constant 0 : index
    %get3A_10 = arith.constant 0 : index
    %get3A_11 = vector.load %arg3[%get3A_9, %get3A_10] : memref<8x128xf32, #tpu.memory_space<vmem>>, vector<8x128xf32>
    %dot_general3A = arith.constant dense<0.000000e+00> : vector<256x128xf32>
    %dot_general3A_12 = tpu.matmul %convert_element_type3A_8, %get3A_11, %dot_general3A {dimension_numbers = #tpu.dot_dimension_numbers<[1], [0], [0], [1], [0, 0, 1, 1], [], []>, precision = #tpu.contract_precision<fp32>, transpose_lhs_hint = false} : vector<256x8xf32>, vector<8x128xf32>, vector<256x128xf32> -> vector<256x128xf32>
    %swap3A = arith.constant 0 : index
    %swap3A_13 = arith.constant 0 : index
    %swap3A_14 = vector.load %arg6[%swap3A, %swap3A_13] : memref<256x128xf32, #tpu.memory_space<vmem>>, vector<256x128xf32>
    tpu.vector_store %arg6[%swap3A, %swap3A_13], %dot_general3A_12 {strides = array<i32>} : memref<256x128xf32, #tpu.memory_space<vmem>>, vector<256x128xf32>,
    %get3A_15 = arith.constant 0 : index
    %get3A_16 = arith.constant 0 : index
    %get3A_17 = vector.load %arg4[%get3A_15, %get3A_16] : memref<128x128xf32, #tpu.memory_space<vmem>>, vector<128x128xf32>
    %dot_general3A_18 = arith.constant dense<0.000000e+00> : vector<256x128xf32>
    %dot_general3A_19 = tpu.matmul %dot_general3A_12, %get3A_17, %dot_general3A_18 {dimension_numbers = #tpu.dot_dimension_numbers<[1], [0], [0], [1], [0, 0, 1, 1], [], []>, transpose_lhs_hint = false} : vector<256x128xf32>, vector<128x128xf32>, vector<256x128xf32> -> vector<256x128xf32>
    %get3A_20 = arith.constant 0 : index
    %get3A_21 = arith.constant 0 : index
    %get3A_22 = vector.load %arg5[%get3A_20, %get3A_21] : memref<1x128xf32, #tpu.memory_space<vmem>>, vector<1x128xf32>
    %add3A = vector.broadcast %get3A_22 : vector<1x128xf32> to vector<256x128xf32>
    %add3A_23 = arith.addf %dot_general3A_19, %add3A : vector<256x128xf32>
    %max3A_24 = arith.constant 0.000000e+00 : f32
    %max3A_25 = vector.broadcast %max3A_24 : f32 to vector<256x128xf32>
    %max3A_26 = arith.maximumf %add3A_23, %max3A_25 : vector<256x128xf32>
    %swap3A_27 = arith.constant 0 : index
    %swap3A_28 = arith.constant 0 : index
    %swap3A_29 = vector.load %arg7[%swap3A_27, %swap3A_28] : memref<256x128xf32, #tpu.memory_space<vmem>>, vector<256x128xf32>
    tpu.vector_store %arg7[%swap3A_27, %swap3A_28], %max3A_26 {strides = array<i32>} : memref<256x128xf32, #tpu.memory_space<vmem>>, vector<256x128xf32>,
    %get3A_30 = arith.constant 0 : index
    %get3A_31 = arith.constant 0 : index
    %get3A_32 = arith.constant 0 : index
    %get3A_33 = vector.load %arg2[%get3A_30, %get3A_31, %get3A_32] : memref<1x1x256xi32, #tpu.memory_space<vmem>>, vector<1x1x256xi32>
    %get3A_34 = vector.shape_cast %get3A_33 : vector<1x1x256xi32> to vector<256xi32>
    %iota3A_35 = tpu.iota {dimensions = array<i32: 0>} : vector<64x256xi32>
    %broadcast_in_dim3A_36 = vector.shape_cast %get3A_34 : vector<256xi32> to vector<1x256xi32>
    %eq3A_37 = vector.broadcast %broadcast_in_dim3A_36 : vector<1x256xi32> to vector<64x256xi32>
    %eq3A_38 = arith.cmpi eq, %iota3A_35, %eq3A_37 : vector<64x256xi32>
    %convert_element_type3A_39 = arith.extui %eq3A_38 : vector<64x256xi1> to vector<64x256xi32>
    %convert_element_type3A_40 = arith.sitofp %convert_element_type3A_39 : vector<64x256xi32> to vector<64x256xf32>
    %broadcast_in_dim3A_41 = arith.constant 1.000000e+00 : f32
    %broadcast_in_dim3A_42 = vector.broadcast %broadcast_in_dim3A_41 : f32 to vector<256x128xf32>
    %dot_general3A_43 = arith.constant dense<0.000000e+00> : vector<64x128xf32>
    %dot_general3A_44 = tpu.matmul %convert_element_type3A_40, %broadcast_in_dim3A_42, %dot_general3A_43 {dimension_numbers = #tpu.dot_dimension_numbers<[1], [0], [0], [1], [0, 0, 1, 1], [], []>, precision = #tpu.contract_precision<fp32>, transpose_lhs_hint = false} : vector<64x256xf32>, vector<256x128xf32>, vector<64x128xf32> -> vector<64x128xf32>
    %eq3A_45 = arith.constant 0 : i32
    %eq3A_46 = arith.cmpi eq, %arg0, %eq3A_45 : i32
    %convert_element_type3A_47 = arith.extui %eq3A_46 : i1 to i32
    %cond3A = arith.constant 0 : i32
    %cond3A_48 = arith.cmpi ne, %convert_element_type3A_47, %cond3A : i32
    scf.if %cond3A_48 {
      %swap3A_53 = arith.constant 0 : index
      %swap3A_54 = arith.constant 0 : index
      %swap3A_55 = vector.load %arg8[%swap3A_53, %swap3A_54] : memref<64x128xf32, #tpu.memory_space<vmem>>, vector<64x128xf32>
      tpu.vector_store %arg8[%swap3A_53, %swap3A_54], %dot_general3A_44 {strides = array<i32>} : memref<64x128xf32, #tpu.memory_space<vmem>>, vector<64x128xf32>,
    } else {
    }
    %gt3A = arith.constant 0 : i32
    %gt3A_49 = arith.cmpi sgt, %arg0, %gt3A : i32
    %convert_element_type3A_50 = arith.extui %gt3A_49 : i1 to i32
    %cond3A_51 = arith.constant 0 : i32
    %cond3A_52 = arith.cmpi ne, %convert_element_type3A_50, %cond3A_51 : i32
    scf.if %cond3A_52 {
      %get3A_53 = arith.constant 0 : index
      %get3A_54 = arith.constant 0 : index
      %get3A_55 = vector.load %arg8[%get3A_53, %get3A_54] : memref<64x128xf32, #tpu.memory_space<vmem>>, vector<64x128xf32>
      %add3A_56 = arith.addf %get3A_55, %dot_general3A_44 : vector<64x128xf32>
      %swap3A_57 = arith.constant 0 : index
      %swap3A_58 = arith.constant 0 : index
      %swap3A_59 = vector.load %arg8[%swap3A_57, %swap3A_58] : memref<64x128xf32, #tpu.memory_space<vmem>>, vector<64x128xf32>
      tpu.vector_store %arg8[%swap3A_57, %swap3A_58], %add3A_56 {strides = array<i32>} : memref<64x128xf32, #tpu.memory_space<vmem>>, vector<64x128xf32>,
    } else {
    }
    return
  }
  func.func @transform_0(%arg0: i32) -> (i32, i32, i32) {
    %c0_i32 = arith.constant 0 : i32
    %c0_i32_0 = arith.constant 0 : i32
    %c0_i32_1 = arith.constant 0 : i32
    return %arg0, %c0_i32, %c0_i32_0 : i32, i32, i32
  }
  func.func @transform_1(%arg0: i32) -> (i32, i32, i32) {
    %c0_i32 = arith.constant 0 : i32
    %c0_i32_0 = arith.constant 0 : i32
    %c0_i32_1 = arith.constant 0 : i32
    return %arg0, %c0_i32, %c0_i32_0 : i32, i32, i32
  }
  func.func @transform_2(%arg0: i32) -> (i32, i32) {
    %c0_i32 = arith.constant 0 : i32
    %c0_i32_0 = arith.constant 0 : i32
    %c0_i32_1 = arith.constant 0 : i32
    return %c0_i32, %c0_i32_0 : i32, i32
  }
  func.func @transform_3(%arg0: i32) -> (i32, i32) {
    %c0_i32 = arith.constant 0 : i32
    %c0_i32_0 = arith.constant 0 : i32
    %c0_i32_1 = arith.constant 0 : i32
    return %c0_i32, %c0_i32_0 : i32, i32
  }
  func.func @transform_4(%arg0: i32) -> (i32, i32) {
    %c0_i32 = arith.constant 0 : i32
    %c0_i32_0 = arith.constant 0 : i32
    %c0_i32_1 = arith.constant 0 : i32
    return %c0_i32, %c0_i32_0 : i32, i32
  }
  func.func @transform_5(%arg0: i32) -> (i32, i32) {
    %c0_i32 = arith.constant 0 : i32
    %c0_i32_0 = arith.constant 0 : i32
    return %arg0, %c0_i32 : i32, i32
  }
  func.func @transform_6(%arg0: i32) -> (i32, i32) {
    %c0_i32 = arith.constant 0 : i32
    %c0_i32_0 = arith.constant 0 : i32
    return %arg0, %c0_i32 : i32, i32
  }
  func.func @transform_7(%arg0: i32) -> (i32, i32) {
    %c0_i32 = arith.constant 0 : i32
    %c0_i32_0 = arith.constant 0 : i32
    %c0_i32_1 = arith.constant 0 : i32
    return %c0_i32, %c0_i32_0 : i32, i32
  }
}

module attributes {stable_mosaic.version = 14 : i64} {
  func.func @_mid_body(%arg0: i32, %arg1: memref<256x128xf32, #tpu.memory_space<vmem>>, %arg2: memref<256x128xf32, #tpu.memory_space<vmem>>, %arg3: memref<256x128xf32, #tpu.memory_space<vmem>>, %arg4: memref<1x1x256xi32, #tpu.memory_space<vmem>>, %arg5: memref<64x128xf32, #tpu.memory_space<vmem>>, %arg6: memref<1x1xf32, #tpu.memory_space<vmem>>, %arg7: memref<128x128xf32, #tpu.memory_space<vmem>>, %arg8: memref<1x128xf32, #tpu.memory_space<vmem>>, %arg9: memref<128x128xf32, #tpu.memory_space<vmem>>, %arg10: memref<1x128xf32, #tpu.memory_space<vmem>>, %arg11: memref<128x128xf32, #tpu.memory_space<vmem>>, %arg12: memref<1x128xf32, #tpu.memory_space<vmem>>, %arg13: memref<256x128xf32, #tpu.memory_space<vmem>>, %arg14: memref<256x128xf32, #tpu.memory_space<vmem>>, %arg15: memref<64x128xf32, #tpu.memory_space<vmem>>) attributes {dimension_semantics = [#tpu.dimension_semantics<arbitrary>], iteration_bounds = array<i64: 40>, scalar_prefetch = 0 : i64, scratch_operands = 0 : i64, tpu.core_type = #tpu.core_type<tc>, window_params = [{transform_indices = @transform_0, window_bounds = array<i64: 256, 128>}, {transform_indices = @transform_1, window_bounds = array<i64: 256, 128>}, {transform_indices = @transform_2, window_bounds = array<i64: 256, 128>}, {transform_indices = @transform_3, window_bounds = array<i64: 1, 1, 256>}, {pipeline_mode = #tpu.pipeline_mode<synchronous>, transform_indices = @transform_4, window_bounds = array<i64: 64, 128>}, {pipeline_mode = #tpu.pipeline_mode<synchronous>, transform_indices = @transform_5, window_bounds = array<i64: 1, 1>}, {pipeline_mode = #tpu.pipeline_mode<synchronous>, transform_indices = @transform_6, window_bounds = array<i64: 128, 128>}, {pipeline_mode = #tpu.pipeline_mode<synchronous>, transform_indices = @transform_7, window_bounds = array<i64: 1, 128>}, {pipeline_mode = #tpu.pipeline_mode<synchronous>, transform_indices = @transform_8, window_bounds = array<i64: 128, 128>}, {pipeline_mode = #tpu.pipeline_mode<synchronous>, transform_indices = @transform_9, window_bounds = array<i64: 1, 128>}, {pipeline_mode = #tpu.pipeline_mode<synchronous>, transform_indices = @transform_10, window_bounds = array<i64: 128, 128>}, {pipeline_mode = #tpu.pipeline_mode<synchronous>, transform_indices = @transform_11, window_bounds = array<i64: 1, 128>}, {transform_indices = @transform_12, window_bounds = array<i64: 256, 128>}, {transform_indices = @transform_13, window_bounds = array<i64: 256, 128>}, {pipeline_mode = #tpu.pipeline_mode<synchronous>, transform_indices = @transform_14, window_bounds = array<i64: 64, 128>}]} {
    %get3A = arith.constant 0 : index
    %get3A_0 = arith.constant 0 : index
    %get3A_1 = vector.load %arg1[%get3A, %get3A_0] : memref<256x128xf32, #tpu.memory_space<vmem>>, vector<256x128xf32>
    %get3A_2 = arith.constant 0 : index
    %get3A_3 = arith.constant 0 : index
    %get3A_4 = vector.load %arg6[%get3A_2, %get3A_3] : memref<1x1xf32, #tpu.memory_space<vmem>>, vector<1x1xf32>
    %get3A_5 = vector.extract %get3A_4[0, 0] : f32 from vector<1x1xf32>
    %add3A = arith.constant 1.000000e+00 : f32
    %add3A_6 = arith.addf %add3A, %get3A_5 : f32
    %mul3A = vector.broadcast %add3A_6 : f32 to vector<256x128xf32>
    %mul3A_7 = arith.mulf %get3A_1, %mul3A : vector<256x128xf32>
    %get3A_8 = arith.constant 0 : index
    %get3A_9 = arith.constant 0 : index
    %get3A_10 = vector.load %arg2[%get3A_8, %get3A_9] : memref<256x128xf32, #tpu.memory_space<vmem>>, vector<256x128xf32>
    %add3A_11 = arith.addf %mul3A_7, %get3A_10 : vector<256x128xf32>
    %get3A_12 = arith.constant 0 : index
    %get3A_13 = arith.constant 0 : index
    %get3A_14 = vector.load %arg3[%get3A_12, %get3A_13] : memref<256x128xf32, #tpu.memory_space<vmem>>, vector<256x128xf32>
    %add3A_15 = arith.addf %add3A_11, %get3A_14 : vector<256x128xf32>
    %get3A_16 = arith.constant 0 : index
    %get3A_17 = arith.constant 0 : index
    %get3A_18 = vector.load %arg7[%get3A_16, %get3A_17] : memref<128x128xf32, #tpu.memory_space<vmem>>, vector<128x128xf32>
    %dot_general3A = arith.constant dense<0.000000e+00> : vector<256x128xf32>
    %dot_general3A_19 = tpu.matmul %add3A_15, %get3A_18, %dot_general3A {dimension_numbers = #tpu.dot_dimension_numbers<[1], [0], [0], [1], [0, 0, 1, 1], [], []>, transpose_lhs_hint = false} : vector<256x128xf32>, vector<128x128xf32>, vector<256x128xf32> -> vector<256x128xf32>
    %get3A_20 = arith.constant 0 : index
    %get3A_21 = arith.constant 0 : index
    %get3A_22 = vector.load %arg8[%get3A_20, %get3A_21] : memref<1x128xf32, #tpu.memory_space<vmem>>, vector<1x128xf32>
    %add3A_23 = vector.broadcast %get3A_22 : vector<1x128xf32> to vector<256x128xf32>
    %add3A_24 = arith.addf %dot_general3A_19, %add3A_23 : vector<256x128xf32>
    %max3A = arith.constant 0.000000e+00 : f32
    %max3A_25 = vector.broadcast %max3A : f32 to vector<256x128xf32>
    %max3A_26 = arith.maximumf %add3A_24, %max3A_25 : vector<256x128xf32>
    %get3A_27 = arith.constant 0 : index
    %get3A_28 = arith.constant 0 : index
    %get3A_29 = vector.load %arg9[%get3A_27, %get3A_28] : memref<128x128xf32, #tpu.memory_space<vmem>>, vector<128x128xf32>
    %dot_general3A_30 = arith.constant dense<0.000000e+00> : vector<256x128xf32>
    %dot_general3A_31 = tpu.matmul %max3A_26, %get3A_29, %dot_general3A_30 {dimension_numbers = #tpu.dot_dimension_numbers<[1], [0], [0], [1], [0, 0, 1, 1], [], []>, transpose_lhs_hint = false} : vector<256x128xf32>, vector<128x128xf32>, vector<256x128xf32> -> vector<256x128xf32>
    %get3A_32 = arith.constant 0 : index
    %get3A_33 = arith.constant 0 : index
    %get3A_34 = vector.load %arg10[%get3A_32, %get3A_33] : memref<1x128xf32, #tpu.memory_space<vmem>>, vector<1x128xf32>
    %add3A_35 = vector.broadcast %get3A_34 : vector<1x128xf32> to vector<256x128xf32>
    %add3A_36 = arith.addf %dot_general3A_31, %add3A_35 : vector<256x128xf32>
    %max3A_37 = arith.constant 0.000000e+00 : f32
    %max3A_38 = vector.broadcast %max3A_37 : f32 to vector<256x128xf32>
    %max3A_39 = arith.maximumf %add3A_36, %max3A_38 : vector<256x128xf32>
    %swap3A = arith.constant 0 : index
    %swap3A_40 = arith.constant 0 : index
    %swap3A_41 = vector.load %arg13[%swap3A, %swap3A_40] : memref<256x128xf32, #tpu.memory_space<vmem>>, vector<256x128xf32>
    tpu.vector_store %arg13[%swap3A, %swap3A_40], %max3A_39 {strides = array<i32>} : memref<256x128xf32, #tpu.memory_space<vmem>>, vector<256x128xf32>,
    %get3A_42 = arith.constant 0 : index
    %get3A_43 = arith.constant 0 : index
    %get3A_44 = vector.load %arg11[%get3A_42, %get3A_43] : memref<128x128xf32, #tpu.memory_space<vmem>>, vector<128x128xf32>
    %dot_general3A_45 = arith.constant dense<0.000000e+00> : vector<256x128xf32>
    %dot_general3A_46 = tpu.matmul %max3A_39, %get3A_44, %dot_general3A_45 {dimension_numbers = #tpu.dot_dimension_numbers<[1], [0], [0], [1], [0, 0, 1, 1], [], []>, transpose_lhs_hint = false} : vector<256x128xf32>, vector<128x128xf32>, vector<256x128xf32> -> vector<256x128xf32>
    %get3A_47 = arith.constant 0 : index
    %get3A_48 = arith.constant 0 : index
    %get3A_49 = vector.load %arg12[%get3A_47, %get3A_48] : memref<1x128xf32, #tpu.memory_space<vmem>>, vector<1x128xf32>
    %add3A_50 = vector.broadcast %get3A_49 : vector<1x128xf32> to vector<256x128xf32>
    %add3A_51 = arith.addf %dot_general3A_46, %add3A_50 : vector<256x128xf32>
    %max3A_52 = arith.constant 0.000000e+00 : f32
    %max3A_53 = vector.broadcast %max3A_52 : f32 to vector<256x128xf32>
    %max3A_54 = arith.maximumf %add3A_51, %max3A_53 : vector<256x128xf32>
    %swap3A_55 = arith.constant 0 : index
    %swap3A_56 = arith.constant 0 : index
    %swap3A_57 = vector.load %arg14[%swap3A_55, %swap3A_56] : memref<256x128xf32, #tpu.memory_space<vmem>>, vector<256x128xf32>
    tpu.vector_store %arg14[%swap3A_55, %swap3A_56], %max3A_54 {strides = array<i32>} : memref<256x128xf32, #tpu.memory_space<vmem>>, vector<256x128xf32>,
    %get3A_58 = arith.constant 0 : index
    %get3A_59 = arith.constant 0 : index
    %get3A_60 = arith.constant 0 : index
    %get3A_61 = vector.load %arg4[%get3A_58, %get3A_59, %get3A_60] : memref<1x1x256xi32, #tpu.memory_space<vmem>>, vector<1x1x256xi32>
    %get3A_62 = vector.shape_cast %get3A_61 : vector<1x1x256xi32> to vector<256xi32>
    %iota3A = tpu.iota {dimensions = array<i32: 0>} : vector<64x256xi32>
    %broadcast_in_dim3A = vector.shape_cast %get3A_62 : vector<256xi32> to vector<1x256xi32>
    %eq3A = vector.broadcast %broadcast_in_dim3A : vector<1x256xi32> to vector<64x256xi32>
    %eq3A_63 = arith.cmpi eq, %iota3A, %eq3A : vector<64x256xi32>
    %convert_element_type3A = arith.extui %eq3A_63 : vector<64x256xi1> to vector<64x256xi32>
    %convert_element_type3A_64 = arith.sitofp %convert_element_type3A : vector<64x256xi32> to vector<64x256xf32>
    %dot_general3A_65 = arith.constant dense<0.000000e+00> : vector<64x128xf32>
    %dot_general3A_66 = tpu.matmul %convert_element_type3A_64, %max3A_39, %dot_general3A_65 {dimension_numbers = #tpu.dot_dimension_numbers<[1], [0], [0], [1], [0, 0, 1, 1], [], []>, precision = #tpu.contract_precision<fp32>, transpose_lhs_hint = false} : vector<64x256xf32>, vector<256x128xf32>, vector<64x128xf32> -> vector<64x128xf32>
    %eq3A_67 = arith.constant 0 : i32
    %eq3A_68 = arith.cmpi eq, %arg0, %eq3A_67 : i32
    %convert_element_type3A_69 = arith.extui %eq3A_68 : i1 to i32
    %cond3A = arith.constant 0 : i32
    %cond3A_70 = arith.cmpi ne, %convert_element_type3A_69, %cond3A : i32
    scf.if %cond3A_70 {
      %swap3A_80 = arith.constant 0 : index
      %swap3A_81 = arith.constant 0 : index
      %swap3A_82 = vector.load %arg15[%swap3A_80, %swap3A_81] : memref<64x128xf32, #tpu.memory_space<vmem>>, vector<64x128xf32>
      tpu.vector_store %arg15[%swap3A_80, %swap3A_81], %dot_general3A_66 {strides = array<i32>} : memref<64x128xf32, #tpu.memory_space<vmem>>, vector<64x128xf32>,
    } else {
    }
    %gt3A = arith.constant 0 : i32
    %gt3A_71 = arith.cmpi sgt, %arg0, %gt3A : i32
    %convert_element_type3A_72 = arith.extui %gt3A_71 : i1 to i32
    %cond3A_73 = arith.constant 0 : i32
    %cond3A_74 = arith.cmpi ne, %convert_element_type3A_72, %cond3A_73 : i32
    scf.if %cond3A_74 {
      %get3A_80 = arith.constant 0 : index
      %get3A_81 = arith.constant 0 : index
      %get3A_82 = vector.load %arg15[%get3A_80, %get3A_81] : memref<64x128xf32, #tpu.memory_space<vmem>>, vector<64x128xf32>
      %add3A_83 = arith.addf %get3A_82, %dot_general3A_66 : vector<64x128xf32>
      %swap3A_84 = arith.constant 0 : index
      %swap3A_85 = arith.constant 0 : index
      %swap3A_86 = vector.load %arg15[%swap3A_84, %swap3A_85] : memref<64x128xf32, #tpu.memory_space<vmem>>, vector<64x128xf32>
      tpu.vector_store %arg15[%swap3A_84, %swap3A_85], %add3A_83 {strides = array<i32>} : memref<64x128xf32, #tpu.memory_space<vmem>>, vector<64x128xf32>,
    } else {
    }
    %eq3A_75 = arith.constant 39 : i32
    %eq3A_76 = arith.cmpi eq, %arg0, %eq3A_75 : i32
    %convert_element_type3A_77 = arith.extui %eq3A_76 : i1 to i32
    %cond3A_78 = arith.constant 0 : i32
    %cond3A_79 = arith.cmpi ne, %convert_element_type3A_77, %cond3A_78 : i32
    scf.if %cond3A_79 {
      %get3A_80 = arith.constant 0 : index
      %get3A_81 = arith.constant 0 : index
      %get3A_82 = vector.load %arg15[%get3A_80, %get3A_81] : memref<64x128xf32, #tpu.memory_space<vmem>>, vector<64x128xf32>
      %get3A_83 = arith.constant 0 : index
      %get3A_84 = arith.constant 0 : index
      %get3A_85 = vector.load %arg5[%get3A_83, %get3A_84] : memref<64x128xf32, #tpu.memory_space<vmem>>, vector<64x128xf32>
      %max3A_86 = arith.constant 1.000000e+00 : f32
      %max3A_87 = vector.broadcast %max3A_86 : f32 to vector<64x128xf32>
      %max3A_88 = arith.maximumf %get3A_85, %max3A_87 : vector<64x128xf32>
      %div3A = arith.divf %get3A_82, %max3A_88 : vector<64x128xf32>
      %swap3A_89 = arith.constant 0 : index
      %swap3A_90 = arith.constant 0 : index
      %swap3A_91 = vector.load %arg15[%swap3A_89, %swap3A_90] : memref<64x128xf32, #tpu.memory_space<vmem>>, vector<64x128xf32>
      tpu.vector_store %arg15[%swap3A_89, %swap3A_90], %div3A {strides = array<i32>} : memref<64x128xf32, #tpu.memory_space<vmem>>, vector<64x128xf32>,
    } else {
    }
    return
  }
  func.func @transform_0(%arg0: i32) -> (i32, i32) {
    %c0_i32 = arith.constant 0 : i32
    %c0_i32_0 = arith.constant 0 : i32
    return %arg0, %c0_i32 : i32, i32
  }
  func.func @transform_1(%arg0: i32) -> (i32, i32) {
    %c0_i32 = arith.constant 0 : i32
    %c0_i32_0 = arith.constant 0 : i32
    return %arg0, %c0_i32 : i32, i32
  }
  func.func @transform_2(%arg0: i32) -> (i32, i32) {
    %c0_i32 = arith.constant 0 : i32
    %c0_i32_0 = arith.constant 0 : i32
    return %arg0, %c0_i32 : i32, i32
  }
  func.func @transform_3(%arg0: i32) -> (i32, i32, i32) {
    %c0_i32 = arith.constant 0 : i32
    %c0_i32_0 = arith.constant 0 : i32
    %c0_i32_1 = arith.constant 0 : i32
    return %arg0, %c0_i32, %c0_i32_0 : i32, i32, i32
  }
  func.func @transform_4(%arg0: i32) -> (i32, i32) {
    %c0_i32 = arith.constant 0 : i32
    %c0_i32_0 = arith.constant 0 : i32
    %c0_i32_1 = arith.constant 0 : i32
    return %c0_i32, %c0_i32_0 : i32, i32
  }
  func.func @transform_5(%arg0: i32) -> (i32, i32) {
    %c0_i32 = arith.constant 0 : i32
    %c0_i32_0 = arith.constant 0 : i32
    %c0_i32_1 = arith.constant 0 : i32
    return %c0_i32, %c0_i32_0 : i32, i32
  }
  func.func @transform_6(%arg0: i32) -> (i32, i32) {
    %c0_i32 = arith.constant 0 : i32
    %c0_i32_0 = arith.constant 0 : i32
    %c0_i32_1 = arith.constant 0 : i32
    return %c0_i32, %c0_i32_0 : i32, i32
  }
  func.func @transform_7(%arg0: i32) -> (i32, i32) {
    %c0_i32 = arith.constant 0 : i32
    %c0_i32_0 = arith.constant 0 : i32
    %c0_i32_1 = arith.constant 0 : i32
    return %c0_i32, %c0_i32_0 : i32, i32
  }
  func.func @transform_8(%arg0: i32) -> (i32, i32) {
    %c0_i32 = arith.constant 0 : i32
    %c0_i32_0 = arith.constant 0 : i32
    %c0_i32_1 = arith.constant 0 : i32
    return %c0_i32, %c0_i32_0 : i32, i32
  }
  func.func @transform_9(%arg0: i32) -> (i32, i32) {
    %c0_i32 = arith.constant 0 : i32
    %c0_i32_0 = arith.constant 0 : i32
    %c0_i32_1 = arith.constant 0 : i32
    return %c0_i32, %c0_i32_0 : i32, i32
  }
  func.func @transform_10(%arg0: i32) -> (i32, i32) {
    %c0_i32 = arith.constant 0 : i32
    %c0_i32_0 = arith.constant 0 : i32
    %c0_i32_1 = arith.constant 0 : i32
    return %c0_i32, %c0_i32_0 : i32, i32
  }
  func.func @transform_11(%arg0: i32) -> (i32, i32) {
    %c0_i32 = arith.constant 0 : i32
    %c0_i32_0 = arith.constant 0 : i32
    %c0_i32_1 = arith.constant 0 : i32
    return %c0_i32, %c0_i32_0 : i32, i32
  }
  func.func @transform_12(%arg0: i32) -> (i32, i32) {
    %c0_i32 = arith.constant 0 : i32
    %c0_i32_0 = arith.constant 0 : i32
    return %arg0, %c0_i32 : i32, i32
  }
  func.func @transform_13(%arg0: i32) -> (i32, i32) {
    %c0_i32 = arith.constant 0 : i32
    %c0_i32_0 = arith.constant 0 : i32
    return %arg0, %c0_i32 : i32, i32
  }
  func.func @transform_14(%arg0: i32) -> (i32, i32) {
    %c0_i32 = arith.constant 0 : i32
    %c0_i32_0 = arith.constant 0 : i32
    %c0_i32_1 = arith.constant 0 : i32
    return %c0_i32, %c0_i32_0 : i32, i32
  }
}

module attributes {stable_mosaic.version = 14 : i64} {
  func.func @_last_body(%arg0: i32, %arg1: memref<256x128xf32, #tpu.memory_space<vmem>>, %arg2: memref<256x128xf32, #tpu.memory_space<vmem>>, %arg3: memref<256x128xf32, #tpu.memory_space<vmem>>, %arg4: memref<1x1x256xi32, #tpu.memory_space<vmem>>, %arg5: memref<64x128xf32, #tpu.memory_space<vmem>>, %arg6: memref<1x1xf32, #tpu.memory_space<vmem>>, %arg7: memref<128x128xf32, #tpu.memory_space<vmem>>, %arg8: memref<1x128xf32, #tpu.memory_space<vmem>>, %arg9: memref<128x128xf32, #tpu.memory_space<vmem>>, %arg10: memref<1x128xf32, #tpu.memory_space<vmem>>, %arg11: memref<128x256xf32, #tpu.memory_space<vmem>>, %arg12: memref<1x256xf32, #tpu.memory_space<vmem>>, %arg13: memref<256x128xf32, #tpu.memory_space<vmem>>, %arg14: memref<1x128xf32, #tpu.memory_space<vmem>>, %arg15: memref<256x128xf32, #tpu.memory_space<vmem>>, %arg16: memref<256x128xf32, #tpu.memory_space<vmem>>, %arg17: memref<64x128xf32, #tpu.memory_space<vmem>>) attributes {dimension_semantics = [#tpu.dimension_semantics<arbitrary>], iteration_bounds = array<i64: 40>, scalar_prefetch = 0 : i64, scratch_operands = 0 : i64, tpu.core_type = #tpu.core_type<tc>, window_params = [{transform_indices = @transform_0, window_bounds = array<i64: 256, 128>}, {transform_indices = @transform_1, window_bounds = array<i64: 256, 128>}, {transform_indices = @transform_2, window_bounds = array<i64: 256, 128>}, {transform_indices = @transform_3, window_bounds = array<i64: 1, 1, 256>}, {pipeline_mode = #tpu.pipeline_mode<synchronous>, transform_indices = @transform_4, window_bounds = array<i64: 64, 128>}, {pipeline_mode = #tpu.pipeline_mode<synchronous>, transform_indices = @transform_5, window_bounds = array<i64: 1, 1>}, {pipeline_mode = #tpu.pipeline_mode<synchronous>, transform_indices = @transform_6, window_bounds = array<i64: 128, 128>}, {pipeline_mode = #tpu.pipeline_mode<synchronous>, transform_indices = @transform_7, window_bounds = array<i64: 1, 128>}, {pipeline_mode = #tpu.pipeline_mode<synchronous>, transform_indices = @transform_8, window_bounds = array<i64: 128, 128>}, {pipeline_mode = #tpu.pipeline_mode<synchronous>, transform_indices = @transform_9, window_bounds = array<i64: 1, 128>}, {pipeline_mode = #tpu.pipeline_mode<synchronous>, transform_indices = @transform_10, window_bounds = array<i64: 128, 256>}, {pipeline_mode = #tpu.pipeline_mode<synchronous>, transform_indices = @transform_11, window_bounds = array<i64: 1, 256>}, {pipeline_mode = #tpu.pipeline_mode<synchronous>, transform_indices = @transform_12, window_bounds = array<i64: 256, 128>}, {pipeline_mode = #tpu.pipeline_mode<synchronous>, transform_indices = @transform_13, window_bounds = array<i64: 1, 128>}, {transform_indices = @transform_14, window_bounds = array<i64: 256, 128>}, {transform_indices = @transform_15, window_bounds = array<i64: 256, 128>}, {pipeline_mode = #tpu.pipeline_mode<synchronous>, transform_indices = @transform_16, window_bounds = array<i64: 64, 128>}]} {
    %get3A = arith.constant 0 : index
    %get3A_0 = arith.constant 0 : index
    %get3A_1 = vector.load %arg1[%get3A, %get3A_0] : memref<256x128xf32, #tpu.memory_space<vmem>>, vector<256x128xf32>
    %get3A_2 = arith.constant 0 : index
    %get3A_3 = arith.constant 0 : index
    %get3A_4 = vector.load %arg6[%get3A_2, %get3A_3] : memref<1x1xf32, #tpu.memory_space<vmem>>, vector<1x1xf32>
    %get3A_5 = vector.extract %get3A_4[0, 0] : f32 from vector<1x1xf32>
    %add3A = arith.constant 1.000000e+00 : f32
    %add3A_6 = arith.addf %add3A, %get3A_5 : f32
    %mul3A = vector.broadcast %add3A_6 : f32 to vector<256x128xf32>
    %mul3A_7 = arith.mulf %get3A_1, %mul3A : vector<256x128xf32>
    %get3A_8 = arith.constant 0 : index
    %get3A_9 = arith.constant 0 : index
    %get3A_10 = vector.load %arg2[%get3A_8, %get3A_9] : memref<256x128xf32, #tpu.memory_space<vmem>>, vector<256x128xf32>
    %add3A_11 = arith.addf %mul3A_7, %get3A_10 : vector<256x128xf32>
    %get3A_12 = arith.constant 0 : index
    %get3A_13 = arith.constant 0 : index
    %get3A_14 = vector.load %arg3[%get3A_12, %get3A_13] : memref<256x128xf32, #tpu.memory_space<vmem>>, vector<256x128xf32>
    %add3A_15 = arith.addf %add3A_11, %get3A_14 : vector<256x128xf32>
    %get3A_16 = arith.constant 0 : index
    %get3A_17 = arith.constant 0 : index
    %get3A_18 = vector.load %arg7[%get3A_16, %get3A_17] : memref<128x128xf32, #tpu.memory_space<vmem>>, vector<128x128xf32>
    %dot_general3A = arith.constant dense<0.000000e+00> : vector<256x128xf32>
    %dot_general3A_19 = tpu.matmul %add3A_15, %get3A_18, %dot_general3A {dimension_numbers = #tpu.dot_dimension_numbers<[1], [0], [0], [1], [0, 0, 1, 1], [], []>, transpose_lhs_hint = false} : vector<256x128xf32>, vector<128x128xf32>, vector<256x128xf32> -> vector<256x128xf32>
    %get3A_20 = arith.constant 0 : index
    %get3A_21 = arith.constant 0 : index
    %get3A_22 = vector.load %arg8[%get3A_20, %get3A_21] : memref<1x128xf32, #tpu.memory_space<vmem>>, vector<1x128xf32>
    %add3A_23 = vector.broadcast %get3A_22 : vector<1x128xf32> to vector<256x128xf32>
    %add3A_24 = arith.addf %dot_general3A_19, %add3A_23 : vector<256x128xf32>
    %max3A = arith.constant 0.000000e+00 : f32
    %max3A_25 = vector.broadcast %max3A : f32 to vector<256x128xf32>
    %max3A_26 = arith.maximumf %add3A_24, %max3A_25 : vector<256x128xf32>
    %get3A_27 = arith.constant 0 : index
    %get3A_28 = arith.constant 0 : index
    %get3A_29 = vector.load %arg9[%get3A_27, %get3A_28] : memref<128x128xf32, #tpu.memory_space<vmem>>, vector<128x128xf32>
    %dot_general3A_30 = arith.constant dense<0.000000e+00> : vector<256x128xf32>
    %dot_general3A_31 = tpu.matmul %max3A_26, %get3A_29, %dot_general3A_30 {dimension_numbers = #tpu.dot_dimension_numbers<[1], [0], [0], [1], [0, 0, 1, 1], [], []>, transpose_lhs_hint = false} : vector<256x128xf32>, vector<128x128xf32>, vector<256x128xf32> -> vector<256x128xf32>
    %get3A_32 = arith.constant 0 : index
    %get3A_33 = arith.constant 0 : index
    %get3A_34 = vector.load %arg10[%get3A_32, %get3A_33] : memref<1x128xf32, #tpu.memory_space<vmem>>, vector<1x128xf32>
    %add3A_35 = vector.broadcast %get3A_34 : vector<1x128xf32> to vector<256x128xf32>
    %add3A_36 = arith.addf %dot_general3A_31, %add3A_35 : vector<256x128xf32>
    %max3A_37 = arith.constant 0.000000e+00 : f32
    %max3A_38 = vector.broadcast %max3A_37 : f32 to vector<256x128xf32>
    %max3A_39 = arith.maximumf %add3A_36, %max3A_38 : vector<256x128xf32>
    %swap3A = arith.constant 0 : index
    %swap3A_40 = arith.constant 0 : index
    %swap3A_41 = vector.load %arg15[%swap3A, %swap3A_40] : memref<256x128xf32, #tpu.memory_space<vmem>>, vector<256x128xf32>
    tpu.vector_store %arg15[%swap3A, %swap3A_40], %max3A_39 {strides = array<i32>} : memref<256x128xf32, #tpu.memory_space<vmem>>, vector<256x128xf32>,
    %get3A_42 = arith.constant 0 : index
    %get3A_43 = arith.constant 0 : index
    %get3A_44 = vector.load %arg11[%get3A_42, %get3A_43] : memref<128x256xf32, #tpu.memory_space<vmem>>, vector<128x256xf32>
    %dot_general3A_45 = arith.constant dense<0.000000e+00> : vector<256x256xf32>
    %dot_general3A_46 = tpu.matmul %max3A_39, %get3A_44, %dot_general3A_45 {dimension_numbers = #tpu.dot_dimension_numbers<[1], [0], [0], [1], [0, 0, 1, 1], [], []>, transpose_lhs_hint = false} : vector<256x128xf32>, vector<128x256xf32>, vector<256x256xf32> -> vector<256x256xf32>
    %get3A_47 = arith.constant 0 : index
    %get3A_48 = arith.constant 0 : index
    %get3A_49 = vector.load %arg12[%get3A_47, %get3A_48] : memref<1x256xf32, #tpu.memory_space<vmem>>, vector<1x256xf32>
    %add3A_50 = vector.broadcast %get3A_49 : vector<1x256xf32> to vector<256x256xf32>
    %add3A_51 = arith.addf %dot_general3A_46, %add3A_50 : vector<256x256xf32>
    %max3A_52 = arith.constant 0.000000e+00 : f32
    %max3A_53 = vector.broadcast %max3A_52 : f32 to vector<256x256xf32>
    %max3A_54 = arith.maximumf %add3A_51, %max3A_53 : vector<256x256xf32>
    %get3A_55 = arith.constant 0 : index
    %get3A_56 = arith.constant 0 : index
    %get3A_57 = vector.load %arg13[%get3A_55, %get3A_56] : memref<256x128xf32, #tpu.memory_space<vmem>>, vector<256x128xf32>
    %dot_general3A_58 = arith.constant dense<0.000000e+00> : vector<256x128xf32>
    %dot_general3A_59 = tpu.matmul %max3A_54, %get3A_57, %dot_general3A_58 {dimension_numbers = #tpu.dot_dimension_numbers<[1], [0], [0], [1], [0, 0, 1, 1], [], []>, transpose_lhs_hint = false} : vector<256x256xf32>, vector<256x128xf32>, vector<256x128xf32> -> vector<256x128xf32>
    %get3A_60 = arith.constant 0 : index
    %get3A_61 = arith.constant 0 : index
    %get3A_62 = vector.load %arg14[%get3A_60, %get3A_61] : memref<1x128xf32, #tpu.memory_space<vmem>>, vector<1x128xf32>
    %add3A_63 = vector.broadcast %get3A_62 : vector<1x128xf32> to vector<256x128xf32>
    %add3A_64 = arith.addf %dot_general3A_59, %add3A_63 : vector<256x128xf32>
    %swap3A_65 = arith.constant 0 : index
    %swap3A_66 = arith.constant 0 : index
    %swap3A_67 = vector.load %arg16[%swap3A_65, %swap3A_66] : memref<256x128xf32, #tpu.memory_space<vmem>>, vector<256x128xf32>
    tpu.vector_store %arg16[%swap3A_65, %swap3A_66], %add3A_64 {strides = array<i32>} : memref<256x128xf32, #tpu.memory_space<vmem>>, vector<256x128xf32>,
    %get3A_68 = arith.constant 0 : index
    %get3A_69 = arith.constant 0 : index
    %get3A_70 = arith.constant 0 : index
    %get3A_71 = vector.load %arg4[%get3A_68, %get3A_69, %get3A_70] : memref<1x1x256xi32, #tpu.memory_space<vmem>>, vector<1x1x256xi32>
    %get3A_72 = vector.shape_cast %get3A_71 : vector<1x1x256xi32> to vector<256xi32>
    %iota3A = tpu.iota {dimensions = array<i32: 0>} : vector<64x256xi32>
    %broadcast_in_dim3A = vector.shape_cast %get3A_72 : vector<256xi32> to vector<1x256xi32>
    %eq3A = vector.broadcast %broadcast_in_dim3A : vector<1x256xi32> to vector<64x256xi32>
    %eq3A_73 = arith.cmpi eq, %iota3A, %eq3A : vector<64x256xi32>
    %convert_element_type3A = arith.extui %eq3A_73 : vector<64x256xi1> to vector<64x256xi32>
    %convert_element_type3A_74 = arith.sitofp %convert_element_type3A : vector<64x256xi32> to vector<64x256xf32>
    %dot_general3A_75 = arith.constant dense<0.000000e+00> : vector<64x128xf32>
    %dot_general3A_76 = tpu.matmul %convert_element_type3A_74, %max3A_39, %dot_general3A_75 {dimension_numbers = #tpu.dot_dimension_numbers<[1], [0], [0], [1], [0, 0, 1, 1], [], []>, precision = #tpu.contract_precision<fp32>, transpose_lhs_hint = false} : vector<64x256xf32>, vector<256x128xf32>, vector<64x128xf32> -> vector<64x128xf32>
    %eq3A_77 = arith.constant 0 : i32
    %eq3A_78 = arith.cmpi eq, %arg0, %eq3A_77 : i32
    %convert_element_type3A_79 = arith.extui %eq3A_78 : i1 to i32
    %cond3A = arith.constant 0 : i32
    %cond3A_80 = arith.cmpi ne, %convert_element_type3A_79, %cond3A : i32
    scf.if %cond3A_80 {
      %swap3A_90 = arith.constant 0 : index
      %swap3A_91 = arith.constant 0 : index
      %swap3A_92 = vector.load %arg17[%swap3A_90, %swap3A_91] : memref<64x128xf32, #tpu.memory_space<vmem>>, vector<64x128xf32>
      tpu.vector_store %arg17[%swap3A_90, %swap3A_91], %dot_general3A_76 {strides = array<i32>} : memref<64x128xf32, #tpu.memory_space<vmem>>, vector<64x128xf32>,
    } else {
    }
    %gt3A = arith.constant 0 : i32
    %gt3A_81 = arith.cmpi sgt, %arg0, %gt3A : i32
    %convert_element_type3A_82 = arith.extui %gt3A_81 : i1 to i32
    %cond3A_83 = arith.constant 0 : i32
    %cond3A_84 = arith.cmpi ne, %convert_element_type3A_82, %cond3A_83 : i32
    scf.if %cond3A_84 {
      %get3A_90 = arith.constant 0 : index
      %get3A_91 = arith.constant 0 : index
      %get3A_92 = vector.load %arg17[%get3A_90, %get3A_91] : memref<64x128xf32, #tpu.memory_space<vmem>>, vector<64x128xf32>
      %add3A_93 = arith.addf %get3A_92, %dot_general3A_76 : vector<64x128xf32>
      %swap3A_94 = arith.constant 0 : index
      %swap3A_95 = arith.constant 0 : index
      %swap3A_96 = vector.load %arg17[%swap3A_94, %swap3A_95] : memref<64x128xf32, #tpu.memory_space<vmem>>, vector<64x128xf32>
      tpu.vector_store %arg17[%swap3A_94, %swap3A_95], %add3A_93 {strides = array<i32>} : memref<64x128xf32, #tpu.memory_space<vmem>>, vector<64x128xf32>,
    } else {
    }
    %eq3A_85 = arith.constant 39 : i32
    %eq3A_86 = arith.cmpi eq, %arg0, %eq3A_85 : i32
    %convert_element_type3A_87 = arith.extui %eq3A_86 : i1 to i32
    %cond3A_88 = arith.constant 0 : i32
    %cond3A_89 = arith.cmpi ne, %convert_element_type3A_87, %cond3A_88 : i32
    scf.if %cond3A_89 {
      %get3A_90 = arith.constant 0 : index
      %get3A_91 = arith.constant 0 : index
      %get3A_92 = vector.load %arg17[%get3A_90, %get3A_91] : memref<64x128xf32, #tpu.memory_space<vmem>>, vector<64x128xf32>
      %get3A_93 = arith.constant 0 : index
      %get3A_94 = arith.constant 0 : index
      %get3A_95 = vector.load %arg5[%get3A_93, %get3A_94] : memref<64x128xf32, #tpu.memory_space<vmem>>, vector<64x128xf32>
      %max3A_96 = arith.constant 1.000000e+00 : f32
      %max3A_97 = vector.broadcast %max3A_96 : f32 to vector<64x128xf32>
      %max3A_98 = arith.maximumf %get3A_95, %max3A_97 : vector<64x128xf32>
      %div3A = arith.divf %get3A_92, %max3A_98 : vector<64x128xf32>
      %swap3A_99 = arith.constant 0 : index
      %swap3A_100 = arith.constant 0 : index
      %swap3A_101 = vector.load %arg17[%swap3A_99, %swap3A_100] : memref<64x128xf32, #tpu.memory_space<vmem>>, vector<64x128xf32>
      tpu.vector_store %arg17[%swap3A_99, %swap3A_100], %div3A {strides = array<i32>} : memref<64x128xf32, #tpu.memory_space<vmem>>, vector<64x128xf32>,
    } else {
    }
    return
  }
  func.func @transform_0(%arg0: i32) -> (i32, i32) {
    %c0_i32 = arith.constant 0 : i32
    %c0_i32_0 = arith.constant 0 : i32
    return %arg0, %c0_i32 : i32, i32
  }
  func.func @transform_1(%arg0: i32) -> (i32, i32) {
    %c0_i32 = arith.constant 0 : i32
    %c0_i32_0 = arith.constant 0 : i32
    return %arg0, %c0_i32 : i32, i32
  }
  func.func @transform_2(%arg0: i32) -> (i32, i32) {
    %c0_i32 = arith.constant 0 : i32
    %c0_i32_0 = arith.constant 0 : i32
    return %arg0, %c0_i32 : i32, i32
  }
  func.func @transform_3(%arg0: i32) -> (i32, i32, i32) {
    %c0_i32 = arith.constant 0 : i32
    %c0_i32_0 = arith.constant 0 : i32
    %c0_i32_1 = arith.constant 0 : i32
    return %arg0, %c0_i32, %c0_i32_0 : i32, i32, i32
  }
  func.func @transform_4(%arg0: i32) -> (i32, i32) {
    %c0_i32 = arith.constant 0 : i32
    %c0_i32_0 = arith.constant 0 : i32
    %c0_i32_1 = arith.constant 0 : i32
    return %c0_i32, %c0_i32_0 : i32, i32
  }
  func.func @transform_5(%arg0: i32) -> (i32, i32) {
    %c0_i32 = arith.constant 0 : i32
    %c0_i32_0 = arith.constant 0 : i32
    %c0_i32_1 = arith.constant 0 : i32
    return %c0_i32, %c0_i32_0 : i32, i32
  }
  func.func @transform_6(%arg0: i32) -> (i32, i32) {
    %c0_i32 = arith.constant 0 : i32
    %c0_i32_0 = arith.constant 0 : i32
    %c0_i32_1 = arith.constant 0 : i32
    return %c0_i32, %c0_i32_0 : i32, i32
  }
  func.func @transform_7(%arg0: i32) -> (i32, i32) {
    %c0_i32 = arith.constant 0 : i32
    %c0_i32_0 = arith.constant 0 : i32
    %c0_i32_1 = arith.constant 0 : i32
    return %c0_i32, %c0_i32_0 : i32, i32
  }
  func.func @transform_8(%arg0: i32) -> (i32, i32) {
    %c0_i32 = arith.constant 0 : i32
    %c0_i32_0 = arith.constant 0 : i32
    %c0_i32_1 = arith.constant 0 : i32
    return %c0_i32, %c0_i32_0 : i32, i32
  }
  func.func @transform_9(%arg0: i32) -> (i32, i32) {
    %c0_i32 = arith.constant 0 : i32
    %c0_i32_0 = arith.constant 0 : i32
    %c0_i32_1 = arith.constant 0 : i32
    return %c0_i32, %c0_i32_0 : i32, i32
  }
  func.func @transform_10(%arg0: i32) -> (i32, i32) {
    %c0_i32 = arith.constant 0 : i32
    %c0_i32_0 = arith.constant 0 : i32
    %c0_i32_1 = arith.constant 0 : i32
    return %c0_i32, %c0_i32_0 : i32, i32
  }
  func.func @transform_11(%arg0: i32) -> (i32, i32) {
    %c0_i32 = arith.constant 0 : i32
    %c0_i32_0 = arith.constant 0 : i32
    %c0_i32_1 = arith.constant 0 : i32
    return %c0_i32, %c0_i32_0 : i32, i32
  }
  func.func @transform_12(%arg0: i32) -> (i32, i32) {
    %c0_i32 = arith.constant 0 : i32
    %c0_i32_0 = arith.constant 0 : i32
    %c0_i32_1 = arith.constant 0 : i32
    return %c0_i32, %c0_i32_0 : i32, i32
  }
  func.func @transform_13(%arg0: i32) -> (i32, i32) {
    %c0_i32 = arith.constant 0 : i32
    %c0_i32_0 = arith.constant 0 : i32
    %c0_i32_1 = arith.constant 0 : i32
    return %c0_i32, %c0_i32_0 : i32, i32
  }
  func.func @transform_14(%arg0: i32) -> (i32, i32) {
    %c0_i32 = arith.constant 0 : i32
    %c0_i32_0 = arith.constant 0 : i32
    return %arg0, %c0_i32 : i32, i32
  }
  func.func @transform_15(%arg0: i32) -> (i32, i32) {
    %c0_i32 = arith.constant 0 : i32
    %c0_i32_0 = arith.constant 0 : i32
    return %arg0, %c0_i32 : i32, i32
  }
  func.func @transform_16(%arg0: i32) -> (i32, i32) {
    %c0_i32 = arith.constant 0 : i32
    %c0_i32_0 = arith.constant 0 : i32
    %c0_i32_1 = arith.constant 0 : i32
    return %c0_i32, %c0_i32_0 : i32, i32
  }
}

</mosaic_0001>

<sc_bundles>
// kernel: kernel.12.cloned.1.call-start
scs
__scs_entry_jumppad:
0x0: {  	(pc) =	sbr.rel $0x88, $3  }
0x1: {  	(tag) =	ssettag $0x0;
	lr =	simm.s32 $0x1  }
0x2: {  	[smem:$0x3F84] =	sst lr;
	_ =	strace $0xD0000000  }
0x3: {  	_ = 	snop  }
0x4: {  	_ = 	snop  }
0x5: {  	_ = 	snop  }
0x6: {  	_ = 	snop  }
0x7: {  	_ = 	snop  }
__scs_overlays_trampoline_lowered:
0x8: {  	[smem:$0x3F93] =	sst s0  }
0x9: {  	[smem:$0x3F94] =	sst s1  }
0xa: {  	[smem:$0x3F95] =	sst s2  }
0xb: {  	[smem:$0x3F96] =	sst s3  }
0xc: {  	[smem:$0x3F97] =	sst s4  }
0xd: {  	[smem:$0x3F98] =	sst s5  }
0xe: {  	[smem:$0x3F99] =	sst s6  }
0xf: {  	[smem:$0x3F9A] =	sst s7  }
0x10: {  	[smem:$0x3F9B] =	sst s8  }
0x11: {  	[smem:$0x3F9C] =	sst s9;
	s0 =	simm.s32 @!p0 $0x0  }
0x12: {  	s1 =	sld [smem:$0x3F82];
	s0 =	simm.s32 @p0 $0x1  }
0x13: {  	[smem:$0x3F9D] =	sst s0;
	s0 =	simm.s32 @!p1 $0x0  }
0x14: {  	s2 =	sld [smem:$0x3F81];
	s0 =	simm.s32 @p1 $0x1  }
0x15: {  	[smem:$0x3F9E] =	sst s0;
	s0 =	simm.s32 @!p2 $0x0  }
0x16: {  	s3 =	sld [smem:$0x3FDB];
	s0 =	simm.s32 @p2 $0x1  }
0x17: {  	s4 =	simm.s32 $0x1BF5;
	[smem:$0x3FA0] =	sst s0  }
0x18: {  	s0 =	sld [smem:$0x3F83];
	_ =	swait.ge [sflag:s4], $0x0  }
0x19: {  	s7 =	sld [smem:$0x3F84]  }
0x1a: {  	s8 =	sadd.s32 $0xFFFFE003, lr  }
0x1b: {  	s9 =	sadd.s32 $0xFFFFFEF7, lr;
	s5 =	simm.s32 $0xFFFFFFFF;
	p2 =	slt.u32 s8, $0xFFFFF086  }
0x1c: {  	p1 =	slt.u32 s9, $0xF7A;
	s5 =	simm.s32 @!p2 $0x0  }
0x1d: {  	s5 =	simm.s32 @p1 $0x1;
	p0 =	seq.s32 s7, s2  }
0x1e: {  	s7 =	smul.u32 @!p0 $0xF7A, s2;
	p2 =	seq.s32 @!p0 s5, $0x0  }
0x1f: {  	s9 =	smul.u32 $0xF7A, s1;
	s8 =	simm.s32 @!p0 $0x1BF5;
	p2 =	por !p2, p0  }
0x20: {  	[sflag:s8] =	ssyncset.s32 @!p0 $0xFFFFF086;
	s6 =	sadd.s32 @!p0 s3, s7;
	s7 =	simm.s32 @!p0 $0x108  }
0x21: {  	s3 =	sadd.s32 s3, s9;
	s6 =	sadd.s32 @!p0 $0x88, s6;
	s7 =	simm.s32 @p2 $0x1082  }
0x22: {  	[simem:s7], [sflag:s8] =	dma.local @!p0 [hbm:s6], $0xF7A  }
0x23: {  	s9 =	sor.u32 $0xD0000000, s2;
	s6 =	simm.s32 $0x108;
	_ =	swait.ge @!p0 [sflag:s8], $0x0  }
0x24: {  	s3 =	sadd.s32 $0x88, s3;
	s6 =	simm.s32 @!p1 $0x1082;
	[sflag:s4] =	ssyncset.s32 $0xFFFFF086  }
0x25: {  	[simem:s6], [sflag:s4] =	dma.local [hbm:s3], $0xF7A  }
0x26: {  	[smem:$0x3F84] =	sst s1;
	(tag) =	ssettag s2;
	_ =	strace s9  }
0x27: {  	s1 =	sld [smem:$0x3F94]  }
0x28: {  	s2 =	sld [smem:$0x3F95]  }
0x29: {  	s4 =	sld [smem:$0x3F97]  }
0x2a: {  	p0 =	seq.s32 s5, $0x0;
	s5 =	sld [smem:$0x3F98]  }
0x2b: {  	s6 =	sld [smem:$0x3F99]  }
0x2c: {  	s7 =	sld [smem:$0x3F9A]  }
0x2d: {  	s3 =	simm.s32 $0x108;
	s8 =	sld [smem:$0x3F9B]  }
0x2e: {  	s3 =	simm.s32 @!p0 $0x1082;
	s9 =	sld [smem:$0x3F9C]  }
0x2f: {  	lr =	sadd.s32 s0, s3;
	s0 =	sld [smem:$0x3F93]  }
0x30: {  	s3 =	sld [smem:$0x3F96]  }
0x31: {  	[smem:$0x3F9F] =	sst s10  }
0x32: {  	s10 =	sld [smem:$0x3F9D];
	_ =	sdelay $0x3  }
0x33: {  	p0 =	seq.s32 s10, $0x1;
	s10 =	sld [smem:$0x3F9F];
	_ =	sdelay $0x3  }
0x34: {  	[smem:$0x3F9F] =	sst s10  }
0x35: {  	s10 =	sld [smem:$0x3F9E];
	_ =	sdelay $0x3  }
0x36: {  	p1 =	seq.s32 s10, $0x1;
	s10 =	sld [smem:$0x3F9F];
	_ =	sdelay $0x3  }
0x37: {  	[smem:$0x3F9F] =	sst s10  }
0x38: {  	s10 =	sld [smem:$0x3FA0]  }
0x39: {  	_ = 	snop;
	(pc) =	sbr.ind lr, $3  }
0x3a: {  	_ = 	snop  }
0x3b: {  	_ = 	snop  }
0x3c: {  	p2 =	seq.s32 s10, $0x1;
	s10 =	sld [smem:$0x3F9F]  }
0x3d: {  	_ =	shalt  }
0x3e: {  	_ =	shalt  }
0x3f: {  	_ =	shalt  }
0x40: {  	_ =	shalt  }
0x41: {  	_ =	shalt  }
0x42: {  	_ =	shalt  }
0x43: {  	_ =	shalt  }
0x44: {  	_ =	shalt  }
0x45: {  	_ =	shalt  }
0x46: {  	_ =	shalt  }
0x47: {  	_ =	shalt  }
0x48: {  	_ =	shalt  }
0x49: {  	_ =	shalt  }
0x4a: {  	_ =	shalt  }
0x4b: {  	_ =	shalt  }
0x4c: {  	_ =	shalt  }
0x4d: {  	_ =	shalt  }
0x4e: {  	_ =	shalt  }
0x4f: {  	_ =	shalt  }
0x50: {  	_ =	shalt  }
0x51: {  	_ =	shalt  }
0x52: {  	_ =	shalt  }
0x53: {  	_ =	shalt  }
0x54: {  	_ =	shalt  }
0x55: {  	_ =	shalt  }
0x56: {  	_ =	shalt  }
0x57: {  	_ =	shalt  }
0x58: {  	_ =	shalt  }
0x59: {  	_ =	shalt  }
0x5a: {  	_ =	shalt  }
0x5b: {  	_ =	shalt  }
0x5c: {  	_ =	shalt  }
0x5d: {  	_ =	shalt  }
0x5e: {  	_ =	shalt  }
0x5f: {  	_ =	shalt  }
0x60: {  	_ =	shalt  }
0x61: {  	_ =	shalt  }
0x62: {  	_ =	shalt  }
0x63: {  	_ =	shalt  }
0x64: {  	_ =	shalt  }
0x65: {  	_ =	shalt  }
0x66: {  	_ =	shalt  }
0x67: {  	_ =	shalt  }
0x68: {  	_ =	shalt  }
0x69: {  	_ =	shalt  }
0x6a: {  	_ =	shalt  }
0x6b: {  	_ =	shalt  }
0x6c: {  	_ =	shalt  }
0x6d: {  	_ =	shalt  }
0x6e: {  	_ =	shalt  }
0x6f: {  	_ =	shalt  }
0x70: {  	_ =	shalt  }
0x71: {  	_ =	shalt  }
0x72: {  	_ =	shalt  }
0x73: {  	_ =	shalt  }
0x74: {  	_ =	shalt  }
0x75: {  	_ =	shalt  }
0x76: {  	_ =	shalt  }
0x77: {  	_ =	shalt  }
0x78: {  	_ =	shalt  }
0x79: {  	_ =	shalt  }
0x7a: {  	_ =	shalt  }
0x7b: {  	_ =	shalt  }
0x7c: {  	_ =	shalt  }
0x7d: {  	_ =	shalt  }
0x7e: {  	_ =	shalt  }
0x7f: {  	_ =	shalt  }
0x80: {  	_ =	shalt  }
0x81: {  	_ =	shalt  }
0x82: {  	_ =	shalt  }
0x83: {  	_ =	shalt  }
0x84: {  	_ =	shalt  }
0x85: {  	_ =	shalt  }
0x86: {  	_ =	shalt  }
0x87: {  	_ =	shalt  }
.Lfunc_end0:
.L_simem_size_0:
called_computation.1_lowered:
.L_overlay_start_0:
0x88: {  	s2 =	sld [smem:$0x3FD9]  }
0x89: {  	s3 =	sld [smem:$0x3FFE];
	_ =	sdelay $0x1  }
0x8a: {  	s1 =	srdreg.scid  }
0x8b: {  	s0 =	sand.u32 $0x1, s1  }
0x8c: {  	s14 =	sshll.u32 s0, $0xA;
	s2 =	sadd.s32 s3, s2  }
0x8d: {  	s2 =	sadd.s32 s2, s14  }
0x8e: {  	[smem:$0x3FAB] =	sst s2  }
0x8f: {  	_ = 	snop  }
0x90: {  	s2 =	sld [smem:$0x3FD0];
	_ =	sdelay $0x2  }
0x91: {  	s15 =	simm.s32 $0xA;
	s4 =	simm.s32 $0x10  }
0x92: {  	[smem:s4], [sflag:s15] =	dma.local [hbm:s2], $0x1  }
0x93: {  	_ =	swait.eq [sflag:s15], $0x1  }
0x94: {  	[sflag:s15] =	ssyncset.done $0x0  }
0x95: {  	[sflag:s15] =	ssyncadd.s32 $0xFFFFFFFF  }
0x96: {  	s16 =	sld [smem:$0x11];
	(tm) =	ssettm $0x1  }
0x97: {  	s17 =	sld [smem:$0x3FFB];
	_ =	sdelay $0x3  }
0x98: {  	_ =	strace s17  }
0x99: {  	s3 =	sld [smem:$0x3FFC];
	_ =	sdelay $0x3  }
0x9a: {  	_ =	strace s3  }
0x9b: {  	s3 =	sld [smem:$0x3FFD];
	_ =	sdelay $0x3  }
0x9c: {  	_ =	strace s3  }
0x9d: {  	_ =	strace $0x8FFFFFFF  }
0x9e: {  	s18 =	sld [smem:$0x3FDB];
	_ =	sdelay $0x1  }
0x9f: {  	s19 =	simm.s32 $_scs_section_size  }
0xa0: {  	s5 =	simm.s32 $_size__tile_overlayer_lowered;
	s6 =	simm.s32 $_tile_overlayer_lowered  }
0xa1: {  	s22 =	simm.s32 $0x1BFF;
	s21 =	sshll.u32 s6, $0x1;
	s3 =	sadd.s32 s19, s18  }
0xa2: {  	s7 =	simm.s32 $0x0;
	s20 =	sshll.u32 s5, $0x1;
	s5 =	sadd.s32 s21, s3  }
0xa3: {  	[timem:s7], [sflag:s22] =	dma.local [hbm:s5], s20  }
0xa4: {  	_ =	swait.ge [sflag:s22], s20  }
0xa5: {  	s4 =	ssub.s32 $0x0, s20;
	[sflag:s22] =	ssyncset.done $0x0  }
0xa6: {  	[sflag:s22] =	ssyncadd.s32 s4;
	_ =	sdelay $0x1  }
0xa7: {  	s23 =	simm.s32 $0x1B8B  }
0xa8: {  	_ =	swait.ge [sflag:s23], $0x1  }
0xa9: {  	[sflag:s23] =	ssyncset.done $0x0  }
0xaa: {  	s25 =	simm.s32 $0x1B8E;
	s24 =	sld [smem:$0x3FFE];
	[sflag:s23] =	ssyncadd.s32 $0xFFFFFFFF  }
0xab: {  	s26 =	simm.s32 $execute0_lowered;
	[smem:$0x3FD2] =	sst s25  }
0xac: {  	s5 =	sshll.u32 s26, $0x1;
	_ =	strace $0x80000049;
	[dreg:$0x1] =	wrdreg $0xFFFFFFFF  }
0xad: {  	s28 =	simm.s32 $_size_execute0_lowered;
	s3 =	sadd.s32 s3, s5;
	[dreg:$0x0] =	wrdreg $0x0  }
0xae: {  	s5 =	sshll.u32 s28, $0x1;
	[dreg:$0x2] =	wrdreg s3  }
0xaf: {  	[dreg:$0x3] =	wrdreg s5  }
0xb0: {  	[dreg:$0x4] =	wrdreg $0xC0  }
0xb1: {  	_ =	task [dreg:s7], $0x5FFFF  }
0xb2: {  	[dreg:$0x1] =	wrdreg $0xFFFFFFFF  }
0xb3: {  	[dreg:$0x0] =	wrdreg $0x60  }
0xb4: {  	[dreg:$0x2] =	wrdreg s24  }
0xb5: {  	[dreg:$0x3] =	wrdreg s16  }
0xb6: {  	[dreg:$0x4] =	wrdreg $0x88000  }
0xb7: {  	[dreg:$0x5] =	wrdreg $0x9  }
0xb8: {  	_ =	task.clear_ibuf [dreg:s7], $0x6FFFF;
	_ =	strace $0x90000049  }
0xb9: {  	s29 =	simm.s32 $0x9;
	_ =	strace $0x8000004B  }
0xba: {  	_ =	swait.ge [sflag:s29], $0x1  }
0xbb: {  	[sflag:s29] =	ssyncadd.s32 $0xFFFFFFFF  }
0xbc: {  	_ =	strace $0x9000004B  }
0xbd: {  	_ =	sfence  }
0xbe: {  	s30 =	sld [smem:$0x0];
	_ =	sdelay $0x2  }
0xbf: {  	s31 =	sshll.u32 s1, $0xD;
	s1 =	sshrl.u32 s1, $0x2  }
0xc0: {  	s3 =	sand.u32 $0x4000, s31;
	s1 =	sadd.s32 s1, s30  }
0xc1: {  	s0 =	sor.u32 s3, s0;
	s1 =	sshll.u32 s1, $0x11  }
0xc2: {  	s0 =	sor.u32 s1, s0  }
0xc3: {  	s0 =	sadd.s32 $0x8F2B, s0  }
0xc4: {  	[sflag:s0] =	ssyncadd.remote.s32 $0x1  }
0xc5: {  	_ =	sfence.sel $0xFFFF  }
0xc6: {  	[dreg:$0x0] =	wrdreg $0xFFFFFFFF;
	(pc) =	sbr.abs _section_cstart, $3  }
0xc7: {  	[dreg:$0x1] =	wrdreg $0xFFFFFFFF  }
0xc8: {  	_ =	task.clear_ibuf [dreg:s7], $0x2FFFF;
	_ =	strace $0x9FFFFFFF  }
0xc9: {  	(tm) =	ssettm $0x7FFFFFFF  }
tec
execute0_lowered:
.L_overlay_start_1:
0x0: {  	(tag) =	ssettag $0x1  }
0x1: {  	s0 =	rddreg [dreg:$0x0]  }
0x2: {  	s1 =	rddreg [dreg:$0x1]  }
0x3: {  	s2 =	rddreg [dreg:$0x2];
	s3 =	srdreg.scid;
	s4 =	simm.s32 $0x0  }
0x4: {  	s11 =	stileid.u32;
	s13 =	simm.s32 $0x3;
	s14 =	simm.s32 $0x400  }
0x5: {  	s15 =	simm.s32 $0x80;
	s16 =	simm.s32 $0x800;
	s28 =	simm.s32 $0x600  }
0x6: {  	s29 =	simm.s32 $0x300;
	s30 =	simm.s32 $0x680;
	s31 =	simm.s32 $0x380  }
0x7: {  	s3 =	sand.u32 $0x1, s3;
	[smem:$0x7FF] =	sst s4;
	s7 =	smul.u32 $0x14000, s11  }
0x8: {  	s8 =	sadd.s32 $0x4000, s0;
	s5 =	sadd.s32 $0xE000, s0;
	s20 =	smul.u32 $0x50000, s11  }
0x9: {  	s17 =	sadd.s32 $0x36000, s0;
	s22 =	sshll.u32 s11, $0x6;
	s6 =	smul.u32 $0x140000, s3  }
0xa: {  	_ =	strace $0x8000004A;
	[dreg:$0x4] =	wrdreg s8;
	s18 =	smul.u32 $0xFFFFFF70, s3  }
0xb: {  	[dreg:$0x5] =	wrdreg s17;
	s19 =	ssub.s32 $0x2, s3;
	s3 =	smul.u32 $0x980, s3  }
0xc: {  	s8 =	sor.u32 $0x1C03, s22;
	s17 =	simm.s32 $0x4800;
	s22 =	simm.s32 $0x180  }
0xd: {  	s9 =	sshrl.u32 s19, $0x1;
	s21 =	sshrl.u32 s20, $0x2;
	s20 =	simm.s32 $0x2  }
0xe: {  	s6 =	sadd.s32 s7, s6;
	s10 =	sadd.s32 $0x98, s18;
	s23 =	sadd.s32 s21, s2  }
0xf: {  	s18 =	simm.s32 $0x1;
	s21 =	simm.s32 $0x480;
	s6 =	sshrl.u32 s6, $0x3  }
0x10: {  	s11 =	smul.u32 s11, s10;
	s24 =	sshrl.u32 s10, $0x3;
	s0 =	sadd.s32 s6, s0  }
0x11: {  	s6 =	ssub.s32 s19, s9;
	[dreg:$0x6] =	wrdreg s24;
	s9 =	sshrl.u32 s23, $0x3  }
0x12: {  	s19 =	simm.s32 $0x100;
	s23 =	simm.s32 $0x500;
	s0 =	sadd.s32 $0x38800, s0  }
0x13: {  	s24 =	simm.s32 $0x200;
	s25 =	smax.u32 s6, $0x1;
	[dreg:$0x7] =	wrdreg s0  }
0x14: {  	s3 =	sadd.s32 s3, s11;
	s6 =	simm.s32 $0x0;
	[dreg:$0x8] =	wrdreg s25  }
0x15: {  	s26 =	sshll.u32 s3, $0x4;
	s25 =	simm.s32 $0x580;
	s0 =	simm.s32 $0x700  }
0x16: {  	s3 =	simm.s32 $0x780;
	[dreg:$0x9] =	wrdreg s26;
	s26 =	simm.s32 $0x280  }
.LBB2_1:
0x17: {  	s7 =	rddreg [dreg:$0x5]  }
0x18: {  	[spmem:s9], [sflag:s8] =	dma.local [hbm:s7], $0x2800  }
0x19: {  	_ =	swait.ge [sflag:s13], $0x2800  }
0x1a: {  	[sflag:s13] =	ssyncset.done $0x0  }
0x1b: {  	[sflag:s13] =	ssyncadd.s32 $0xFFFFD800  }
0x1c: {  	[bflag:$0x0] =	sbarrier.arrive $0xFFFF  }
0x1d: {  	s12 =	smov.u32 s8;
	s8 =	rddreg [dreg:$0x9]  }
0x1e: {  	s7 =	rddreg [dreg:$0x4];
	s11 =	sand.u32 $0x1FFFFF80, s8  }
0x1f: {  	s10 =	smov.u32 s9;
	s9 =	sadd.s32 s7, s11  }
0x20: {  	[tilespmem:s4], [sflag:$0x3] =	stream.linear.gather [hbm4b:s9+s4], $0x400, $0x38;
	[tilespmem:$0x1C800] =	vst v63  }
0x21: {  	_ =	swait.ge [sflag:s13], $0x400  }
0x22: {  	[sflag:s13] =	ssyncset.done $0x0  }
0x23: {  	s7 =	sadd.s32 s1, s11;
	[sflag:s13] =	ssyncadd.s32 $0xFFFFFC00  }
0x24: {  	[tilespmem:s14], [sflag:$0x3] =	stream.linear.gather [hbm4b:s7+s4], $0x400, $0x38;
	[tilespmem:$0x1C800] =	vst v63  }
0x25: {  	_ =	swait.ge [sflag:s13], $0x400  }
0x26: {  	[sflag:s13] =	ssyncset.done $0x0  }
0x27: {  	[sflag:s13] =	ssyncadd.s32 $0xFFFFFC00  }
0x28: {  	[tilespmem:s16], [sflag:$0x1] =	stream.indirect.gather [hbm4b:s5+s15], $0x80, s4, s15, $0xb8;
	[tilespmem:$0x1C800] =	vst v63  }
0x29: {  	_ = 	snop  }
0x2a: {  	[tilespmem:s17], [sflag:$0x2] =	stream.indirect.gather [hbm4b:s5+s15], $0x80, s15, s15, $0xb8;
	[tilespmem:$0x1C800] =	vst v63  }
0x2b: {  	_ =	swait.ge [sflag:s18], $0x4000  }
0x2c: {  	[sflag:s18] =	ssyncset.done $0x0  }
0x2d: {  	[sflag:s18] =	ssyncadd.s32 $0xFFFFC000  }
0x2e: {  	[spmem:s2] =	stream.indirect.scatter.add.f32 [tilespmem:s16], [sflag:$0x3], $0x80, s14, s15, $0xb8;
	[tilespmem:$0x1C800] =	vst v63  }
0x2f: {  	_ =	swait.ge [sflag:s13], $0x4000  }
0x30: {  	[sflag:s13] =	ssyncset.done $0x0  }
0x31: {  	[sflag:s13] =	ssyncadd.s32 $0xFFFFC000  }
0x32: {  	[tilespmem:s16], [sflag:$0x1] =	stream.indirect.gather [hbm4b:s5+s15], $0x80, s19, s15, $0xb8;
	[tilespmem:$0x1C800] =	vst v63  }
0x33: {  	_ =	swait.ge [sflag:s20], $0x4000  }
0x34: {  	[sflag:s20] =	ssyncset.done $0x0  }
0x35: {  	[sflag:s20] =	ssyncadd.s32 $0xFFFFC000  }
0x36: {  	[spmem:s2] =	stream.indirect.scatter.add.f32 [tilespmem:s17], [sflag:$0x3], $0x80, s21, s15, $0xb8;
	[tilespmem:$0x1C800] =	vst v63  }
0x37: {  	_ =	swait.ge [sflag:s13], $0x4000  }
0x38: {  	[sflag:s13] =	ssyncset.done $0x0  }
0x39: {  	[sflag:s13] =	ssyncadd.s32 $0xFFFFC000  }
0x3a: {  	[tilespmem:s17], [sflag:$0x2] =	stream.indirect.gather [hbm4b:s5+s15], $0x80, s22, s15, $0xb8;
	[tilespmem:$0x1C800] =	vst v63  }
0x3b: {  	_ =	swait.ge [sflag:s18], $0x4000  }
0x3c: {  	[sflag:s18] =	ssyncset.done $0x0  }
0x3d: {  	[sflag:s18] =	ssyncadd.s32 $0xFFFFC000  }
0x3e: {  	[spmem:s2] =	stream.indirect.scatter.add.f32 [tilespmem:s16], [sflag:$0x3], $0x80, s23, s15, $0xb8;
	[tilespmem:$0x1C800] =	vst v63  }
0x3f: {  	_ =	swait.ge [sflag:s13], $0x4000  }
0x40: {  	[sflag:s13] =	ssyncset.done $0x0  }
0x41: {  	[sflag:s13] =	ssyncadd.s32 $0xFFFFC000  }
0x42: {  	[tilespmem:s16], [sflag:$0x1] =	stream.indirect.gather [hbm4b:s5+s15], $0x80, s24, s15, $0xb8;
	[tilespmem:$0x1C800] =	vst v63  }
0x43: {  	_ =	swait.ge [sflag:s20], $0x4000  }
0x44: {  	[sflag:s20] =	ssyncset.done $0x0  }
0x45: {  	[sflag:s20] =	ssyncadd.s32 $0xFFFFC000  }
0x46: {  	[spmem:s2] =	stream.indirect.scatter.add.f32 [tilespmem:s17], [sflag:$0x3], $0x80, s25, s15, $0xb8;
	[tilespmem:$0x1C800] =	vst v63  }
0x47: {  	_ =	swait.ge [sflag:s13], $0x4000  }
0x48: {  	[sflag:s13] =	ssyncset.done $0x0  }
0x49: {  	[sflag:s13] =	ssyncadd.s32 $0xFFFFC000  }
0x4a: {  	[tilespmem:s17], [sflag:$0x2] =	stream.indirect.gather [hbm4b:s5+s15], $0x80, s26, s15, $0xb8;
	[tilespmem:$0x1C800] =	vst v63  }
0x4b: {  	_ =	swait.ge [sflag:s18], $0x4000  }
0x4c: {  	[sflag:s18] =	ssyncset.done $0x0  }
0x4d: {  	[sflag:s18] =	ssyncadd.s32 $0xFFFFC000  }
0x4e: {  	[spmem:s2] =	stream.indirect.scatter.add.f32 [tilespmem:s16], [sflag:$0x3], $0x80, s28, s15, $0xb8;
	[tilespmem:$0x1C800] =	vst v63  }
0x4f: {  	_ =	swait.ge [sflag:s13], $0x4000  }
0x50: {  	[sflag:s13] =	ssyncset.done $0x0  }
0x51: {  	[sflag:s13] =	ssyncadd.s32 $0xFFFFC000  }
0x52: {  	[tilespmem:s16], [sflag:$0x1] =	stream.indirect.gather [hbm4b:s5+s15], $0x80, s29, s15, $0xb8;
	[tilespmem:$0x1C800] =	vst v63  }
0x53: {  	_ =	swait.ge [sflag:s20], $0x4000  }
0x54: {  	[sflag:s20] =	ssyncset.done $0x0  }
0x55: {  	[sflag:s20] =	ssyncadd.s32 $0xFFFFC000  }
0x56: {  	[spmem:s2] =	stream.indirect.scatter.add.f32 [tilespmem:s17], [sflag:$0x3], $0x80, s30, s15, $0xb8;
	[tilespmem:$0x1C800] =	vst v63  }
0x57: {  	_ =	swait.ge [sflag:s13], $0x4000  }
0x58: {  	[sflag:s13] =	ssyncset.done $0x0  }
0x59: {  	[sflag:s13] =	ssyncadd.s32 $0xFFFFC000  }
0x5a: {  	[tilespmem:s17], [sflag:$0x2] =	stream.indirect.gather [hbm4b:s5+s15], $0x80, s31, s15, $0xb8;
	[tilespmem:$0x1C800] =	vst v63  }
0x5b: {  	_ =	swait.ge [sflag:s18], $0x4000  }
0x5c: {  	[sflag:s18] =	ssyncset.done $0x0  }
0x5d: {  	[sflag:s18] =	ssyncadd.s32 $0xFFFFC000  }
0x5e: {  	[spmem:s2] =	stream.indirect.scatter.add.f32 [tilespmem:s16], [sflag:$0x3], $0x80, s0, s15, $0xb8;
	[tilespmem:$0x1C800] =	vst v63  }
0x5f: {  	_ =	swait.ge [sflag:s13], $0x4000  }
0x60: {  	[sflag:s13] =	ssyncset.done $0x0  }
0x61: {  	[sflag:s13] =	ssyncadd.s32 $0xFFFFC000  }
0x62: {  	_ =	swait.ge [sflag:s20], $0x4000  }
0x63: {  	s11 =	rddreg [dreg:$0x6]  }
0x64: {  	p0 =	sne.s32 s11, $0x1  }
.Ltmp0:
0x65: {  	_ = 	snop;
	(pc) =	sbr.rel @!p0 .LBB2_3-.Ltmp0, $4  }
0x66: {  	[sflag:s20] =	ssyncset.done $0x0  }
0x67: {  	[sflag:s20] =	ssyncadd.s32 $0xFFFFC000  }
0x68: {  	[spmem:s2] =	stream.indirect.scatter.add.f32 [tilespmem:s17], [sflag:$0x3], $0x80, s3, s15, $0xb8;
	[tilespmem:$0x1C800] =	vst v63  }
0x69: {  	s9 =	sadd.s32 $0xFFFFFFFF, s11;
	s11 =	smov.u32 s8;
	_ =	swait.ge [sflag:s13], $0x4000  }
.LBB2_2:
0x6a: {  	s11 =	sadd.s32 $0x80, s11  }
0x6b: {  	s7 =	rddreg [dreg:$0x4];
	[sflag:s13] =	ssyncset.done $0x0;
	s8 =	sand.u32 $0x1FFFFF80, s11  }
0x6c: {  	[sflag:s13] =	ssyncadd.s32 $0xFFFFC000;
	s7 =	sadd.s32 s7, s8  }
0x6d: {  	[tilespmem:s4], [sflag:$0x3] =	stream.linear.gather [hbm4b:s7+s4], $0x400, $0x38;
	[tilespmem:$0x1C800] =	vst v63  }
0x6e: {  	_ =	swait.ge [sflag:s13], $0x400  }
0x6f: {  	[sflag:s13] =	ssyncset.done $0x0  }
0x70: {  	s8 =	sadd.s32 s1, s8;
	[sflag:s13] =	ssyncadd.s32 $0xFFFFFC00  }
0x71: {  	[tilespmem:s14], [sflag:$0x3] =	stream.linear.gather [hbm4b:s8+s4], $0x400, $0x38;
	[tilespmem:$0x1C800] =	vst v63  }
0x72: {  	_ =	swait.ge [sflag:s13], $0x400  }
0x73: {  	[sflag:s13] =	ssyncset.done $0x0  }
0x74: {  	[sflag:s13] =	ssyncadd.s32 $0xFFFFFC00  }
0x75: {  	[tilespmem:s16], [sflag:$0x1] =	stream.indirect.gather [hbm4b:s5+s15], $0x80, s4, s15, $0xb8;
	[tilespmem:$0x1C800] =	vst v63  }
0x76: {  	_ = 	snop  }
0x77: {  	[tilespmem:s17], [sflag:$0x2] =	stream.indirect.gather [hbm4b:s5+s15], $0x80, s15, s15, $0xb8;
	[tilespmem:$0x1C800] =	vst v63  }
0x78: {  	_ =	swait.ge [sflag:s18], $0x4000  }
0x79: {  	[sflag:s18] =	ssyncset.done $0x0  }
0x7a: {  	[sflag:s18] =	ssyncadd.s32 $0xFFFFC000  }
0x7b: {  	[spmem:s2] =	stream.indirect.scatter.add.f32 [tilespmem:s16], [sflag:$0x3], $0x80, s14, s15, $0xb8;
	[tilespmem:$0x1C800] =	vst v63  }
0x7c: {  	_ =	swait.ge [sflag:s13], $0x4000  }
0x7d: {  	[sflag:s13] =	ssyncset.done $0x0  }
0x7e: {  	[sflag:s13] =	ssyncadd.s32 $0xFFFFC000  }
0x7f: {  	[tilespmem:s16], [sflag:$0x1] =	stream.indirect.gather [hbm4b:s5+s15], $0x80, s19, s15, $0xb8;
	[tilespmem:$0x1C800] =	vst v63  }
0x80: {  	_ =	swait.ge [sflag:s20], $0x4000  }
0x81: {  	[sflag:s20] =	ssyncset.done $0x0  }
0x82: {  	[sflag:s20] =	ssyncadd.s32 $0xFFFFC000  }
0x83: {  	[spmem:s2] =	stream.indirect.scatter.add.f32 [tilespmem:s17], [sflag:$0x3], $0x80, s21, s15, $0xb8;
	[tilespmem:$0x1C800] =	vst v63  }
0x84: {  	_ =	swait.ge [sflag:s13], $0x4000  }
0x85: {  	[sflag:s13] =	ssyncset.done $0x0  }
0x86: {  	[sflag:s13] =	ssyncadd.s32 $0xFFFFC000  }
0x87: {  	[tilespmem:s17], [sflag:$0x2] =	stream.indirect.gather [hbm4b:s5+s15], $0x80, s22, s15, $0xb8;
	[tilespmem:$0x1C800] =	vst v63  }
0x88: {  	_ =	swait.ge [sflag:s18], $0x4000  }
0x89: {  	[sflag:s18] =	ssyncset.done $0x0  }
0x8a: {  	[sflag:s18] =	ssyncadd.s32 $0xFFFFC000  }
0x8b: {  	[spmem:s2] =	stream.indirect.scatter.add.f32 [tilespmem:s16], [sflag:$0x3], $0x80, s23, s15, $0xb8;
	[tilespmem:$0x1C800] =	vst v63  }
0x8c: {  	_ =	swait.ge [sflag:s13], $0x4000  }
0x8d: {  	[sflag:s13] =	ssyncset.done $0x0  }
0x8e: {  	[sflag:s13] =	ssyncadd.s32 $0xFFFFC000  }
0x8f: {  	[tilespmem:s16], [sflag:$0x1] =	stream.indirect.gather [hbm4b:s5+s15], $0x80, s24, s15, $0xb8;
	[tilespmem:$0x1C800] =	vst v63  }
0x90: {  	_ =	swait.ge [sflag:s20], $0x4000  }
0x91: {  	[sflag:s20] =	ssyncset.done $0x0  }
0x92: {  	[sflag:s20] =	ssyncadd.s32 $0xFFFFC000  }
0x93: {  	[spmem:s2] =	stream.indirect.scatter.add.f32 [tilespmem:s17], [sflag:$0x3], $0x80, s25, s15, $0xb8;
	[tilespmem:$0x1C800] =	vst v63  }
0x94: {  	_ =	swait.ge [sflag:s13], $0x4000  }
0x95: {  	[sflag:s13] =	ssyncset.done $0x0  }
0x96: {  	[sflag:s13] =	ssyncadd.s32 $0xFFFFC000  }
0x97: {  	[tilespmem:s17], [sflag:$0x2] =	stream.indirect.gather [hbm4b:s5+s15], $0x80, s26, s15, $0xb8;
	[tilespmem:$0x1C800] =	vst v63  }
0x98: {  	_ =	swait.ge [sflag:s18], $0x4000  }
0x99: {  	[sflag:s18] =	ssyncset.done $0x0  }
0x9a: {  	[sflag:s18] =	ssyncadd.s32 $0xFFFFC000  }
0x9b: {  	[spmem:s2] =	stream.indirect.scatter.add.f32 [tilespmem:s16], [sflag:$0x3], $0x80, s28, s15, $0xb8;
	[tilespmem:$0x1C800] =	vst v63  }
0x9c: {  	_ =	swait.ge [sflag:s13], $0x4000  }
0x9d: {  	[sflag:s13] =	ssyncset.done $0x0  }
0x9e: {  	[sflag:s13] =	ssyncadd.s32 $0xFFFFC000  }
0x9f: {  	[tilespmem:s16], [sflag:$0x1] =	stream.indirect.gather [hbm4b:s5+s15], $0x80, s29, s15, $0xb8;
	[tilespmem:$0x1C800] =	vst v63  }
0xa0: {  	_ =	swait.ge [sflag:s20], $0x4000  }
0xa1: {  	[sflag:s20] =	ssyncset.done $0x0  }
0xa2: {  	[sflag:s20] =	ssyncadd.s32 $0xFFFFC000  }
0xa3: {  	[spmem:s2] =	stream.indirect.scatter.add.f32 [tilespmem:s17], [sflag:$0x3], $0x80, s30, s15, $0xb8;
	[tilespmem:$0x1C800] =	vst v63  }
0xa4: {  	_ =	swait.ge [sflag:s13], $0x4000  }
0xa5: {  	[sflag:s13] =	ssyncset.done $0x0  }
0xa6: {  	[sflag:s13] =	ssyncadd.s32 $0xFFFFC000  }
0xa7: {  	[tilespmem:s17], [sflag:$0x2] =	stream.indirect.gather [hbm4b:s5+s15], $0x80, s31, s15, $0xb8;
	[tilespmem:$0x1C800] =	vst v63  }
0xa8: {  	_ =	swait.ge [sflag:s18], $0x4000  }
0xa9: {  	[sflag:s18] =	ssyncset.done $0x0  }
0xaa: {  	[sflag:s18] =	ssyncadd.s32 $0xFFFFC000  }
0xab: {  	[spmem:s2] =	stream.indirect.scatter.add.f32 [tilespmem:s16], [sflag:$0x3], $0x80, s0, s15, $0xb8;
	[tilespmem:$0x1C800] =	vst v63  }
0xac: {  	_ =	swait.ge [sflag:s13], $0x4000  }
0xad: {  	[sflag:s13] =	ssyncset.done $0x0  }
0xae: {  	p0 =	sne.s32 s9, $0x1;
	[sflag:s13] =	ssyncadd.s32 $0xFFFFC000  }
.Ltmp1:
0xaf: {  	_ =	swait.ge [sflag:s20], $0x4000;
	(pc) =	sbr.rel @p0 .LBB2_2-.Ltmp1, $4  }
0xb0: {  	[sflag:s20] =	ssyncset.done $0x0  }
0xb1: {  	[sflag:s20] =	ssyncadd.s32 $0xFFFFC000  }
0xb2: {  	[spmem:s2] =	stream.indirect.scatter.add.f32 [tilespmem:s17], [sflag:$0x3], $0x80, s3, s15, $0xb8;
	[tilespmem:$0x1C800] =	vst v63  }
0xb3: {  	s9 =	sadd.s32 $0xFFFFFFFF, s9;
	_ =	swait.ge [sflag:s13], $0x4000  }
.LBB2_3:
0xb4: {  	[sflag:s13] =	ssyncset.done $0x0  }
0xb5: {  	[sflag:s13] =	ssyncadd.s32 $0xFFFFC000  }
0xb6: {  	[bflag:$0x0] =	sbarrier.arrive $0xFFFF  }
0xb7: {  	s7 =	rddreg [dreg:$0x7]  }
0xb8: {  	[hbm:s7], [sflag:s12] =	dma.local [spmem:s10], $0x2800  }
0xb9: {  	_ =	swait.ge [sflag:s13], $0x2800  }
0xba: {  	s8 =	smov.u32 s12;
	s6 =	sadd.s32 $0x1, s6;
	s12 =	rddreg [dreg:$0x8]  }
0xbb: {  	p0 =	sne.s32 s6, s12  }
.Ltmp2:
0xbc: {  	_ = 	snop;
	(pc) =	sbr.rel @p0 .LBB2_1-.Ltmp2, $3  }
0xbd: {  	_ =	sdelay $0x1  }
0xbe: {  	[sflag:s13] =	ssyncset.done $0x0  }
0xbf: {  	s9 =	smov.u32 s10;
	[sflag:s13] =	ssyncadd.s32 $0xFFFFD800  }
0xc0: {  	_ =	sfence.sel $0x180000  }
0xc1: {  	[bflag:$0x0] =	sbarrier.arrive $0xFFFF  }
0xc2: {  	_ =	strace $0x9000004A  }
0xc3: {  	s0 =	stileid.u32;
	[bflag:$0x2] =	sbarrier.arrive $0xFFFF  }
0xc4: {  	p0 =	sne.s32 s0, $0x0;
	s0 =	rddreg [dreg:$0x3]  }
0xc5: {  	s0 =	sadd.s32 @!p0 $0x100000, s0  }
0xc6: {  	[sflag:s0] =	ssyncadd.tile.s32 @!p0 $0x1;
	_ =	shalt  }
.Lfunc_end2:
_tile_overlayer_lowered:
.L_overlay_start_2:
0xc7: {  	(tag) =	ssettag $0x2  }
0xc8: {  	s0 =	rddreg [dreg:$0x0];
	s2 =	stileid.u32  }
0xc9: {  	s1 =	rddreg [dreg:$0x1];
	p0 =	sne.s32 s2, $0x0  }
0xca: {  	s3 =	rddreg [dreg:$0x2];
	[bflag:$0x3] =	sbarrier.arrive $0xFFFF;
	s2 =	simm.s32 @!p0 $0x1C03  }
0xcb: {  	[timem:s3], [sflag:s2] =	dma.local @!p0 [hbm:s0], s1  }
0xcc: {  	s0 =	simm.s32 @!p0 $0x3  }
0xcd: {  	_ =	swait.ge @!p0 [sflag:s0], s1  }
0xce: {  	s1 =	ssub.s32 @!p0 $0x0, s1;
	[sflag:s0] =	ssyncset.done @!p0 $0x0  }
0xcf: {  	[sflag:s0] =	ssyncadd.s32 @!p0 s1  }
0xd0: {  	[bflag:$0x3] =	sbarrier.arrive $0xFFFF  }
0xd1: {  	_ =	shalt  }

// kernel: kernel.15.cloned.1.call-start
scs
__scs_entry_jumppad:
0x0: {  	(pc) =	sbr.rel $0x88, $3  }
0x1: {  	(tag) =	ssettag $0x0;
	lr =	simm.s32 $0x1  }
0x2: {  	[smem:$0x3F84] =	sst lr;
	_ =	strace $0xD0000000  }
0x3: {  	_ = 	snop  }
0x4: {  	_ = 	snop  }
0x5: {  	_ = 	snop  }
0x6: {  	_ = 	snop  }
0x7: {  	_ = 	snop  }
__scs_overlays_trampoline_lowered:
0x8: {  	[smem:$0x3F93] =	sst s0  }
0x9: {  	[smem:$0x3F94] =	sst s1  }
0xa: {  	[smem:$0x3F95] =	sst s2  }
0xb: {  	[smem:$0x3F96] =	sst s3  }
0xc: {  	[smem:$0x3F97] =	sst s4  }
0xd: {  	[smem:$0x3F98] =	sst s5  }
0xe: {  	[smem:$0x3F99] =	sst s6  }
0xf: {  	[smem:$0x3F9A] =	sst s7  }
0x10: {  	[smem:$0x3F9B] =	sst s8  }
0x11: {  	[smem:$0x3F9C] =	sst s9;
	s0 =	simm.s32 @!p0 $0x0  }
0x12: {  	s1 =	sld [smem:$0x3F82];
	s0 =	simm.s32 @p0 $0x1  }
0x13: {  	[smem:$0x3F9D] =	sst s0;
	s0 =	simm.s32 @!p1 $0x0  }
0x14: {  	s2 =	sld [smem:$0x3F81];
	s0 =	simm.s32 @p1 $0x1  }
0x15: {  	[smem:$0x3F9E] =	sst s0;
	s0 =	simm.s32 @!p2 $0x0  }
0x16: {  	s3 =	sld [smem:$0x3FDB];
	s0 =	simm.s32 @p2 $0x1  }
0x17: {  	s4 =	simm.s32 $0x1BF5;
	[smem:$0x3FA0] =	sst s0  }
0x18: {  	s0 =	sld [smem:$0x3F83];
	_ =	swait.ge [sflag:s4], $0x0  }
0x19: {  	s7 =	sld [smem:$0x3F84]  }
0x1a: {  	s8 =	sadd.s32 $0xFFFFE003, lr  }
0x1b: {  	s9 =	sadd.s32 $0xFFFFFEF7, lr;
	s5 =	simm.s32 $0xFFFFFFFF;
	p2 =	slt.u32 s8, $0xFFFFF086  }
0x1c: {  	p1 =	slt.u32 s9, $0xF7A;
	s5 =	simm.s32 @!p2 $0x0  }
0x1d: {  	s5 =	simm.s32 @p1 $0x1;
	p0 =	seq.s32 s7, s2  }
0x1e: {  	s7 =	smul.u32 @!p0 $0xF7A, s2;
	p2 =	seq.s32 @!p0 s5, $0x0  }
0x1f: {  	s9 =	smul.u32 $0xF7A, s1;
	s8 =	simm.s32 @!p0 $0x1BF5;
	p2 =	por !p2, p0  }
0x20: {  	[sflag:s8] =	ssyncset.s32 @!p0 $0xFFFFF086;
	s6 =	sadd.s32 @!p0 s3, s7;
	s7 =	simm.s32 @!p0 $0x108  }
0x21: {  	s3 =	sadd.s32 s3, s9;
	s6 =	sadd.s32 @!p0 $0x88, s6;
	s7 =	simm.s32 @p2 $0x1082  }
0x22: {  	[simem:s7], [sflag:s8] =	dma.local @!p0 [hbm:s6], $0xF7A  }
0x23: {  	s9 =	sor.u32 $0xD0000000, s2;
	s6 =	simm.s32 $0x108;
	_ =	swait.ge @!p0 [sflag:s8], $0x0  }
0x24: {  	s3 =	sadd.s32 $0x88, s3;
	s6 =	simm.s32 @!p1 $0x1082;
	[sflag:s4] =	ssyncset.s32 $0xFFFFF086  }
0x25: {  	[simem:s6], [sflag:s4] =	dma.local [hbm:s3], $0xF7A  }
0x26: {  	[smem:$0x3F84] =	sst s1;
	(tag) =	ssettag s2;
	_ =	strace s9  }
0x27: {  	s1 =	sld [smem:$0x3F94]  }
0x28: {  	s2 =	sld [smem:$0x3F95]  }
0x29: {  	s4 =	sld [smem:$0x3F97]  }
0x2a: {  	p0 =	seq.s32 s5, $0x0;
	s5 =	sld [smem:$0x3F98]  }
0x2b: {  	s6 =	sld [smem:$0x3F99]  }
0x2c: {  	s7 =	sld [smem:$0x3F9A]  }
0x2d: {  	s3 =	simm.s32 $0x108;
	s8 =	sld [smem:$0x3F9B]  }
0x2e: {  	s3 =	simm.s32 @!p0 $0x1082;
	s9 =	sld [smem:$0x3F9C]  }
0x2f: {  	lr =	sadd.s32 s0, s3;
	s0 =	sld [smem:$0x3F93]  }
0x30: {  	s3 =	sld [smem:$0x3F96]  }
0x31: {  	[smem:$0x3F9F] =	sst s10  }
0x32: {  	s10 =	sld [smem:$0x3F9D];
	_ =	sdelay $0x3  }
0x33: {  	p0 =	seq.s32 s10, $0x1;
	s10 =	sld [smem:$0x3F9F];
	_ =	sdelay $0x3  }
0x34: {  	[smem:$0x3F9F] =	sst s10  }
0x35: {  	s10 =	sld [smem:$0x3F9E];
	_ =	sdelay $0x3  }
0x36: {  	p1 =	seq.s32 s10, $0x1;
	s10 =	sld [smem:$0x3F9F];
	_ =	sdelay $0x3  }
0x37: {  	[smem:$0x3F9F] =	sst s10  }
0x38: {  	s10 =	sld [smem:$0x3FA0]  }
0x39: {  	_ = 	snop;
	(pc) =	sbr.ind lr, $3  }
0x3a: {  	_ = 	snop  }
0x3b: {  	_ = 	snop  }
0x3c: {  	p2 =	seq.s32 s10, $0x1;
	s10 =	sld [smem:$0x3F9F]  }
0x3d: {  	_ =	shalt  }
0x3e: {  	_ =	shalt  }
0x3f: {  	_ =	shalt  }
0x40: {  	_ =	shalt  }
0x41: {  	_ =	shalt  }
0x42: {  	_ =	shalt  }
0x43: {  	_ =	shalt  }
0x44: {  	_ =	shalt  }
0x45: {  	_ =	shalt  }
0x46: {  	_ =	shalt  }
0x47: {  	_ =	shalt  }
0x48: {  	_ =	shalt  }
0x49: {  	_ =	shalt  }
0x4a: {  	_ =	shalt  }
0x4b: {  	_ =	shalt  }
0x4c: {  	_ =	shalt  }
0x4d: {  	_ =	shalt  }
0x4e: {  	_ =	shalt  }
0x4f: {  	_ =	shalt  }
0x50: {  	_ =	shalt  }
0x51: {  	_ =	shalt  }
0x52: {  	_ =	shalt  }
0x53: {  	_ =	shalt  }
0x54: {  	_ =	shalt  }
0x55: {  	_ =	shalt  }
0x56: {  	_ =	shalt  }
0x57: {  	_ =	shalt  }
0x58: {  	_ =	shalt  }
0x59: {  	_ =	shalt  }
0x5a: {  	_ =	shalt  }
0x5b: {  	_ =	shalt  }
0x5c: {  	_ =	shalt  }
0x5d: {  	_ =	shalt  }
0x5e: {  	_ =	shalt  }
0x5f: {  	_ =	shalt  }
0x60: {  	_ =	shalt  }
0x61: {  	_ =	shalt  }
0x62: {  	_ =	shalt  }
0x63: {  	_ =	shalt  }
0x64: {  	_ =	shalt  }
0x65: {  	_ =	shalt  }
0x66: {  	_ =	shalt  }
0x67: {  	_ =	shalt  }
0x68: {  	_ =	shalt  }
0x69: {  	_ =	shalt  }
0x6a: {  	_ =	shalt  }
0x6b: {  	_ =	shalt  }
0x6c: {  	_ =	shalt  }
0x6d: {  	_ =	shalt  }
0x6e: {  	_ =	shalt  }
0x6f: {  	_ =	shalt  }
0x70: {  	_ =	shalt  }
0x71: {  	_ =	shalt  }
0x72: {  	_ =	shalt  }
0x73: {  	_ =	shalt  }
0x74: {  	_ =	shalt  }
0x75: {  	_ =	shalt  }
0x76: {  	_ =	shalt  }
0x77: {  	_ =	shalt  }
0x78: {  	_ =	shalt  }
0x79: {  	_ =	shalt  }
0x7a: {  	_ =	shalt  }
0x7b: {  	_ =	shalt  }
0x7c: {  	_ =	shalt  }
0x7d: {  	_ =	shalt  }
0x7e: {  	_ =	shalt  }
0x7f: {  	_ =	shalt  }
0x80: {  	_ =	shalt  }
0x81: {  	_ =	shalt  }
0x82: {  	_ =	shalt  }
0x83: {  	_ =	shalt  }
0x84: {  	_ =	shalt  }
0x85: {  	_ =	shalt  }
0x86: {  	_ =	shalt  }
0x87: {  	_ =	shalt  }
.Lfunc_end0:
.L_simem_size_0:
called_computation.2_lowered:
.L_overlay_start_0:
0x88: {  	s2 =	sld [smem:$0x3FD9]  }
0x89: {  	s3 =	sld [smem:$0x3FFE];
	_ =	sdelay $0x1  }
0x8a: {  	s1 =	srdreg.scid  }
0x8b: {  	s0 =	sand.u32 $0x1, s1  }
0x8c: {  	s14 =	sshll.u32 s0, $0xA;
	s2 =	sadd.s32 s3, s2  }
0x8d: {  	s2 =	sadd.s32 s2, s14  }
0x8e: {  	[smem:$0x3FAB] =	sst s2  }
0x8f: {  	_ = 	snop  }
0x90: {  	s2 =	sld [smem:$0x3FD0];
	_ =	sdelay $0x2  }
0x91: {  	s15 =	simm.s32 $0xA;
	s4 =	simm.s32 $0x10  }
0x92: {  	[smem:s4], [sflag:s15] =	dma.local [hbm:s2], $0x1  }
0x93: {  	_ =	swait.eq [sflag:s15], $0x1  }
0x94: {  	[sflag:s15] =	ssyncset.done $0x0  }
0x95: {  	[sflag:s15] =	ssyncadd.s32 $0xFFFFFFFF  }
0x96: {  	s16 =	sld [smem:$0x11];
	(tm) =	ssettm $0x1  }
0x97: {  	s17 =	sld [smem:$0x3FFB];
	_ =	sdelay $0x3  }
0x98: {  	_ =	strace s17  }
0x99: {  	s3 =	sld [smem:$0x3FFC];
	_ =	sdelay $0x3  }
0x9a: {  	_ =	strace s3  }
0x9b: {  	s3 =	sld [smem:$0x3FFD];
	_ =	sdelay $0x3  }
0x9c: {  	_ =	strace s3  }
0x9d: {  	_ =	strace $0x8FFFFFFF  }
0x9e: {  	s18 =	sld [smem:$0x3FDB];
	_ =	sdelay $0x1  }
0x9f: {  	s19 =	simm.s32 $_scs_section_size  }
0xa0: {  	s5 =	simm.s32 $_size__tile_overlayer_lowered;
	s6 =	simm.s32 $_tile_overlayer_lowered  }
0xa1: {  	s22 =	simm.s32 $0x1BFF;
	s21 =	sshll.u32 s6, $0x1;
	s3 =	sadd.s32 s19, s18  }
0xa2: {  	s7 =	simm.s32 $0x0;
	s20 =	sshll.u32 s5, $0x1;
	s5 =	sadd.s32 s21, s3  }
0xa3: {  	[timem:s7], [sflag:s22] =	dma.local [hbm:s5], s20  }
0xa4: {  	_ =	swait.ge [sflag:s22], s20  }
0xa5: {  	s4 =	ssub.s32 $0x0, s20;
	[sflag:s22] =	ssyncset.done $0x0  }
0xa6: {  	[sflag:s22] =	ssyncadd.s32 s4;
	_ =	sdelay $0x1  }
0xa7: {  	s23 =	simm.s32 $0x1B8B  }
0xa8: {  	_ =	swait.ge [sflag:s23], $0x1  }
0xa9: {  	[sflag:s23] =	ssyncset.done $0x0  }
0xaa: {  	s25 =	simm.s32 $0x1B8E;
	s24 =	sld [smem:$0x3FFE];
	[sflag:s23] =	ssyncadd.s32 $0xFFFFFFFF  }
0xab: {  	s26 =	simm.s32 $execute0_lowered;
	[smem:$0x3FD2] =	sst s25  }
0xac: {  	s5 =	sshll.u32 s26, $0x1;
	_ =	strace $0x8000004C;
	[dreg:$0x1] =	wrdreg $0xFFFFFFFF  }
0xad: {  	s28 =	simm.s32 $_size_execute0_lowered;
	s3 =	sadd.s32 s3, s5;
	[dreg:$0x0] =	wrdreg $0x0  }
0xae: {  	s5 =	sshll.u32 s28, $0x1;
	[dreg:$0x2] =	wrdreg s3  }
0xaf: {  	[dreg:$0x3] =	wrdreg s5  }
0xb0: {  	[dreg:$0x4] =	wrdreg $0xC0  }
0xb1: {  	_ =	task [dreg:s7], $0x5FFFF  }
0xb2: {  	[dreg:$0x1] =	wrdreg $0xFFFFFFFF  }
0xb3: {  	[dreg:$0x0] =	wrdreg $0x60  }
0xb4: {  	[dreg:$0x2] =	wrdreg s24  }
0xb5: {  	[dreg:$0x3] =	wrdreg s16  }
0xb6: {  	[dreg:$0x4] =	wrdreg $0x88000  }
0xb7: {  	[dreg:$0x5] =	wrdreg $0x9  }
0xb8: {  	_ =	task.clear_ibuf [dreg:s7], $0x6FFFF;
	_ =	strace $0x9000004C  }
0xb9: {  	s29 =	simm.s32 $0x9;
	_ =	strace $0x8000004E  }
0xba: {  	_ =	swait.ge [sflag:s29], $0x1  }
0xbb: {  	[sflag:s29] =	ssyncadd.s32 $0xFFFFFFFF  }
0xbc: {  	_ =	strace $0x9000004E  }
0xbd: {  	_ =	sfence  }
0xbe: {  	s30 =	sld [smem:$0x0];
	_ =	sdelay $0x2  }
0xbf: {  	s31 =	sshll.u32 s1, $0xD;
	s1 =	sshrl.u32 s1, $0x2  }
0xc0: {  	s3 =	sand.u32 $0x4000, s31;
	s1 =	sadd.s32 s1, s30  }
0xc1: {  	s0 =	sor.u32 s3, s0;
	s1 =	sshll.u32 s1, $0x11  }
0xc2: {  	s0 =	sor.u32 s1, s0  }
0xc3: {  	s0 =	sadd.s32 $0x8F2B, s0  }
0xc4: {  	[sflag:s0] =	ssyncadd.remote.s32 $0x1  }
0xc5: {  	_ =	sfence.sel $0xFFFF  }
0xc6: {  	[dreg:$0x0] =	wrdreg $0xFFFFFFFF;
	(pc) =	sbr.abs _section_cstart, $3  }
0xc7: {  	[dreg:$0x1] =	wrdreg $0xFFFFFFFF  }
0xc8: {  	_ =	task.clear_ibuf [dreg:s7], $0x2FFFF;
	_ =	strace $0x9FFFFFFF  }
0xc9: {  	(tm) =	ssettm $0x7FFFFFFF  }
tec
execute0_lowered:
.L_overlay_start_1:
0x0: {  	(tag) =	ssettag $0x1  }
0x1: {  	s0 =	rddreg [dreg:$0x0]  }
0x2: {  	s1 =	rddreg [dreg:$0x1]  }
0x3: {  	s2 =	rddreg [dreg:$0x2];
	s3 =	srdreg.scid;
	s4 =	simm.s32 $0x0  }
0x4: {  	s11 =	stileid.u32;
	s13 =	simm.s32 $0x3;
	s14 =	simm.s32 $0x400  }
0x5: {  	s15 =	simm.s32 $0x80;
	s16 =	simm.s32 $0x800;
	s28 =	simm.s32 $0x600  }
0x6: {  	s29 =	simm.s32 $0x300;
	s30 =	simm.s32 $0x680;
	s31 =	simm.s32 $0x380  }
0x7: {  	s3 =	sand.u32 $0x1, s3;
	[smem:$0x7FF] =	sst s4;
	s7 =	smul.u32 $0x14000, s11  }
0x8: {  	s8 =	sadd.s32 $0x4000, s0;
	s5 =	sadd.s32 $0xE000, s0;
	s20 =	smul.u32 $0x50000, s11  }
0x9: {  	s17 =	sadd.s32 $0x36000, s0;
	s22 =	sshll.u32 s11, $0x6;
	s6 =	smul.u32 $0x140000, s3  }
0xa: {  	_ =	strace $0x8000004D;
	[dreg:$0x4] =	wrdreg s8;
	s18 =	smul.u32 $0xFFFFFF70, s3  }
0xb: {  	[dreg:$0x5] =	wrdreg s17;
	s19 =	ssub.s32 $0x2, s3;
	s3 =	smul.u32 $0x980, s3  }
0xc: {  	s8 =	sor.u32 $0x1C03, s22;
	s17 =	simm.s32 $0x4800;
	s22 =	simm.s32 $0x180  }
0xd: {  	s9 =	sshrl.u32 s19, $0x1;
	s21 =	sshrl.u32 s20, $0x2;
	s20 =	simm.s32 $0x2  }
0xe: {  	s6 =	sadd.s32 s7, s6;
	s10 =	sadd.s32 $0x98, s18;
	s23 =	sadd.s32 s21, s2  }
0xf: {  	s18 =	simm.s32 $0x1;
	s21 =	simm.s32 $0x480;
	s6 =	sshrl.u32 s6, $0x3  }
0x10: {  	s11 =	smul.u32 s11, s10;
	s24 =	sshrl.u32 s10, $0x3;
	s0 =	sadd.s32 s6, s0  }
0x11: {  	s6 =	ssub.s32 s19, s9;
	[dreg:$0x6] =	wrdreg s24;
	s9 =	sshrl.u32 s23, $0x3  }
0x12: {  	s19 =	simm.s32 $0x100;
	s23 =	simm.s32 $0x500;
	s0 =	sadd.s32 $0x38800, s0  }
0x13: {  	s24 =	simm.s32 $0x200;
	s25 =	smax.u32 s6, $0x1;
	[dreg:$0x7] =	wrdreg s0  }
0x14: {  	s3 =	sadd.s32 s3, s11;
	s6 =	simm.s32 $0x0;
	[dreg:$0x8] =	wrdreg s25  }
0x15: {  	s26 =	sshll.u32 s3, $0x4;
	s25 =	simm.s32 $0x580;
	s0 =	simm.s32 $0x700  }
0x16: {  	s3 =	simm.s32 $0x780;
	[dreg:$0x9] =	wrdreg s26;
	s26 =	simm.s32 $0x280  }
.LBB2_1:
0x17: {  	s7 =	rddreg [dreg:$0x5]  }
0x18: {  	[spmem:s9], [sflag:s8] =	dma.local [hbm:s7], $0x2800  }
0x19: {  	_ =	swait.ge [sflag:s13], $0x2800  }
0x1a: {  	[sflag:s13] =	ssyncset.done $0x0  }
0x1b: {  	[sflag:s13] =	ssyncadd.s32 $0xFFFFD800  }
0x1c: {  	[bflag:$0x0] =	sbarrier.arrive $0xFFFF  }
0x1d: {  	s12 =	smov.u32 s8;
	s8 =	rddreg [dreg:$0x9]  }
0x1e: {  	s7 =	rddreg [dreg:$0x4];
	s11 =	sand.u32 $0x1FFFFF80, s8  }
0x1f: {  	s10 =	smov.u32 s9;
	s9 =	sadd.s32 s7, s11  }
0x20: {  	[tilespmem:s4], [sflag:$0x3] =	stream.linear.gather [hbm4b:s9+s4], $0x400, $0x38;
	[tilespmem:$0x1C800] =	vst v63  }
0x21: {  	_ =	swait.ge [sflag:s13], $0x400  }
0x22: {  	[sflag:s13] =	ssyncset.done $0x0  }
0x23: {  	s7 =	sadd.s32 s1, s11;
	[sflag:s13] =	ssyncadd.s32 $0xFFFFFC00  }
0x24: {  	[tilespmem:s14], [sflag:$0x3] =	stream.linear.gather [hbm4b:s7+s4], $0x400, $0x38;
	[tilespmem:$0x1C800] =	vst v63  }
0x25: {  	_ =	swait.ge [sflag:s13], $0x400  }
0x26: {  	[sflag:s13] =	ssyncset.done $0x0  }
0x27: {  	[sflag:s13] =	ssyncadd.s32 $0xFFFFFC00  }
0x28: {  	[tilespmem:s16], [sflag:$0x1] =	stream.indirect.gather [hbm4b:s5+s15], $0x80, s4, s15, $0xb8;
	[tilespmem:$0x1C800] =	vst v63  }
0x29: {  	_ = 	snop  }
0x2a: {  	[tilespmem:s17], [sflag:$0x2] =	stream.indirect.gather [hbm4b:s5+s15], $0x80, s15, s15, $0xb8;
	[tilespmem:$0x1C800] =	vst v63  }
0x2b: {  	_ =	swait.ge [sflag:s18], $0x4000  }
0x2c: {  	[sflag:s18] =	ssyncset.done $0x0  }
0x2d: {  	[sflag:s18] =	ssyncadd.s32 $0xFFFFC000  }
0x2e: {  	[spmem:s2] =	stream.indirect.scatter.add.f32 [tilespmem:s16], [sflag:$0x3], $0x80, s14, s15, $0xb8;
	[tilespmem:$0x1C800] =	vst v63  }
0x2f: {  	_ =	swait.ge [sflag:s13], $0x4000  }
0x30: {  	[sflag:s13] =	ssyncset.done $0x0  }
0x31: {  	[sflag:s13] =	ssyncadd.s32 $0xFFFFC000  }
0x32: {  	[tilespmem:s16], [sflag:$0x1] =	stream.indirect.gather [hbm4b:s5+s15], $0x80, s19, s15, $0xb8;
	[tilespmem:$0x1C800] =	vst v63  }
0x33: {  	_ =	swait.ge [sflag:s20], $0x4000  }
0x34: {  	[sflag:s20] =	ssyncset.done $0x0  }
0x35: {  	[sflag:s20] =	ssyncadd.s32 $0xFFFFC000  }
0x36: {  	[spmem:s2] =	stream.indirect.scatter.add.f32 [tilespmem:s17], [sflag:$0x3], $0x80, s21, s15, $0xb8;
	[tilespmem:$0x1C800] =	vst v63  }
0x37: {  	_ =	swait.ge [sflag:s13], $0x4000  }
0x38: {  	[sflag:s13] =	ssyncset.done $0x0  }
0x39: {  	[sflag:s13] =	ssyncadd.s32 $0xFFFFC000  }
0x3a: {  	[tilespmem:s17], [sflag:$0x2] =	stream.indirect.gather [hbm4b:s5+s15], $0x80, s22, s15, $0xb8;
	[tilespmem:$0x1C800] =	vst v63  }
0x3b: {  	_ =	swait.ge [sflag:s18], $0x4000  }
0x3c: {  	[sflag:s18] =	ssyncset.done $0x0  }
0x3d: {  	[sflag:s18] =	ssyncadd.s32 $0xFFFFC000  }
0x3e: {  	[spmem:s2] =	stream.indirect.scatter.add.f32 [tilespmem:s16], [sflag:$0x3], $0x80, s23, s15, $0xb8;
	[tilespmem:$0x1C800] =	vst v63  }
0x3f: {  	_ =	swait.ge [sflag:s13], $0x4000  }
0x40: {  	[sflag:s13] =	ssyncset.done $0x0  }
0x41: {  	[sflag:s13] =	ssyncadd.s32 $0xFFFFC000  }
0x42: {  	[tilespmem:s16], [sflag:$0x1] =	stream.indirect.gather [hbm4b:s5+s15], $0x80, s24, s15, $0xb8;
	[tilespmem:$0x1C800] =	vst v63  }
0x43: {  	_ =	swait.ge [sflag:s20], $0x4000  }
0x44: {  	[sflag:s20] =	ssyncset.done $0x0  }
0x45: {  	[sflag:s20] =	ssyncadd.s32 $0xFFFFC000  }
0x46: {  	[spmem:s2] =	stream.indirect.scatter.add.f32 [tilespmem:s17], [sflag:$0x3], $0x80, s25, s15, $0xb8;
	[tilespmem:$0x1C800] =	vst v63  }
0x47: {  	_ =	swait.ge [sflag:s13], $0x4000  }
0x48: {  	[sflag:s13] =	ssyncset.done $0x0  }
0x49: {  	[sflag:s13] =	ssyncadd.s32 $0xFFFFC000  }
0x4a: {  	[tilespmem:s17], [sflag:$0x2] =	stream.indirect.gather [hbm4b:s5+s15], $0x80, s26, s15, $0xb8;
	[tilespmem:$0x1C800] =	vst v63  }
0x4b: {  	_ =	swait.ge [sflag:s18], $0x4000  }
0x4c: {  	[sflag:s18] =	ssyncset.done $0x0  }
0x4d: {  	[sflag:s18] =	ssyncadd.s32 $0xFFFFC000  }
0x4e: {  	[spmem:s2] =	stream.indirect.scatter.add.f32 [tilespmem:s16], [sflag:$0x3], $0x80, s28, s15, $0xb8;
	[tilespmem:$0x1C800] =	vst v63  }
0x4f: {  	_ =	swait.ge [sflag:s13], $0x4000  }
0x50: {  	[sflag:s13] =	ssyncset.done $0x0  }
0x51: {  	[sflag:s13] =	ssyncadd.s32 $0xFFFFC000  }
0x52: {  	[tilespmem:s16], [sflag:$0x1] =	stream.indirect.gather [hbm4b:s5+s15], $0x80, s29, s15, $0xb8;
	[tilespmem:$0x1C800] =	vst v63  }
0x53: {  	_ =	swait.ge [sflag:s20], $0x4000  }
0x54: {  	[sflag:s20] =	ssyncset.done $0x0  }
0x55: {  	[sflag:s20] =	ssyncadd.s32 $0xFFFFC000  }
0x56: {  	[spmem:s2] =	stream.indirect.scatter.add.f32 [tilespmem:s17], [sflag:$0x3], $0x80, s30, s15, $0xb8;
	[tilespmem:$0x1C800] =	vst v63  }
0x57: {  	_ =	swait.ge [sflag:s13], $0x4000  }
0x58: {  	[sflag:s13] =	ssyncset.done $0x0  }
0x59: {  	[sflag:s13] =	ssyncadd.s32 $0xFFFFC000  }
0x5a: {  	[tilespmem:s17], [sflag:$0x2] =	stream.indirect.gather [hbm4b:s5+s15], $0x80, s31, s15, $0xb8;
	[tilespmem:$0x1C800] =	vst v63  }
0x5b: {  	_ =	swait.ge [sflag:s18], $0x4000  }
0x5c: {  	[sflag:s18] =	ssyncset.done $0x0  }
0x5d: {  	[sflag:s18] =	ssyncadd.s32 $0xFFFFC000  }
0x5e: {  	[spmem:s2] =	stream.indirect.scatter.add.f32 [tilespmem:s16], [sflag:$0x3], $0x80, s0, s15, $0xb8;
	[tilespmem:$0x1C800] =	vst v63  }
0x5f: {  	_ =	swait.ge [sflag:s13], $0x4000  }
0x60: {  	[sflag:s13] =	ssyncset.done $0x0  }
0x61: {  	[sflag:s13] =	ssyncadd.s32 $0xFFFFC000  }
0x62: {  	_ =	swait.ge [sflag:s20], $0x4000  }
0x63: {  	s11 =	rddreg [dreg:$0x6]  }
0x64: {  	p0 =	sne.s32 s11, $0x1  }
.Ltmp0:
0x65: {  	_ = 	snop;
	(pc) =	sbr.rel @!p0 .LBB2_3-.Ltmp0, $4  }
0x66: {  	[sflag:s20] =	ssyncset.done $0x0  }
0x67: {  	[sflag:s20] =	ssyncadd.s32 $0xFFFFC000  }
0x68: {  	[spmem:s2] =	stream.indirect.scatter.add.f32 [tilespmem:s17], [sflag:$0x3], $0x80, s3, s15, $0xb8;
	[tilespmem:$0x1C800] =	vst v63  }
0x69: {  	s9 =	sadd.s32 $0xFFFFFFFF, s11;
	s11 =	smov.u32 s8;
	_ =	swait.ge [sflag:s13], $0x4000  }
.LBB2_2:
0x6a: {  	s11 =	sadd.s32 $0x80, s11  }
0x6b: {  	s7 =	rddreg [dreg:$0x4];
	[sflag:s13] =	ssyncset.done $0x0;
	s8 =	sand.u32 $0x1FFFFF80, s11  }
0x6c: {  	[sflag:s13] =	ssyncadd.s32 $0xFFFFC000;
	s7 =	sadd.s32 s7, s8  }
0x6d: {  	[tilespmem:s4], [sflag:$0x3] =	stream.linear.gather [hbm4b:s7+s4], $0x400, $0x38;
	[tilespmem:$0x1C800] =	vst v63  }
0x6e: {  	_ =	swait.ge [sflag:s13], $0x400  }
0x6f: {  	[sflag:s13] =	ssyncset.done $0x0  }
0x70: {  	s8 =	sadd.s32 s1, s8;
	[sflag:s13] =	ssyncadd.s32 $0xFFFFFC00  }
0x71: {  	[tilespmem:s14], [sflag:$0x3] =	stream.linear.gather [hbm4b:s8+s4], $0x400, $0x38;
	[tilespmem:$0x1C800] =	vst v63  }
0x72: {  	_ =	swait.ge [sflag:s13], $0x400  }
0x73: {  	[sflag:s13] =	ssyncset.done $0x0  }
0x74: {  	[sflag:s13] =	ssyncadd.s32 $0xFFFFFC00  }
0x75: {  	[tilespmem:s16], [sflag:$0x1] =	stream.indirect.gather [hbm4b:s5+s15], $0x80, s4, s15, $0xb8;
	[tilespmem:$0x1C800] =	vst v63  }
0x76: {  	_ = 	snop  }
0x77: {  	[tilespmem:s17], [sflag:$0x2] =	stream.indirect.gather [hbm4b:s5+s15], $0x80, s15, s15, $0xb8;
	[tilespmem:$0x1C800] =	vst v63  }
0x78: {  	_ =	swait.ge [sflag:s18], $0x4000  }
0x79: {  	[sflag:s18] =	ssyncset.done $0x0  }
0x7a: {  	[sflag:s18] =	ssyncadd.s32 $0xFFFFC000  }
0x7b: {  	[spmem:s2] =	stream.indirect.scatter.add.f32 [tilespmem:s16], [sflag:$0x3], $0x80, s14, s15, $0xb8;
	[tilespmem:$0x1C800] =	vst v63  }
0x7c: {  	_ =	swait.ge [sflag:s13], $0x4000  }
0x7d: {  	[sflag:s13] =	ssyncset.done $0x0  }
0x7e: {  	[sflag:s13] =	ssyncadd.s32 $0xFFFFC000  }
0x7f: {  	[tilespmem:s16], [sflag:$0x1] =	stream.indirect.gather [hbm4b:s5+s15], $0x80, s19, s15, $0xb8;
	[tilespmem:$0x1C800] =	vst v63  }
0x80: {  	_ =	swait.ge [sflag:s20], $0x4000  }
0x81: {  	[sflag:s20] =	ssyncset.done $0x0  }
0x82: {  	[sflag:s20] =	ssyncadd.s32 $0xFFFFC000  }
0x83: {  	[spmem:s2] =	stream.indirect.scatter.add.f32 [tilespmem:s17], [sflag:$0x3], $0x80, s21, s15, $0xb8;
	[tilespmem:$0x1C800] =	vst v63  }
0x84: {  	_ =	swait.ge [sflag:s13], $0x4000  }
0x85: {  	[sflag:s13] =	ssyncset.done $0x0  }
0x86: {  	[sflag:s13] =	ssyncadd.s32 $0xFFFFC000  }
0x87: {  	[tilespmem:s17], [sflag:$0x2] =	stream.indirect.gather [hbm4b:s5+s15], $0x80, s22, s15, $0xb8;
	[tilespmem:$0x1C800] =	vst v63  }
0x88: {  	_ =	swait.ge [sflag:s18], $0x4000  }
0x89: {  	[sflag:s18] =	ssyncset.done $0x0  }
0x8a: {  	[sflag:s18] =	ssyncadd.s32 $0xFFFFC000  }
0x8b: {  	[spmem:s2] =	stream.indirect.scatter.add.f32 [tilespmem:s16], [sflag:$0x3], $0x80, s23, s15, $0xb8;
	[tilespmem:$0x1C800] =	vst v63  }
0x8c: {  	_ =	swait.ge [sflag:s13], $0x4000  }
0x8d: {  	[sflag:s13] =	ssyncset.done $0x0  }
0x8e: {  	[sflag:s13] =	ssyncadd.s32 $0xFFFFC000  }
0x8f: {  	[tilespmem:s16], [sflag:$0x1] =	stream.indirect.gather [hbm4b:s5+s15], $0x80, s24, s15, $0xb8;
	[tilespmem:$0x1C800] =	vst v63  }
0x90: {  	_ =	swait.ge [sflag:s20], $0x4000  }
0x91: {  	[sflag:s20] =	ssyncset.done $0x0  }
0x92: {  	[sflag:s20] =	ssyncadd.s32 $0xFFFFC000  }
0x93: {  	[spmem:s2] =	stream.indirect.scatter.add.f32 [tilespmem:s17], [sflag:$0x3], $0x80, s25, s15, $0xb8;
	[tilespmem:$0x1C800] =	vst v63  }
0x94: {  	_ =	swait.ge [sflag:s13], $0x4000  }
0x95: {  	[sflag:s13] =	ssyncset.done $0x0  }
0x96: {  	[sflag:s13] =	ssyncadd.s32 $0xFFFFC000  }
0x97: {  	[tilespmem:s17], [sflag:$0x2] =	stream.indirect.gather [hbm4b:s5+s15], $0x80, s26, s15, $0xb8;
	[tilespmem:$0x1C800] =	vst v63  }
0x98: {  	_ =	swait.ge [sflag:s18], $0x4000  }
0x99: {  	[sflag:s18] =	ssyncset.done $0x0  }
0x9a: {  	[sflag:s18] =	ssyncadd.s32 $0xFFFFC000  }
0x9b: {  	[spmem:s2] =	stream.indirect.scatter.add.f32 [tilespmem:s16], [sflag:$0x3], $0x80, s28, s15, $0xb8;
	[tilespmem:$0x1C800] =	vst v63  }
0x9c: {  	_ =	swait.ge [sflag:s13], $0x4000  }
0x9d: {  	[sflag:s13] =	ssyncset.done $0x0  }
0x9e: {  	[sflag:s13] =	ssyncadd.s32 $0xFFFFC000  }
0x9f: {  	[tilespmem:s16], [sflag:$0x1] =	stream.indirect.gather [hbm4b:s5+s15], $0x80, s29, s15, $0xb8;
	[tilespmem:$0x1C800] =	vst v63  }
0xa0: {  	_ =	swait.ge [sflag:s20], $0x4000  }
0xa1: {  	[sflag:s20] =	ssyncset.done $0x0  }
0xa2: {  	[sflag:s20] =	ssyncadd.s32 $0xFFFFC000  }
0xa3: {  	[spmem:s2] =	stream.indirect.scatter.add.f32 [tilespmem:s17], [sflag:$0x3], $0x80, s30, s15, $0xb8;
	[tilespmem:$0x1C800] =	vst v63  }
0xa4: {  	_ =	swait.ge [sflag:s13], $0x4000  }
0xa5: {  	[sflag:s13] =	ssyncset.done $0x0  }
0xa6: {  	[sflag:s13] =	ssyncadd.s32 $0xFFFFC000  }
0xa7: {  	[tilespmem:s17], [sflag:$0x2] =	stream.indirect.gather [hbm4b:s5+s15], $0x80, s31, s15, $0xb8;
	[tilespmem:$0x1C800] =	vst v63  }
0xa8: {  	_ =	swait.ge [sflag:s18], $0x4000  }
0xa9: {  	[sflag:s18] =	ssyncset.done $0x0  }
0xaa: {  	[sflag:s18] =	ssyncadd.s32 $0xFFFFC000  }
0xab: {  	[spmem:s2] =	stream.indirect.scatter.add.f32 [tilespmem:s16], [sflag:$0x3], $0x80, s0, s15, $0xb8;
	[tilespmem:$0x1C800] =	vst v63  }
0xac: {  	_ =	swait.ge [sflag:s13], $0x4000  }
0xad: {  	[sflag:s13] =	ssyncset.done $0x0  }
0xae: {  	p0 =	sne.s32 s9, $0x1;
	[sflag:s13] =	ssyncadd.s32 $0xFFFFC000  }
.Ltmp1:
0xaf: {  	_ =	swait.ge [sflag:s20], $0x4000;
	(pc) =	sbr.rel @p0 .LBB2_2-.Ltmp1, $4  }
0xb0: {  	[sflag:s20] =	ssyncset.done $0x0  }
0xb1: {  	[sflag:s20] =	ssyncadd.s32 $0xFFFFC000  }
0xb2: {  	[spmem:s2] =	stream.indirect.scatter.add.f32 [tilespmem:s17], [sflag:$0x3], $0x80, s3, s15, $0xb8;
	[tilespmem:$0x1C800] =	vst v63  }
0xb3: {  	s9 =	sadd.s32 $0xFFFFFFFF, s9;
	_ =	swait.ge [sflag:s13], $0x4000  }
.LBB2_3:
0xb4: {  	[sflag:s13] =	ssyncset.done $0x0  }
0xb5: {  	[sflag:s13] =	ssyncadd.s32 $0xFFFFC000  }
0xb6: {  	[bflag:$0x0] =	sbarrier.arrive $0xFFFF  }
0xb7: {  	s7 =	rddreg [dreg:$0x7]  }
0xb8: {  	[hbm:s7], [sflag:s12] =	dma.local [spmem:s10], $0x2800  }
0xb9: {  	_ =	swait.ge [sflag:s13], $0x2800  }
0xba: {  	s8 =	smov.u32 s12;
	s6 =	sadd.s32 $0x1, s6;
	s12 =	rddreg [dreg:$0x8]  }
0xbb: {  	p0 =	sne.s32 s6, s12  }
.Ltmp2:
0xbc: {  	_ = 	snop;
	(pc) =	sbr.rel @p0 .LBB2_1-.Ltmp2, $3  }
0xbd: {  	_ =	sdelay $0x1  }
0xbe: {  	[sflag:s13] =	ssyncset.done $0x0  }
0xbf: {  	s9 =	smov.u32 s10;
	[sflag:s13] =	ssyncadd.s32 $0xFFFFD800  }
0xc0: {  	_ =	sfence.sel $0x180000  }
0xc1: {  	[bflag:$0x0] =	sbarrier.arrive $0xFFFF  }
0xc2: {  	_ =	strace $0x9000004D  }
0xc3: {  	s0 =	stileid.u32;
	[bflag:$0x2] =	sbarrier.arrive $0xFFFF  }
0xc4: {  	p0 =	sne.s32 s0, $0x0;
	s0 =	rddreg [dreg:$0x3]  }
0xc5: {  	s0 =	sadd.s32 @!p0 $0x100000, s0  }
0xc6: {  	[sflag:s0] =	ssyncadd.tile.s32 @!p0 $0x1;
	_ =	shalt  }
.Lfunc_end2:
_tile_overlayer_lowered:
.L_overlay_start_2:
0xc7: {  	(tag) =	ssettag $0x2  }
0xc8: {  	s0 =	rddreg [dreg:$0x0];
	s2 =	stileid.u32  }
0xc9: {  	s1 =	rddreg [dreg:$0x1];
	p0 =	sne.s32 s2, $0x0  }
0xca: {  	s3 =	rddreg [dreg:$0x2];
	[bflag:$0x3] =	sbarrier.arrive $0xFFFF;
	s2 =	simm.s32 @!p0 $0x1C03  }
0xcb: {  	[timem:s3], [sflag:s2] =	dma.local @!p0 [hbm:s0], s1  }
0xcc: {  	s0 =	simm.s32 @!p0 $0x3  }
0xcd: {  	_ =	swait.ge @!p0 [sflag:s0], s1  }
0xce: {  	s1 =	ssub.s32 @!p0 $0x0, s1;
	[sflag:s0] =	ssyncset.done @!p0 $0x0  }
0xcf: {  	[sflag:s0] =	ssyncadd.s32 @!p0 s1  }
0xd0: {  	[bflag:$0x3] =	sbarrier.arrive $0xFFFF  }
0xd1: {  	_ =	shalt  }

// kernel: kernel.9.cloned.1.call-start
scs
__scs_entry_jumppad:
0x0: {  	(pc) =	sbr.rel $0x88, $3  }
0x1: {  	(tag) =	ssettag $0x0;
	lr =	simm.s32 $0x1  }
0x2: {  	[smem:$0x3F84] =	sst lr;
	_ =	strace $0xD0000000  }
0x3: {  	_ = 	snop  }
0x4: {  	_ = 	snop  }
0x5: {  	_ = 	snop  }
0x6: {  	_ = 	snop  }
0x7: {  	_ = 	snop  }
__scs_overlays_trampoline_lowered:
0x8: {  	[smem:$0x3F93] =	sst s0  }
0x9: {  	[smem:$0x3F94] =	sst s1  }
0xa: {  	[smem:$0x3F95] =	sst s2  }
0xb: {  	[smem:$0x3F96] =	sst s3  }
0xc: {  	[smem:$0x3F97] =	sst s4  }
0xd: {  	[smem:$0x3F98] =	sst s5  }
0xe: {  	[smem:$0x3F99] =	sst s6  }
0xf: {  	[smem:$0x3F9A] =	sst s7  }
0x10: {  	[smem:$0x3F9B] =	sst s8  }
0x11: {  	[smem:$0x3F9C] =	sst s9;
	s0 =	simm.s32 @!p0 $0x0  }
0x12: {  	s1 =	sld [smem:$0x3F82];
	s0 =	simm.s32 @p0 $0x1  }
0x13: {  	[smem:$0x3F9D] =	sst s0;
	s0 =	simm.s32 @!p1 $0x0  }
0x14: {  	s2 =	sld [smem:$0x3F81];
	s0 =	simm.s32 @p1 $0x1  }
0x15: {  	[smem:$0x3F9E] =	sst s0;
	s0 =	simm.s32 @!p2 $0x0  }
0x16: {  	s3 =	sld [smem:$0x3FDB];
	s0 =	simm.s32 @p2 $0x1  }
0x17: {  	s4 =	simm.s32 $0x1BF5;
	[smem:$0x3FA0] =	sst s0  }
0x18: {  	s0 =	sld [smem:$0x3F83];
	_ =	swait.ge [sflag:s4], $0x0  }
0x19: {  	s7 =	sld [smem:$0x3F84]  }
0x1a: {  	s8 =	sadd.s32 $0xFFFFE003, lr  }
0x1b: {  	s9 =	sadd.s32 $0xFFFFFEF7, lr;
	s5 =	simm.s32 $0xFFFFFFFF;
	p2 =	slt.u32 s8, $0xFFFFF086  }
0x1c: {  	p1 =	slt.u32 s9, $0xF7A;
	s5 =	simm.s32 @!p2 $0x0  }
0x1d: {  	s5 =	simm.s32 @p1 $0x1;
	p0 =	seq.s32 s7, s2  }
0x1e: {  	s7 =	smul.u32 @!p0 $0xF7A, s2;
	p2 =	seq.s32 @!p0 s5, $0x0  }
0x1f: {  	s9 =	smul.u32 $0xF7A, s1;
	s8 =	simm.s32 @!p0 $0x1BF5;
	p2 =	por !p2, p0  }
0x20: {  	[sflag:s8] =	ssyncset.s32 @!p0 $0xFFFFF086;
	s6 =	sadd.s32 @!p0 s3, s7;
	s7 =	simm.s32 @!p0 $0x108  }
0x21: {  	s3 =	sadd.s32 s3, s9;
	s6 =	sadd.s32 @!p0 $0x88, s6;
	s7 =	simm.s32 @p2 $0x1082  }
0x22: {  	[simem:s7], [sflag:s8] =	dma.local @!p0 [hbm:s6], $0xF7A  }
0x23: {  	s9 =	sor.u32 $0xD0000000, s2;
	s6 =	simm.s32 $0x108;
	_ =	swait.ge @!p0 [sflag:s8], $0x0  }
0x24: {  	s3 =	sadd.s32 $0x88, s3;
	s6 =	simm.s32 @!p1 $0x1082;
	[sflag:s4] =	ssyncset.s32 $0xFFFFF086  }
0x25: {  	[simem:s6], [sflag:s4] =	dma.local [hbm:s3], $0xF7A  }
0x26: {  	[smem:$0x3F84] =	sst s1;
	(tag) =	ssettag s2;
	_ =	strace s9  }
0x27: {  	s1 =	sld [smem:$0x3F94]  }
0x28: {  	s2 =	sld [smem:$0x3F95]  }
0x29: {  	s4 =	sld [smem:$0x3F97]  }
0x2a: {  	p0 =	seq.s32 s5, $0x0;
	s5 =	sld [smem:$0x3F98]  }
0x2b: {  	s6 =	sld [smem:$0x3F99]  }
0x2c: {  	s7 =	sld [smem:$0x3F9A]  }
0x2d: {  	s3 =	simm.s32 $0x108;
	s8 =	sld [smem:$0x3F9B]  }
0x2e: {  	s3 =	simm.s32 @!p0 $0x1082;
	s9 =	sld [smem:$0x3F9C]  }
0x2f: {  	lr =	sadd.s32 s0, s3;
	s0 =	sld [smem:$0x3F93]  }
0x30: {  	s3 =	sld [smem:$0x3F96]  }
0x31: {  	[smem:$0x3F9F] =	sst s10  }
0x32: {  	s10 =	sld [smem:$0x3F9D];
	_ =	sdelay $0x3  }
0x33: {  	p0 =	seq.s32 s10, $0x1;
	s10 =	sld [smem:$0x3F9F];
	_ =	sdelay $0x3  }
0x34: {  	[smem:$0x3F9F] =	sst s10  }
0x35: {  	s10 =	sld [smem:$0x3F9E];
	_ =	sdelay $0x3  }
0x36: {  	p1 =	seq.s32 s10, $0x1;
	s10 =	sld [smem:$0x3F9F];
	_ =	sdelay $0x3  }
0x37: {  	[smem:$0x3F9F] =	sst s10  }
0x38: {  	s10 =	sld [smem:$0x3FA0]  }
0x39: {  	_ = 	snop;
	(pc) =	sbr.ind lr, $3  }
0x3a: {  	_ = 	snop  }
0x3b: {  	_ = 	snop  }
0x3c: {  	p2 =	seq.s32 s10, $0x1;
	s10 =	sld [smem:$0x3F9F]  }
0x3d: {  	_ =	shalt  }
0x3e: {  	_ =	shalt  }
0x3f: {  	_ =	shalt  }
0x40: {  	_ =	shalt  }
0x41: {  	_ =	shalt  }
0x42: {  	_ =	shalt  }
0x43: {  	_ =	shalt  }
0x44: {  	_ =	shalt  }
0x45: {  	_ =	shalt  }
0x46: {  	_ =	shalt  }
0x47: {  	_ =	shalt  }
0x48: {  	_ =	shalt  }
0x49: {  	_ =	shalt  }
0x4a: {  	_ =	shalt  }
0x4b: {  	_ =	shalt  }
0x4c: {  	_ =	shalt  }
0x4d: {  	_ =	shalt  }
0x4e: {  	_ =	shalt  }
0x4f: {  	_ =	shalt  }
0x50: {  	_ =	shalt  }
0x51: {  	_ =	shalt  }
0x52: {  	_ =	shalt  }
0x53: {  	_ =	shalt  }
0x54: {  	_ =	shalt  }
0x55: {  	_ =	shalt  }
0x56: {  	_ =	shalt  }
0x57: {  	_ =	shalt  }
0x58: {  	_ =	shalt  }
0x59: {  	_ =	shalt  }
0x5a: {  	_ =	shalt  }
0x5b: {  	_ =	shalt  }
0x5c: {  	_ =	shalt  }
0x5d: {  	_ =	shalt  }
0x5e: {  	_ =	shalt  }
0x5f: {  	_ =	shalt  }
0x60: {  	_ =	shalt  }
0x61: {  	_ =	shalt  }
0x62: {  	_ =	shalt  }
0x63: {  	_ =	shalt  }
0x64: {  	_ =	shalt  }
0x65: {  	_ =	shalt  }
0x66: {  	_ =	shalt  }
0x67: {  	_ =	shalt  }
0x68: {  	_ =	shalt  }
0x69: {  	_ =	shalt  }
0x6a: {  	_ =	shalt  }
0x6b: {  	_ =	shalt  }
0x6c: {  	_ =	shalt  }
0x6d: {  	_ =	shalt  }
0x6e: {  	_ =	shalt  }
0x6f: {  	_ =	shalt  }
0x70: {  	_ =	shalt  }
0x71: {  	_ =	shalt  }
0x72: {  	_ =	shalt  }
0x73: {  	_ =	shalt  }
0x74: {  	_ =	shalt  }
0x75: {  	_ =	shalt  }
0x76: {  	_ =	shalt  }
0x77: {  	_ =	shalt  }
0x78: {  	_ =	shalt  }
0x79: {  	_ =	shalt  }
0x7a: {  	_ =	shalt  }
0x7b: {  	_ =	shalt  }
0x7c: {  	_ =	shalt  }
0x7d: {  	_ =	shalt  }
0x7e: {  	_ =	shalt  }
0x7f: {  	_ =	shalt  }
0x80: {  	_ =	shalt  }
0x81: {  	_ =	shalt  }
0x82: {  	_ =	shalt  }
0x83: {  	_ =	shalt  }
0x84: {  	_ =	shalt  }
0x85: {  	_ =	shalt  }
0x86: {  	_ =	shalt  }
0x87: {  	_ =	shalt  }
.Lfunc_end0:
.L_simem_size_0:
called_computation_lowered:
.L_overlay_start_0:
0x88: {  	s2 =	sld [smem:$0x3FD9]  }
0x89: {  	s3 =	sld [smem:$0x3FFE];
	_ =	sdelay $0x1  }
0x8a: {  	s1 =	srdreg.scid  }
0x8b: {  	s0 =	sand.u32 $0x1, s1  }
0x8c: {  	s14 =	sshll.u32 s0, $0xA;
	s2 =	sadd.s32 s3, s2  }
0x8d: {  	s2 =	sadd.s32 s2, s14  }
0x8e: {  	[smem:$0x3FAB] =	sst s2  }
0x8f: {  	_ = 	snop  }
0x90: {  	s2 =	sld [smem:$0x3FD0];
	_ =	sdelay $0x2  }
0x91: {  	s15 =	simm.s32 $0xA;
	s4 =	simm.s32 $0x10  }
0x92: {  	[smem:s4], [sflag:s15] =	dma.local [hbm:s2], $0x1  }
0x93: {  	_ =	swait.eq [sflag:s15], $0x1  }
0x94: {  	[sflag:s15] =	ssyncset.done $0x0  }
0x95: {  	[sflag:s15] =	ssyncadd.s32 $0xFFFFFFFF  }
0x96: {  	s16 =	sld [smem:$0x11];
	(tm) =	ssettm $0x1  }
0x97: {  	s17 =	sld [smem:$0x3FFB];
	_ =	sdelay $0x3  }
0x98: {  	_ =	strace s17  }
0x99: {  	s3 =	sld [smem:$0x3FFC];
	_ =	sdelay $0x3  }
0x9a: {  	_ =	strace s3  }
0x9b: {  	s3 =	sld [smem:$0x3FFD];
	_ =	sdelay $0x3  }
0x9c: {  	_ =	strace s3  }
0x9d: {  	_ =	strace $0x8FFFFFFF  }
0x9e: {  	s18 =	sld [smem:$0x3FDB];
	_ =	sdelay $0x1  }
0x9f: {  	s19 =	simm.s32 $_scs_section_size  }
0xa0: {  	s5 =	simm.s32 $_size__tile_overlayer_lowered;
	s6 =	simm.s32 $_tile_overlayer_lowered  }
0xa1: {  	s22 =	simm.s32 $0x1BFF;
	s21 =	sshll.u32 s6, $0x1;
	s3 =	sadd.s32 s19, s18  }
0xa2: {  	s7 =	simm.s32 $0x0;
	s20 =	sshll.u32 s5, $0x1;
	s5 =	sadd.s32 s21, s3  }
0xa3: {  	[timem:s7], [sflag:s22] =	dma.local [hbm:s5], s20  }
0xa4: {  	_ =	swait.ge [sflag:s22], s20  }
0xa5: {  	s4 =	ssub.s32 $0x0, s20;
	[sflag:s22] =	ssyncset.done $0x0  }
0xa6: {  	[sflag:s22] =	ssyncadd.s32 s4;
	_ =	sdelay $0x1  }
0xa7: {  	s23 =	simm.s32 $0x1B8B  }
0xa8: {  	_ =	swait.ge [sflag:s23], $0x1  }
0xa9: {  	[sflag:s23] =	ssyncset.done $0x0  }
0xaa: {  	s25 =	simm.s32 $0x1B8E;
	s24 =	sld [smem:$0x3FFE];
	[sflag:s23] =	ssyncadd.s32 $0xFFFFFFFF  }
0xab: {  	s26 =	simm.s32 $execute0_lowered;
	[smem:$0x3FD2] =	sst s25  }
0xac: {  	s5 =	sshll.u32 s26, $0x1;
	_ =	strace $0x80000046;
	[dreg:$0x1] =	wrdreg $0xFFFFFFFF  }
0xad: {  	s28 =	simm.s32 $_size_execute0_lowered;
	s3 =	sadd.s32 s3, s5;
	[dreg:$0x0] =	wrdreg $0x0  }
0xae: {  	s5 =	sshll.u32 s28, $0x1;
	[dreg:$0x2] =	wrdreg s3  }
0xaf: {  	[dreg:$0x3] =	wrdreg s5  }
0xb0: {  	[dreg:$0x4] =	wrdreg $0xC0  }
0xb1: {  	_ =	task [dreg:s7], $0x5FFFF  }
0xb2: {  	[dreg:$0x1] =	wrdreg $0xFFFFFFFF  }
0xb3: {  	[dreg:$0x0] =	wrdreg $0x60  }
0xb4: {  	[dreg:$0x2] =	wrdreg s24  }
0xb5: {  	[dreg:$0x3] =	wrdreg s16  }
0xb6: {  	[dreg:$0x4] =	wrdreg $0x88000  }
0xb7: {  	[dreg:$0x5] =	wrdreg $0x9  }
0xb8: {  	_ =	task.clear_ibuf [dreg:s7], $0x6FFFF;
	_ =	strace $0x90000046  }
0xb9: {  	s29 =	simm.s32 $0x9;
	_ =	strace $0x80000048  }
0xba: {  	_ =	swait.ge [sflag:s29], $0x1  }
0xbb: {  	[sflag:s29] =	ssyncadd.s32 $0xFFFFFFFF  }
0xbc: {  	_ =	strace $0x90000048  }
0xbd: {  	_ =	sfence  }
0xbe: {  	s30 =	sld [smem:$0x0];
	_ =	sdelay $0x2  }
0xbf: {  	s31 =	sshll.u32 s1, $0xD;
	s1 =	sshrl.u32 s1, $0x2  }
0xc0: {  	s3 =	sand.u32 $0x4000, s31;
	s1 =	sadd.s32 s1, s30  }
0xc1: {  	s0 =	sor.u32 s3, s0;
	s1 =	sshll.u32 s1, $0x11  }
0xc2: {  	s0 =	sor.u32 s1, s0  }
0xc3: {  	s0 =	sadd.s32 $0x8F2B, s0  }
0xc4: {  	[sflag:s0] =	ssyncadd.remote.s32 $0x1  }
0xc5: {  	_ =	sfence.sel $0xFFFF  }
0xc6: {  	[dreg:$0x0] =	wrdreg $0xFFFFFFFF;
	(pc) =	sbr.abs _section_cstart, $3  }
0xc7: {  	[dreg:$0x1] =	wrdreg $0xFFFFFFFF  }
0xc8: {  	_ =	task.clear_ibuf [dreg:s7], $0x2FFFF;
	_ =	strace $0x9FFFFFFF  }
0xc9: {  	(tm) =	ssettm $0x7FFFFFFF  }
tec
execute0_lowered:
.L_overlay_start_1:
0x0: {  	(tag) =	ssettag $0x1  }
0x1: {  	s0 =	rddreg [dreg:$0x0]  }
0x2: {  	s1 =	rddreg [dreg:$0x1]  }
0x3: {  	s2 =	rddreg [dreg:$0x2];
	s3 =	srdreg.scid;
	s4 =	simm.s32 $0x0  }
0x4: {  	s11 =	stileid.u32;
	s13 =	simm.s32 $0x3;
	s14 =	simm.s32 $0x400  }
0x5: {  	s15 =	simm.s32 $0x80;
	s16 =	simm.s32 $0x800;
	s28 =	simm.s32 $0x600  }
0x6: {  	s29 =	simm.s32 $0x300;
	s30 =	simm.s32 $0x680;
	s31 =	simm.s32 $0x380  }
0x7: {  	s3 =	sand.u32 $0x1, s3;
	[smem:$0x7FF] =	sst s4;
	s7 =	smul.u32 $0x14000, s11  }
0x8: {  	s8 =	sadd.s32 $0x4000, s0;
	s5 =	sadd.s32 $0xE000, s0;
	s20 =	smul.u32 $0x50000, s11  }
0x9: {  	s17 =	sadd.s32 $0x36000, s0;
	s22 =	sshll.u32 s11, $0x6;
	s6 =	smul.u32 $0x140000, s3  }
0xa: {  	_ =	strace $0x80000047;
	[dreg:$0x4] =	wrdreg s8;
	s18 =	smul.u32 $0xFFFFFF70, s3  }
0xb: {  	[dreg:$0x5] =	wrdreg s17;
	s19 =	ssub.s32 $0x2, s3;
	s3 =	smul.u32 $0x980, s3  }
0xc: {  	s8 =	sor.u32 $0x1C03, s22;
	s17 =	simm.s32 $0x4800;
	s22 =	simm.s32 $0x180  }
0xd: {  	s9 =	sshrl.u32 s19, $0x1;
	s21 =	sshrl.u32 s20, $0x2;
	s20 =	simm.s32 $0x2  }
0xe: {  	s6 =	sadd.s32 s7, s6;
	s10 =	sadd.s32 $0x98, s18;
	s23 =	sadd.s32 s21, s2  }
0xf: {  	s18 =	simm.s32 $0x1;
	s21 =	simm.s32 $0x480;
	s6 =	sshrl.u32 s6, $0x3  }
0x10: {  	s11 =	smul.u32 s11, s10;
	s24 =	sshrl.u32 s10, $0x3;
	s0 =	sadd.s32 s6, s0  }
0x11: {  	s6 =	ssub.s32 s19, s9;
	[dreg:$0x6] =	wrdreg s24;
	s9 =	sshrl.u32 s23, $0x3  }
0x12: {  	s19 =	simm.s32 $0x100;
	s23 =	simm.s32 $0x500;
	s0 =	sadd.s32 $0x38800, s0  }
0x13: {  	s24 =	simm.s32 $0x200;
	s25 =	smax.u32 s6, $0x1;
	[dreg:$0x7] =	wrdreg s0  }
0x14: {  	s3 =	sadd.s32 s3, s11;
	s6 =	simm.s32 $0x0;
	[dreg:$0x8] =	wrdreg s25  }
0x15: {  	s26 =	sshll.u32 s3, $0x4;
	s25 =	simm.s32 $0x580;
	s0 =	simm.s32 $0x700  }
0x16: {  	s3 =	simm.s32 $0x780;
	[dreg:$0x9] =	wrdreg s26;
	s26 =	simm.s32 $0x280  }
.LBB2_1:
0x17: {  	s7 =	rddreg [dreg:$0x5]  }
0x18: {  	[spmem:s9], [sflag:s8] =	dma.local [hbm:s7], $0x2800  }
0x19: {  	_ =	swait.ge [sflag:s13], $0x2800  }
0x1a: {  	[sflag:s13] =	ssyncset.done $0x0  }
0x1b: {  	[sflag:s13] =	ssyncadd.s32 $0xFFFFD800  }
0x1c: {  	[bflag:$0x0] =	sbarrier.arrive $0xFFFF  }
0x1d: {  	s12 =	smov.u32 s8;
	s8 =	rddreg [dreg:$0x9]  }
0x1e: {  	s7 =	rddreg [dreg:$0x4];
	s11 =	sand.u32 $0x1FFFFF80, s8  }
0x1f: {  	s10 =	smov.u32 s9;
	s9 =	sadd.s32 s7, s11  }
0x20: {  	[tilespmem:s4], [sflag:$0x3] =	stream.linear.gather [hbm4b:s9+s4], $0x400, $0x38;
	[tilespmem:$0x1C800] =	vst v63  }
0x21: {  	_ =	swait.ge [sflag:s13], $0x400  }
0x22: {  	[sflag:s13] =	ssyncset.done $0x0  }
0x23: {  	s7 =	sadd.s32 s1, s11;
	[sflag:s13] =	ssyncadd.s32 $0xFFFFFC00  }
0x24: {  	[tilespmem:s14], [sflag:$0x3] =	stream.linear.gather [hbm4b:s7+s4], $0x400, $0x38;
	[tilespmem:$0x1C800] =	vst v63  }
0x25: {  	_ =	swait.ge [sflag:s13], $0x400  }
0x26: {  	[sflag:s13] =	ssyncset.done $0x0  }
0x27: {  	[sflag:s13] =	ssyncadd.s32 $0xFFFFFC00  }
0x28: {  	[tilespmem:s16], [sflag:$0x1] =	stream.indirect.gather [hbm4b:s5+s15], $0x80, s4, s15, $0xb8;
	[tilespmem:$0x1C800] =	vst v63  }
0x29: {  	_ = 	snop  }
0x2a: {  	[tilespmem:s17], [sflag:$0x2] =	stream.indirect.gather [hbm4b:s5+s15], $0x80, s15, s15, $0xb8;
	[tilespmem:$0x1C800] =	vst v63  }
0x2b: {  	_ =	swait.ge [sflag:s18], $0x4000  }
0x2c: {  	[sflag:s18] =	ssyncset.done $0x0  }
0x2d: {  	[sflag:s18] =	ssyncadd.s32 $0xFFFFC000  }
0x2e: {  	[spmem:s2] =	stream.indirect.scatter.add.f32 [tilespmem:s16], [sflag:$0x3], $0x80, s14, s15, $0xb8;
	[tilespmem:$0x1C800] =	vst v63  }
0x2f: {  	_ =	swait.ge [sflag:s13], $0x4000  }
0x30: {  	[sflag:s13] =	ssyncset.done $0x0  }
0x31: {  	[sflag:s13] =	ssyncadd.s32 $0xFFFFC000  }
0x32: {  	[tilespmem:s16], [sflag:$0x1] =	stream.indirect.gather [hbm4b:s5+s15], $0x80, s19, s15, $0xb8;
	[tilespmem:$0x1C800] =	vst v63  }
0x33: {  	_ =	swait.ge [sflag:s20], $0x4000  }
0x34: {  	[sflag:s20] =	ssyncset.done $0x0  }
0x35: {  	[sflag:s20] =	ssyncadd.s32 $0xFFFFC000  }
0x36: {  	[spmem:s2] =	stream.indirect.scatter.add.f32 [tilespmem:s17], [sflag:$0x3], $0x80, s21, s15, $0xb8;
	[tilespmem:$0x1C800] =	vst v63  }
0x37: {  	_ =	swait.ge [sflag:s13], $0x4000  }
0x38: {  	[sflag:s13] =	ssyncset.done $0x0  }
0x39: {  	[sflag:s13] =	ssyncadd.s32 $0xFFFFC000  }
0x3a: {  	[tilespmem:s17], [sflag:$0x2] =	stream.indirect.gather [hbm4b:s5+s15], $0x80, s22, s15, $0xb8;
	[tilespmem:$0x1C800] =	vst v63  }
0x3b: {  	_ =	swait.ge [sflag:s18], $0x4000  }
0x3c: {  	[sflag:s18] =	ssyncset.done $0x0  }
0x3d: {  	[sflag:s18] =	ssyncadd.s32 $0xFFFFC000  }
0x3e: {  	[spmem:s2] =	stream.indirect.scatter.add.f32 [tilespmem:s16], [sflag:$0x3], $0x80, s23, s15, $0xb8;
	[tilespmem:$0x1C800] =	vst v63  }
0x3f: {  	_ =	swait.ge [sflag:s13], $0x4000  }
0x40: {  	[sflag:s13] =	ssyncset.done $0x0  }
0x41: {  	[sflag:s13] =	ssyncadd.s32 $0xFFFFC000  }
0x42: {  	[tilespmem:s16], [sflag:$0x1] =	stream.indirect.gather [hbm4b:s5+s15], $0x80, s24, s15, $0xb8;
	[tilespmem:$0x1C800] =	vst v63  }
0x43: {  	_ =	swait.ge [sflag:s20], $0x4000  }
0x44: {  	[sflag:s20] =	ssyncset.done $0x0  }
0x45: {  	[sflag:s20] =	ssyncadd.s32 $0xFFFFC000  }
0x46: {  	[spmem:s2] =	stream.indirect.scatter.add.f32 [tilespmem:s17], [sflag:$0x3], $0x80, s25, s15, $0xb8;
	[tilespmem:$0x1C800] =	vst v63  }
0x47: {  	_ =	swait.ge [sflag:s13], $0x4000  }
0x48: {  	[sflag:s13] =	ssyncset.done $0x0  }
0x49: {  	[sflag:s13] =	ssyncadd.s32 $0xFFFFC000  }
0x4a: {  	[tilespmem:s17], [sflag:$0x2] =	stream.indirect.gather [hbm4b:s5+s15], $0x80, s26, s15, $0xb8;
	[tilespmem:$0x1C800] =	vst v63  }
0x4b: {  	_ =	swait.ge [sflag:s18], $0x4000  }
0x4c: {  	[sflag:s18] =	ssyncset.done $0x0  }
0x4d: {  	[sflag:s18] =	ssyncadd.s32 $0xFFFFC000  }
0x4e: {  	[spmem:s2] =	stream.indirect.scatter.add.f32 [tilespmem:s16], [sflag:$0x3], $0x80, s28, s15, $0xb8;
	[tilespmem:$0x1C800] =	vst v63  }
0x4f: {  	_ =	swait.ge [sflag:s13], $0x4000  }
0x50: {  	[sflag:s13] =	ssyncset.done $0x0  }
0x51: {  	[sflag:s13] =	ssyncadd.s32 $0xFFFFC000  }
0x52: {  	[tilespmem:s16], [sflag:$0x1] =	stream.indirect.gather [hbm4b:s5+s15], $0x80, s29, s15, $0xb8;
	[tilespmem:$0x1C800] =	vst v63  }
0x53: {  	_ =	swait.ge [sflag:s20], $0x4000  }
0x54: {  	[sflag:s20] =	ssyncset.done $0x0  }
0x55: {  	[sflag:s20] =	ssyncadd.s32 $0xFFFFC000  }
0x56: {  	[spmem:s2] =	stream.indirect.scatter.add.f32 [tilespmem:s17], [sflag:$0x3], $0x80, s30, s15, $0xb8;
	[tilespmem:$0x1C800] =	vst v63  }
0x57: {  	_ =	swait.ge [sflag:s13], $0x4000  }
0x58: {  	[sflag:s13] =	ssyncset.done $0x0  }
0x59: {  	[sflag:s13] =	ssyncadd.s32 $0xFFFFC000  }
0x5a: {  	[tilespmem:s17], [sflag:$0x2] =	stream.indirect.gather [hbm4b:s5+s15], $0x80, s31, s15, $0xb8;
	[tilespmem:$0x1C800] =	vst v63  }
0x5b: {  	_ =	swait.ge [sflag:s18], $0x4000  }
0x5c: {  	[sflag:s18] =	ssyncset.done $0x0  }
0x5d: {  	[sflag:s18] =	ssyncadd.s32 $0xFFFFC000  }
0x5e: {  	[spmem:s2] =	stream.indirect.scatter.add.f32 [tilespmem:s16], [sflag:$0x3], $0x80, s0, s15, $0xb8;
	[tilespmem:$0x1C800] =	vst v63  }
0x5f: {  	_ =	swait.ge [sflag:s13], $0x4000  }
0x60: {  	[sflag:s13] =	ssyncset.done $0x0  }
0x61: {  	[sflag:s13] =	ssyncadd.s32 $0xFFFFC000  }
0x62: {  	_ =	swait.ge [sflag:s20], $0x4000  }
0x63: {  	s11 =	rddreg [dreg:$0x6]  }
0x64: {  	p0 =	sne.s32 s11, $0x1  }
.Ltmp0:
0x65: {  	_ = 	snop;
	(pc) =	sbr.rel @!p0 .LBB2_3-.Ltmp0, $4  }
0x66: {  	[sflag:s20] =	ssyncset.done $0x0  }
0x67: {  	[sflag:s20] =	ssyncadd.s32 $0xFFFFC000  }
0x68: {  	[spmem:s2] =	stream.indirect.scatter.add.f32 [tilespmem:s17], [sflag:$0x3], $0x80, s3, s15, $0xb8;
	[tilespmem:$0x1C800] =	vst v63  }
0x69: {  	s9 =	sadd.s32 $0xFFFFFFFF, s11;
	s11 =	smov.u32 s8;
	_ =	swait.ge [sflag:s13], $0x4000  }
.LBB2_2:
0x6a: {  	s11 =	sadd.s32 $0x80, s11  }
0x6b: {  	s7 =	rddreg [dreg:$0x4];
	[sflag:s13] =	ssyncset.done $0x0;
	s8 =	sand.u32 $0x1FFFFF80, s11  }
0x6c: {  	[sflag:s13] =	ssyncadd.s32 $0xFFFFC000;
	s7 =	sadd.s32 s7, s8  }
0x6d: {  	[tilespmem:s4], [sflag:$0x3] =	stream.linear.gather [hbm4b:s7+s4], $0x400, $0x38;
	[tilespmem:$0x1C800] =	vst v63  }
0x6e: {  	_ =	swait.ge [sflag:s13], $0x400  }
0x6f: {  	[sflag:s13] =	ssyncset.done $0x0  }
0x70: {  	s8 =	sadd.s32 s1, s8;
	[sflag:s13] =	ssyncadd.s32 $0xFFFFFC00  }
0x71: {  	[tilespmem:s14], [sflag:$0x3] =	stream.linear.gather [hbm4b:s8+s4], $0x400, $0x38;
	[tilespmem:$0x1C800] =	vst v63  }
0x72: {  	_ =	swait.ge [sflag:s13], $0x400  }
0x73: {  	[sflag:s13] =	ssyncset.done $0x0  }
0x74: {  	[sflag:s13] =	ssyncadd.s32 $0xFFFFFC00  }
0x75: {  	[tilespmem:s16], [sflag:$0x1] =	stream.indirect.gather [hbm4b:s5+s15], $0x80, s4, s15, $0xb8;
	[tilespmem:$0x1C800] =	vst v63  }
0x76: {  	_ = 	snop  }
0x77: {  	[tilespmem:s17], [sflag:$0x2] =	stream.indirect.gather [hbm4b:s5+s15], $0x80, s15, s15, $0xb8;
	[tilespmem:$0x1C800] =	vst v63  }
0x78: {  	_ =	swait.ge [sflag:s18], $0x4000  }
0x79: {  	[sflag:s18] =	ssyncset.done $0x0  }
0x7a: {  	[sflag:s18] =	ssyncadd.s32 $0xFFFFC000  }
0x7b: {  	[spmem:s2] =	stream.indirect.scatter.add.f32 [tilespmem:s16], [sflag:$0x3], $0x80, s14, s15, $0xb8;
	[tilespmem:$0x1C800] =	vst v63  }
0x7c: {  	_ =	swait.ge [sflag:s13], $0x4000  }
0x7d: {  	[sflag:s13] =	ssyncset.done $0x0  }
0x7e: {  	[sflag:s13] =	ssyncadd.s32 $0xFFFFC000  }
0x7f: {  	[tilespmem:s16], [sflag:$0x1] =	stream.indirect.gather [hbm4b:s5+s15], $0x80, s19, s15, $0xb8;
	[tilespmem:$0x1C800] =	vst v63  }
0x80: {  	_ =	swait.ge [sflag:s20], $0x4000  }
0x81: {  	[sflag:s20] =	ssyncset.done $0x0  }
0x82: {  	[sflag:s20] =	ssyncadd.s32 $0xFFFFC000  }
0x83: {  	[spmem:s2] =	stream.indirect.scatter.add.f32 [tilespmem:s17], [sflag:$0x3], $0x80, s21, s15, $0xb8;
	[tilespmem:$0x1C800] =	vst v63  }
0x84: {  	_ =	swait.ge [sflag:s13], $0x4000  }
0x85: {  	[sflag:s13] =	ssyncset.done $0x0  }
0x86: {  	[sflag:s13] =	ssyncadd.s32 $0xFFFFC000  }
0x87: {  	[tilespmem:s17], [sflag:$0x2] =	stream.indirect.gather [hbm4b:s5+s15], $0x80, s22, s15, $0xb8;
	[tilespmem:$0x1C800] =	vst v63  }
0x88: {  	_ =	swait.ge [sflag:s18], $0x4000  }
0x89: {  	[sflag:s18] =	ssyncset.done $0x0  }
0x8a: {  	[sflag:s18] =	ssyncadd.s32 $0xFFFFC000  }
0x8b: {  	[spmem:s2] =	stream.indirect.scatter.add.f32 [tilespmem:s16], [sflag:$0x3], $0x80, s23, s15, $0xb8;
	[tilespmem:$0x1C800] =	vst v63  }
0x8c: {  	_ =	swait.ge [sflag:s13], $0x4000  }
0x8d: {  	[sflag:s13] =	ssyncset.done $0x0  }
0x8e: {  	[sflag:s13] =	ssyncadd.s32 $0xFFFFC000  }
0x8f: {  	[tilespmem:s16], [sflag:$0x1] =	stream.indirect.gather [hbm4b:s5+s15], $0x80, s24, s15, $0xb8;
	[tilespmem:$0x1C800] =	vst v63  }
0x90: {  	_ =	swait.ge [sflag:s20], $0x4000  }
0x91: {  	[sflag:s20] =	ssyncset.done $0x0  }
0x92: {  	[sflag:s20] =	ssyncadd.s32 $0xFFFFC000  }
0x93: {  	[spmem:s2] =	stream.indirect.scatter.add.f32 [tilespmem:s17], [sflag:$0x3], $0x80, s25, s15, $0xb8;
	[tilespmem:$0x1C800] =	vst v63  }
0x94: {  	_ =	swait.ge [sflag:s13], $0x4000  }
0x95: {  	[sflag:s13] =	ssyncset.done $0x0  }
0x96: {  	[sflag:s13] =	ssyncadd.s32 $0xFFFFC000  }
0x97: {  	[tilespmem:s17], [sflag:$0x2] =	stream.indirect.gather [hbm4b:s5+s15], $0x80, s26, s15, $0xb8;
	[tilespmem:$0x1C800] =	vst v63  }
0x98: {  	_ =	swait.ge [sflag:s18], $0x4000  }
0x99: {  	[sflag:s18] =	ssyncset.done $0x0  }
0x9a: {  	[sflag:s18] =	ssyncadd.s32 $0xFFFFC000  }
0x9b: {  	[spmem:s2] =	stream.indirect.scatter.add.f32 [tilespmem:s16], [sflag:$0x3], $0x80, s28, s15, $0xb8;
	[tilespmem:$0x1C800] =	vst v63  }
0x9c: {  	_ =	swait.ge [sflag:s13], $0x4000  }
0x9d: {  	[sflag:s13] =	ssyncset.done $0x0  }
0x9e: {  	[sflag:s13] =	ssyncadd.s32 $0xFFFFC000  }
0x9f: {  	[tilespmem:s16], [sflag:$0x1] =	stream.indirect.gather [hbm4b:s5+s15], $0x80, s29, s15, $0xb8;
	[tilespmem:$0x1C800] =	vst v63  }
0xa0: {  	_ =	swait.ge [sflag:s20], $0x4000  }
0xa1: {  	[sflag:s20] =	ssyncset.done $0x0  }
0xa2: {  	[sflag:s20] =	ssyncadd.s32 $0xFFFFC000  }
0xa3: {  	[spmem:s2] =	stream.indirect.scatter.add.f32 [tilespmem:s17], [sflag:$0x3], $0x80, s30, s15, $0xb8;
	[tilespmem:$0x1C800] =	vst v63  }
0xa4: {  	_ =	swait.ge [sflag:s13], $0x4000  }
0xa5: {  	[sflag:s13] =	ssyncset.done $0x0  }
0xa6: {  	[sflag:s13] =	ssyncadd.s32 $0xFFFFC000  }
0xa7: {  	[tilespmem:s17], [sflag:$0x2] =	stream.indirect.gather [hbm4b:s5+s15], $0x80, s31, s15, $0xb8;
	[tilespmem:$0x1C800] =	vst v63  }
0xa8: {  	_ =	swait.ge [sflag:s18], $0x4000  }
0xa9: {  	[sflag:s18] =	ssyncset.done $0x0  }
0xaa: {  	[sflag:s18] =	ssyncadd.s32 $0xFFFFC000  }
0xab: {  	[spmem:s2] =	stream.indirect.scatter.add.f32 [tilespmem:s16], [sflag:$0x3], $0x80, s0, s15, $0xb8;
	[tilespmem:$0x1C800] =	vst v63  }
0xac: {  	_ =	swait.ge [sflag:s13], $0x4000  }
0xad: {  	[sflag:s13] =	ssyncset.done $0x0  }
0xae: {  	p0 =	sne.s32 s9, $0x1;
	[sflag:s13] =	ssyncadd.s32 $0xFFFFC000  }
.Ltmp1:
0xaf: {  	_ =	swait.ge [sflag:s20], $0x4000;
	(pc) =	sbr.rel @p0 .LBB2_2-.Ltmp1, $4  }
0xb0: {  	[sflag:s20] =	ssyncset.done $0x0  }
0xb1: {  	[sflag:s20] =	ssyncadd.s32 $0xFFFFC000  }
0xb2: {  	[spmem:s2] =	stream.indirect.scatter.add.f32 [tilespmem:s17], [sflag:$0x3], $0x80, s3, s15, $0xb8;
	[tilespmem:$0x1C800] =	vst v63  }
0xb3: {  	s9 =	sadd.s32 $0xFFFFFFFF, s9;
	_ =	swait.ge [sflag:s13], $0x4000  }
.LBB2_3:
0xb4: {  	[sflag:s13] =	ssyncset.done $0x0  }
0xb5: {  	[sflag:s13] =	ssyncadd.s32 $0xFFFFC000  }
0xb6: {  	[bflag:$0x0] =	sbarrier.arrive $0xFFFF  }
0xb7: {  	s7 =	rddreg [dreg:$0x7]  }
0xb8: {  	[hbm:s7], [sflag:s12] =	dma.local [spmem:s10], $0x2800  }
0xb9: {  	_ =	swait.ge [sflag:s13], $0x2800  }
0xba: {  	s8 =	smov.u32 s12;
	s6 =	sadd.s32 $0x1, s6;
	s12 =	rddreg [dreg:$0x8]  }
0xbb: {  	p0 =	sne.s32 s6, s12  }
.Ltmp2:
0xbc: {  	_ = 	snop;
	(pc) =	sbr.rel @p0 .LBB2_1-.Ltmp2, $3  }
0xbd: {  	_ =	sdelay $0x1  }
0xbe: {  	[sflag:s13] =	ssyncset.done $0x0  }
0xbf: {  	s9 =	smov.u32 s10;
	[sflag:s13] =	ssyncadd.s32 $0xFFFFD800  }
0xc0: {  	_ =	sfence.sel $0x180000  }
0xc1: {  	[bflag:$0x0] =	sbarrier.arrive $0xFFFF  }
0xc2: {  	_ =	strace $0x90000047  }
0xc3: {  	s0 =	stileid.u32;
	[bflag:$0x2] =	sbarrier.arrive $0xFFFF  }
0xc4: {  	p0 =	sne.s32 s0, $0x0;
	s0 =	rddreg [dreg:$0x3]  }
0xc5: {  	s0 =	sadd.s32 @!p0 $0x100000, s0  }
0xc6: {  	[sflag:s0] =	ssyncadd.tile.s32 @!p0 $0x1;
	_ =	shalt  }
.Lfunc_end2:
_tile_overlayer_lowered:
.L_overlay_start_2:
0xc7: {  	(tag) =	ssettag $0x2  }
0xc8: {  	s0 =	rddreg [dreg:$0x0];
	s2 =	stileid.u32  }
0xc9: {  	s1 =	rddreg [dreg:$0x1];
	p0 =	sne.s32 s2, $0x0  }
0xca: {  	s3 =	rddreg [dreg:$0x2];
	[bflag:$0x3] =	sbarrier.arrive $0xFFFF;
	s2 =	simm.s32 @!p0 $0x1C03  }
0xcb: {  	[timem:s3], [sflag:s2] =	dma.local @!p0 [hbm:s0], s1  }
0xcc: {  	s0 =	simm.s32 @!p0 $0x3  }
0xcd: {  	_ =	swait.ge @!p0 [sflag:s0], s1  }
0xce: {  	s1 =	ssub.s32 @!p0 $0x0, s1;
	[sflag:s0] =	ssyncset.done @!p0 $0x0  }
0xcf: {  	[sflag:s0] =	ssyncadd.s32 @!p0 s1  }
0xd0: {  	[bflag:$0x3] =	sbarrier.arrive $0xFFFF  }
0xd1: {  	_ =	shalt  }

</sc_bundles>
